<compile_context>
chip_gen: v7x
topology: tpu7x:2x2x1
jax: 0.10.2.dev20260603
libtpu: 0.0.44.dev20260713+nightly
codegen_flags: <defaults>
</compile_context>

<pallas_src>
import functools

import jax
import jax.numpy as jnp
from jax import lax
from jax.experimental import pallas as pl
from jax.experimental.pallas import tpu as pltpu
from jax.experimental.pallas import tpu_sc as plsc

BETA = 0.25
_KT = 1024

_NW = 32


def _make_sc_gather(v, d, b):
    b_per_w = b // _NW
    mesh = plsc.VectorSubcoreMesh(core_axis_name="c", subcore_axis_name="s")

    @functools.partial(
        pl.kernel, mesh=mesh,
        out_type=jax.ShapeDtypeStruct((b, d), jnp.float32),
        scratch_types=[
            pltpu.VMEM((b_per_w,), jnp.int32),
            pltpu.VMEM((b_per_w, d), jnp.float32),
            pltpu.SemaphoreType.DMA,
        ],
    )
    def gather_kernel(table_hbm, idx_hbm, out_hbm, idx_v, rows_v, sem):
        wid = lax.axis_index("s") * 2 + lax.axis_index("c")
        base = wid * b_per_w
        pltpu.sync_copy(idx_hbm.at[pl.ds(base, b_per_w)], idx_v)
        pltpu.async_copy(table_hbm.at[idx_v], rows_v, sem).wait()
        pltpu.sync_copy(rows_v, out_hbm.at[pl.ds(base, b_per_w)])

    return gather_kernel


_MT = 1152


def _stage_body(rp_ref, zqp_ref, acc_ref, cb_ref, en_ref,
                idx_ref, r_ref, accn_ref, lp_ref, *, m, k, d):
    rp = rp_ref[...]
    zqp = zqp_ref[...]
    t = zqp - rp
    zq_st = rp + t
    r = rp - zq_st
    accn_ref[...] = acc_ref[...] + zq_st
    lp_ref[...] = jnp.sum(t * t).reshape(1, 1, 1)
    r_ref[...] = r

    rn = jnp.sum(r ** 2, axis=1, keepdims=True)
    r2 = r + r
    fiota = lax.broadcasted_iota(jnp.int32, (1, _KT), 1).astype(jnp.float32)
    nt = k // _KT

    mins = []
    args = []
    for kt in range(nt):
        cb_t = cb_ref[pl.ds(kt * _KT, _KT), :]
        en_t = en_ref[:, pl.ds(kt * _KT, _KT)]
        mm2 = lax.dot_general(
            r2, cb_t, (((1,), (1,)), ((), ())),
            preferred_element_type=jnp.float32)
        s = (rn + en_t) - mm2
        m_t = jnp.min(s, axis=1, keepdims=True)
        cand = jnp.where(s == m_t, fiota, jnp.float32(8192.0))
        i_t = jnp.min(cand, axis=1, keepdims=True) + jnp.float32(kt * _KT)
        mins.append(m_t)
        args.append(i_t)

    best_val, best_idx = mins[0], args[0]
    for kt in range(1, nt):
        upd = mins[kt] < best_val
        best_val = jnp.where(upd, mins[kt], best_val)
        best_idx = jnp.where(upd, args[kt], best_idx)

    idx_ref[...] = best_idx.astype(jnp.int32)


def _stage(rp, zqp, acc, cb, en):
    n, d = rp.shape
    k = cb.shape[0]
    body = functools.partial(_stage_body, m=_MT, k=k, d=d)
    return pl.pallas_call(
        body,
        grid=(n // _MT,),
        in_specs=[
            pl.BlockSpec((_MT, d), lambda i: (i, 0)),
            pl.BlockSpec((_MT, d), lambda i: (i, 0)),
            pl.BlockSpec((_MT, d), lambda i: (i, 0)),
            pl.BlockSpec((k, d), lambda i: (0, 0)),
            pl.BlockSpec((1, k), lambda i: (0, 0)),
        ],
        out_specs=(
            pl.BlockSpec((_MT, 1), lambda i: (i, 0)),
            pl.BlockSpec((_MT, d), lambda i: (i, 0)),
            pl.BlockSpec((_MT, d), lambda i: (i, 0)),
            pl.BlockSpec((1, 1, 1), lambda i: (i, 0, 0)),
        ),
        out_shape=(
            jax.ShapeDtypeStruct((n, 1), jnp.int32),
            jax.ShapeDtypeStruct((n, d), jnp.float32),
            jax.ShapeDtypeStruct((n, d), jnp.float32),
            jax.ShapeDtypeStruct((n // _MT, 1, 1), jnp.float32),
        ),
    )(rp, zqp, acc, cb, en)


def kernel(z, codebooks):
    B, T, D = z.shape
    zf = z.reshape(-1, D)
    n = zf.shape[0]
    en_all = jnp.sum(codebooks ** 2, axis=-1)
    nq = codebooks.shape[0]
    nelem = n * D

    sc_gather = _make_sc_gather(codebooks.shape[1], D, n)
    losses = []
    inds = []
    zeros = jnp.zeros_like(zf)
    residual, zq, z_q = zf, zeros, zeros
    for q in range(nq):
        emb = codebooks[q]
        idx2, residual, z_q, lparts = _stage(
            residual, zq, z_q, emb, en_all[q].reshape(1, -1))
        idx = idx2.reshape(-1)
        zq = sc_gather(emb, idx)
        if q > 0:
            m = jnp.sum(lparts) / nelem
            losses.append(m + BETA * m)
        inds.append(idx)
    t = zq - residual
    zq_st = residual + t
    z_q = z_q + zq_st
    m = jnp.sum(t * t) / nelem
    losses.append(m + BETA * m)
    mean_losses = jnp.stack(losses).mean()
    all_min_encoding_indices = jnp.stack(inds, axis=1)
    return z_q.reshape(B, T, D), mean_losses, all_min_encoding_indices

# --- scband reference (transcript-rebuilt; emitter-appended) ---
"""Pipeline reference for scband-residual-vector-quantizer-83923660964603 (READ-ONLY COPY).

The authoritative reference and input builder live on the scoring server;
editing this copy changes nothing except your own understanding.
"""

import jax, jax.numpy as jnp
import numpy as np

N_E = 8192
E_DIM = 256
NUM_Q = 8
BETA = 0.25


def setup_inputs(seed: int = 0) -> dict:
    key = jax.random.key(seed)
    k1, k2 = jax.random.split(key)
    z = jax.random.normal(k1, (4, 576, E_DIM), dtype=jnp.float32)
    codebooks = jax.random.normal(k2, (NUM_Q, N_E, E_DIM), dtype=jnp.float32) * 0.02
    return {"z": z, "codebooks": codebooks}


def _vq_layer(zf, emb):
    # zf: [N, d], emb: [K, d]
    d = (
        jnp.sum(zf ** 2, axis=1, keepdims=True)
        + jnp.sum(emb ** 2, axis=1)[None, :]
        - 2.0 * (zf @ emb.T)
    )
    idx = jnp.argmin(d, axis=1)
    zq = jnp.take(emb, idx, axis=0)
    loss = jnp.mean((jax.lax.stop_gradient(zq) - zf) ** 2) + BETA * jnp.mean(
        (zq - jax.lax.stop_gradient(zf)) ** 2
    )
    zq_st = zf + jax.lax.stop_gradient(zq - zf)  # straight-through
    return zq_st, loss, idx


def reference(z, codebooks):
    B, T, D = z.shape
    zf = z.reshape(-1, D)
    residual = zf
    z_q = jnp.zeros_like(zf)
    losses = []
    inds = []
    for q in range(codebooks.shape[0]):
        z_res, loss, idx = _vq_layer(residual, codebooks[q])
        residual = residual - z_res
        z_q = z_q + z_res
        losses.append(loss)
        inds.append(idx)
    mean_losses = jnp.stack(losses).mean()
    all_min_encoding_indices = jnp.stack(inds, axis=1)  # [N, NUM_Q]
    return z_q.reshape(B, T, D), mean_losses, all_min_encoding_indices

if __name__ == "__main__":
    import jax
    _d = setup_inputs()
    print(jax.jit(kernel)(*tuple(_d.values())))

</pallas_src>

<mosaic_0001>
#map = affine_map<(d0, d1) -> (0, 0)>
#map1 = affine_map<(d0, d1) -> (0)>
module attributes {stable_mosaic.version = 14 : i64} {
  func.func @gather_kernel(%arg0: i32, %arg1: i32, %arg2: memref<8192x256xf32, #tpu.memory_space<hbm>>, %arg3: memref<2304xi32, #tpu.memory_space<hbm>>, %arg4: memref<2304x256xf32, #tpu.memory_space<hbm>>, %arg5: memref<72xi32, #tpu.memory_space<vmem>>, %arg6: memref<72x256xf32, #tpu.memory_space<vmem>>, %arg7: memref<!tpu.dma_semaphore, #tpu.memory_space<semaphore_mem>>) attributes {dimension_semantics = [#tpu.dimension_semantics<core_parallel>, #tpu.dimension_semantics<subcore_parallel>], iteration_bounds = array<i64: 2, 16>, scalar_prefetch = 0 : i64, scratch_operands = 3 : i64, tpu.core_type = #tpu.core_type<sc_vector_subcore>, window_params = [{transform_indices = #map}, {transform_indices = #map1}, {transform_indices = #map}]} {
    %mul3A = arith.constant 2 : i32
    %mul3A_0 = arith.muli %arg1, %mul3A : i32
    %add3A = arith.addi %mul3A_0, %arg0 : i32
    %mul3A_1 = arith.constant 72 : i32
    %mul3A_2 = arith.muli %add3A, %mul3A_1 : i32
    "tpu.region"() ({
      %run_scoped3A = tpu.sem_alloc : memref<!tpu.dma_semaphore, #tpu.memory_space<semaphore_mem>>
      %dma_start3A_7 = tpu.memref_slice %arg3[%mul3A_2] : memref<2304xi32, #tpu.memory_space<hbm>> -> memref<72xi32, #tpu.memory_space<hbm>>
      %dma_start3A_8 = tpu.memref_slice %arg3[%mul3A_2] : memref<2304xi32, #tpu.memory_space<hbm>> -> memref<72xi32, #tpu.memory_space<hbm>>
      tpu.enqueue_dma source(%dma_start3A_8 : memref<72xi32, #tpu.memory_space<hbm>>) target(%arg5 : memref<72xi32, #tpu.memory_space<vmem>>) target_semaphore(%run_scoped3A : memref<!tpu.dma_semaphore, #tpu.memory_space<semaphore_mem>>)
      %dma_wait3A_9 = tpu.memref_slice %arg3[%mul3A_2] : memref<2304xi32, #tpu.memory_space<hbm>> -> memref<72xi32, #tpu.memory_space<hbm>>
      %dma_wait3A_10 = tpu.memref_slice %arg3[%mul3A_2] : memref<2304xi32, #tpu.memory_space<hbm>> -> memref<72xi32, #tpu.memory_space<hbm>>
      tpu.wait_dma2 semaphore(%run_scoped3A : memref<!tpu.dma_semaphore, #tpu.memory_space<semaphore_mem>>) src(%dma_wait3A_10 : memref<72xi32, #tpu.memory_space<hbm>>) dst(%arg5 : memref<72xi32, #tpu.memory_space<vmem>>)
      tpu.yield
    }) : () -> ()
    %dma_start3A = arith.constant 0 : i32
    %dma_start3A_3 = arith.constant 0 : i32
    %dma_start3A_4 = tpu.memref_slice %arg2[%dma_start3A, %dma_start3A_3] : memref<8192x256xf32, #tpu.memory_space<hbm>> -> memref<8192x256xf32, #tpu.memory_space<hbm>>
    tpu.enqueue_indirect_dma source(%dma_start3A_4 : memref<8192x256xf32, #tpu.memory_space<hbm>>) target(%arg6 : memref<72x256xf32, #tpu.memory_space<vmem>>) offsets(%arg5 : memref<72xi32, #tpu.memory_space<vmem>>) semaphore(%arg7 : memref<!tpu.dma_semaphore, #tpu.memory_space<semaphore_mem>>)
    %dma_wait3A = arith.constant 0 : i32
    %dma_wait3A_5 = arith.constant 0 : i32
    %dma_wait3A_6 = tpu.memref_slice %arg2[%dma_wait3A, %dma_wait3A_5] : memref<8192x256xf32, #tpu.memory_space<hbm>> -> memref<8192x256xf32, #tpu.memory_space<hbm>>
    tpu.wait_indirect_dma semaphore(%arg7 : memref<!tpu.dma_semaphore, #tpu.memory_space<semaphore_mem>>) src(%dma_wait3A_6 : memref<8192x256xf32, #tpu.memory_space<hbm>>) dst(%arg6 : memref<72x256xf32, #tpu.memory_space<vmem>>)
    "tpu.region"() ({
      %run_scoped3A = tpu.sem_alloc : memref<!tpu.dma_semaphore, #tpu.memory_space<semaphore_mem>>
      %dma_start3A_7 = arith.constant 0 : i32
      %dma_start3A_8 = tpu.memref_slice %arg4[%mul3A_2, %dma_start3A_7] : memref<2304x256xf32, #tpu.memory_space<hbm>> -> memref<72x256xf32, #tpu.memory_space<hbm>>
      %dma_start3A_9 = arith.constant 0 : i32
      %dma_start3A_10 = tpu.memref_slice %arg4[%mul3A_2, %dma_start3A_9] : memref<2304x256xf32, #tpu.memory_space<hbm>> -> memref<72x256xf32, #tpu.memory_space<hbm>>
      tpu.enqueue_dma source(%arg6 : memref<72x256xf32, #tpu.memory_space<vmem>>) target(%dma_start3A_10 : memref<72x256xf32, #tpu.memory_space<hbm>>) target_semaphore(%run_scoped3A : memref<!tpu.dma_semaphore, #tpu.memory_space<semaphore_mem>>)
      %dma_wait3A_11 = arith.constant 0 : i32
      %dma_wait3A_12 = tpu.memref_slice %arg4[%mul3A_2, %dma_wait3A_11] : memref<2304x256xf32, #tpu.memory_space<hbm>> -> memref<72x256xf32, #tpu.memory_space<hbm>>
      %dma_wait3A_13 = arith.constant 0 : i32
      %dma_wait3A_14 = tpu.memref_slice %arg4[%mul3A_2, %dma_wait3A_13] : memref<2304x256xf32, #tpu.memory_space<hbm>> -> memref<72x256xf32, #tpu.memory_space<hbm>>
      tpu.wait_dma2 semaphore(%run_scoped3A : memref<!tpu.dma_semaphore, #tpu.memory_space<semaphore_mem>>) src(%arg6 : memref<72x256xf32, #tpu.memory_space<vmem>>) dst(%dma_wait3A_14 : memref<72x256xf32, #tpu.memory_space<hbm>>)
      tpu.yield
    }) : () -> ()
    return
  }
}

#map = affine_map<(d0, d1) -> (0, 0)>
#map1 = affine_map<(d0, d1) -> (0)>
module attributes {stable_mosaic.version = 14 : i64} {
  func.func @gather_kernel(%arg0: i32, %arg1: i32, %arg2: memref<8192x256xf32, #tpu.memory_space<hbm>>, %arg3: memref<2304xi32, #tpu.memory_space<hbm>>, %arg4: memref<2304x256xf32, #tpu.memory_space<hbm>>, %arg5: memref<72xi32, #tpu.memory_space<vmem>>, %arg6: memref<72x256xf32, #tpu.memory_space<vmem>>, %arg7: memref<!tpu.dma_semaphore, #tpu.memory_space<semaphore_mem>>) attributes {dimension_semantics = [#tpu.dimension_semantics<core_parallel>, #tpu.dimension_semantics<subcore_parallel>], iteration_bounds = array<i64: 2, 16>, scalar_prefetch = 0 : i64, scratch_operands = 3 : i64, tpu.core_type = #tpu.core_type<sc_vector_subcore>, window_params = [{transform_indices = #map}, {transform_indices = #map1}, {transform_indices = #map}]} {
    %mul3A = arith.constant 2 : i32
    %mul3A_0 = arith.muli %arg1, %mul3A : i32
    %add3A = arith.addi %mul3A_0, %arg0 : i32
    %mul3A_1 = arith.constant 72 : i32
    %mul3A_2 = arith.muli %add3A, %mul3A_1 : i32
    "tpu.region"() ({
      %run_scoped3A = tpu.sem_alloc : memref<!tpu.dma_semaphore, #tpu.memory_space<semaphore_mem>>
      %dma_start3A_7 = tpu.memref_slice %arg3[%mul3A_2] : memref<2304xi32, #tpu.memory_space<hbm>> -> memref<72xi32, #tpu.memory_space<hbm>>
      %dma_start3A_8 = tpu.memref_slice %arg3[%mul3A_2] : memref<2304xi32, #tpu.memory_space<hbm>> -> memref<72xi32, #tpu.memory_space<hbm>>
      tpu.enqueue_dma source(%dma_start3A_8 : memref<72xi32, #tpu.memory_space<hbm>>) target(%arg5 : memref<72xi32, #tpu.memory_space<vmem>>) target_semaphore(%run_scoped3A : memref<!tpu.dma_semaphore, #tpu.memory_space<semaphore_mem>>)
      %dma_wait3A_9 = tpu.memref_slice %arg3[%mul3A_2] : memref<2304xi32, #tpu.memory_space<hbm>> -> memref<72xi32, #tpu.memory_space<hbm>>
      %dma_wait3A_10 = tpu.memref_slice %arg3[%mul3A_2] : memref<2304xi32, #tpu.memory_space<hbm>> -> memref<72xi32, #tpu.memory_space<hbm>>
      tpu.wait_dma2 semaphore(%run_scoped3A : memref<!tpu.dma_semaphore, #tpu.memory_space<semaphore_mem>>) src(%dma_wait3A_10 : memref<72xi32, #tpu.memory_space<hbm>>) dst(%arg5 : memref<72xi32, #tpu.memory_space<vmem>>)
      tpu.yield
    }) : () -> ()
    %dma_start3A = arith.constant 0 : i32
    %dma_start3A_3 = arith.constant 0 : i32
    %dma_start3A_4 = tpu.memref_slice %arg2[%dma_start3A, %dma_start3A_3] : memref<8192x256xf32, #tpu.memory_space<hbm>> -> memref<8192x256xf32, #tpu.memory_space<hbm>>
    tpu.enqueue_indirect_dma source(%dma_start3A_4 : memref<8192x256xf32, #tpu.memory_space<hbm>>) target(%arg6 : memref<72x256xf32, #tpu.memory_space<vmem>>) offsets(%arg5 : memref<72xi32, #tpu.memory_space<vmem>>) semaphore(%arg7 : memref<!tpu.dma_semaphore, #tpu.memory_space<semaphore_mem>>)
    %dma_wait3A = arith.constant 0 : i32
    %dma_wait3A_5 = arith.constant 0 : i32
    %dma_wait3A_6 = tpu.memref_slice %arg2[%dma_wait3A, %dma_wait3A_5] : memref<8192x256xf32, #tpu.memory_space<hbm>> -> memref<8192x256xf32, #tpu.memory_space<hbm>>
    tpu.wait_indirect_dma semaphore(%arg7 : memref<!tpu.dma_semaphore, #tpu.memory_space<semaphore_mem>>) src(%dma_wait3A_6 : memref<8192x256xf32, #tpu.memory_space<hbm>>) dst(%arg6 : memref<72x256xf32, #tpu.memory_space<vmem>>)
    "tpu.region"() ({
      %run_scoped3A = tpu.sem_alloc : memref<!tpu.dma_semaphore, #tpu.memory_space<semaphore_mem>>
      %dma_start3A_7 = arith.constant 0 : i32
      %dma_start3A_8 = tpu.memref_slice %arg4[%mul3A_2, %dma_start3A_7] : memref<2304x256xf32, #tpu.memory_space<hbm>> -> memref<72x256xf32, #tpu.memory_space<hbm>>
      %dma_start3A_9 = arith.constant 0 : i32
      %dma_start3A_10 = tpu.memref_slice %arg4[%mul3A_2, %dma_start3A_9] : memref<2304x256xf32, #tpu.memory_space<hbm>> -> memref<72x256xf32, #tpu.memory_space<hbm>>
      tpu.enqueue_dma source(%arg6 : memref<72x256xf32, #tpu.memory_space<vmem>>) target(%dma_start3A_10 : memref<72x256xf32, #tpu.memory_space<hbm>>) target_semaphore(%run_scoped3A : memref<!tpu.dma_semaphore, #tpu.memory_space<semaphore_mem>>)
      %dma_wait3A_11 = arith.constant 0 : i32
      %dma_wait3A_12 = tpu.memref_slice %arg4[%mul3A_2, %dma_wait3A_11] : memref<2304x256xf32, #tpu.memory_space<hbm>> -> memref<72x256xf32, #tpu.memory_space<hbm>>
      %dma_wait3A_13 = arith.constant 0 : i32
      %dma_wait3A_14 = tpu.memref_slice %arg4[%mul3A_2, %dma_wait3A_13] : memref<2304x256xf32, #tpu.memory_space<hbm>> -> memref<72x256xf32, #tpu.memory_space<hbm>>
      tpu.wait_dma2 semaphore(%run_scoped3A : memref<!tpu.dma_semaphore, #tpu.memory_space<semaphore_mem>>) src(%arg6 : memref<72x256xf32, #tpu.memory_space<vmem>>) dst(%dma_wait3A_14 : memref<72x256xf32, #tpu.memory_space<hbm>>)
      tpu.yield
    }) : () -> ()
    return
  }
}

#map = affine_map<(d0, d1) -> (0, 0)>
#map1 = affine_map<(d0, d1) -> (0)>
module attributes {stable_mosaic.version = 14 : i64} {
  func.func @gather_kernel(%arg0: i32, %arg1: i32, %arg2: memref<8192x256xf32, #tpu.memory_space<hbm>>, %arg3: memref<2304xi32, #tpu.memory_space<hbm>>, %arg4: memref<2304x256xf32, #tpu.memory_space<hbm>>, %arg5: memref<72xi32, #tpu.memory_space<vmem>>, %arg6: memref<72x256xf32, #tpu.memory_space<vmem>>, %arg7: memref<!tpu.dma_semaphore, #tpu.memory_space<semaphore_mem>>) attributes {dimension_semantics = [#tpu.dimension_semantics<core_parallel>, #tpu.dimension_semantics<subcore_parallel>], iteration_bounds = array<i64: 2, 16>, scalar_prefetch = 0 : i64, scratch_operands = 3 : i64, tpu.core_type = #tpu.core_type<sc_vector_subcore>, window_params = [{transform_indices = #map}, {transform_indices = #map1}, {transform_indices = #map}]} {
    %mul3A = arith.constant 2 : i32
    %mul3A_0 = arith.muli %arg1, %mul3A : i32
    %add3A = arith.addi %mul3A_0, %arg0 : i32
    %mul3A_1 = arith.constant 72 : i32
    %mul3A_2 = arith.muli %add3A, %mul3A_1 : i32
    "tpu.region"() ({
      %run_scoped3A = tpu.sem_alloc : memref<!tpu.dma_semaphore, #tpu.memory_space<semaphore_mem>>
      %dma_start3A_7 = tpu.memref_slice %arg3[%mul3A_2] : memref<2304xi32, #tpu.memory_space<hbm>> -> memref<72xi32, #tpu.memory_space<hbm>>
      %dma_start3A_8 = tpu.memref_slice %arg3[%mul3A_2] : memref<2304xi32, #tpu.memory_space<hbm>> -> memref<72xi32, #tpu.memory_space<hbm>>
      tpu.enqueue_dma source(%dma_start3A_8 : memref<72xi32, #tpu.memory_space<hbm>>) target(%arg5 : memref<72xi32, #tpu.memory_space<vmem>>) target_semaphore(%run_scoped3A : memref<!tpu.dma_semaphore, #tpu.memory_space<semaphore_mem>>)
      %dma_wait3A_9 = tpu.memref_slice %arg3[%mul3A_2] : memref<2304xi32, #tpu.memory_space<hbm>> -> memref<72xi32, #tpu.memory_space<hbm>>
      %dma_wait3A_10 = tpu.memref_slice %arg3[%mul3A_2] : memref<2304xi32, #tpu.memory_space<hbm>> -> memref<72xi32, #tpu.memory_space<hbm>>
      tpu.wait_dma2 semaphore(%run_scoped3A : memref<!tpu.dma_semaphore, #tpu.memory_space<semaphore_mem>>) src(%dma_wait3A_10 : memref<72xi32, #tpu.memory_space<hbm>>) dst(%arg5 : memref<72xi32, #tpu.memory_space<vmem>>)
      tpu.yield
    }) : () -> ()
    %dma_start3A = arith.constant 0 : i32
    %dma_start3A_3 = arith.constant 0 : i32
    %dma_start3A_4 = tpu.memref_slice %arg2[%dma_start3A, %dma_start3A_3] : memref<8192x256xf32, #tpu.memory_space<hbm>> -> memref<8192x256xf32, #tpu.memory_space<hbm>>
    tpu.enqueue_indirect_dma source(%dma_start3A_4 : memref<8192x256xf32, #tpu.memory_space<hbm>>) target(%arg6 : memref<72x256xf32, #tpu.memory_space<vmem>>) offsets(%arg5 : memref<72xi32, #tpu.memory_space<vmem>>) semaphore(%arg7 : memref<!tpu.dma_semaphore, #tpu.memory_space<semaphore_mem>>)
    %dma_wait3A = arith.constant 0 : i32
    %dma_wait3A_5 = arith.constant 0 : i32
    %dma_wait3A_6 = tpu.memref_slice %arg2[%dma_wait3A, %dma_wait3A_5] : memref<8192x256xf32, #tpu.memory_space<hbm>> -> memref<8192x256xf32, #tpu.memory_space<hbm>>
    tpu.wait_indirect_dma semaphore(%arg7 : memref<!tpu.dma_semaphore, #tpu.memory_space<semaphore_mem>>) src(%dma_wait3A_6 : memref<8192x256xf32, #tpu.memory_space<hbm>>) dst(%arg6 : memref<72x256xf32, #tpu.memory_space<vmem>>)
    "tpu.region"() ({
      %run_scoped3A = tpu.sem_alloc : memref<!tpu.dma_semaphore, #tpu.memory_space<semaphore_mem>>
      %dma_start3A_7 = arith.constant 0 : i32
      %dma_start3A_8 = tpu.memref_slice %arg4[%mul3A_2, %dma_start3A_7] : memref<2304x256xf32, #tpu.memory_space<hbm>> -> memref<72x256xf32, #tpu.memory_space<hbm>>
      %dma_start3A_9 = arith.constant 0 : i32
      %dma_start3A_10 = tpu.memref_slice %arg4[%mul3A_2, %dma_start3A_9] : memref<2304x256xf32, #tpu.memory_space<hbm>> -> memref<72x256xf32, #tpu.memory_space<hbm>>
      tpu.enqueue_dma source(%arg6 : memref<72x256xf32, #tpu.memory_space<vmem>>) target(%dma_start3A_10 : memref<72x256xf32, #tpu.memory_space<hbm>>) target_semaphore(%run_scoped3A : memref<!tpu.dma_semaphore, #tpu.memory_space<semaphore_mem>>)
      %dma_wait3A_11 = arith.constant 0 : i32
      %dma_wait3A_12 = tpu.memref_slice %arg4[%mul3A_2, %dma_wait3A_11] : memref<2304x256xf32, #tpu.memory_space<hbm>> -> memref<72x256xf32, #tpu.memory_space<hbm>>
      %dma_wait3A_13 = arith.constant 0 : i32
      %dma_wait3A_14 = tpu.memref_slice %arg4[%mul3A_2, %dma_wait3A_13] : memref<2304x256xf32, #tpu.memory_space<hbm>> -> memref<72x256xf32, #tpu.memory_space<hbm>>
      tpu.wait_dma2 semaphore(%run_scoped3A : memref<!tpu.dma_semaphore, #tpu.memory_space<semaphore_mem>>) src(%arg6 : memref<72x256xf32, #tpu.memory_space<vmem>>) dst(%dma_wait3A_14 : memref<72x256xf32, #tpu.memory_space<hbm>>)
      tpu.yield
    }) : () -> ()
    return
  }
}

#map = affine_map<(d0, d1) -> (0, 0)>
#map1 = affine_map<(d0, d1) -> (0)>
module attributes {stable_mosaic.version = 14 : i64} {
  func.func @gather_kernel(%arg0: i32, %arg1: i32, %arg2: memref<8192x256xf32, #tpu.memory_space<hbm>>, %arg3: memref<2304xi32, #tpu.memory_space<hbm>>, %arg4: memref<2304x256xf32, #tpu.memory_space<hbm>>, %arg5: memref<72xi32, #tpu.memory_space<vmem>>, %arg6: memref<72x256xf32, #tpu.memory_space<vmem>>, %arg7: memref<!tpu.dma_semaphore, #tpu.memory_space<semaphore_mem>>) attributes {dimension_semantics = [#tpu.dimension_semantics<core_parallel>, #tpu.dimension_semantics<subcore_parallel>], iteration_bounds = array<i64: 2, 16>, scalar_prefetch = 0 : i64, scratch_operands = 3 : i64, tpu.core_type = #tpu.core_type<sc_vector_subcore>, window_params = [{transform_indices = #map}, {transform_indices = #map1}, {transform_indices = #map}]} {
    %mul3A = arith.constant 2 : i32
    %mul3A_0 = arith.muli %arg1, %mul3A : i32
    %add3A = arith.addi %mul3A_0, %arg0 : i32
    %mul3A_1 = arith.constant 72 : i32
    %mul3A_2 = arith.muli %add3A, %mul3A_1 : i32
    "tpu.region"() ({
      %run_scoped3A = tpu.sem_alloc : memref<!tpu.dma_semaphore, #tpu.memory_space<semaphore_mem>>
      %dma_start3A_7 = tpu.memref_slice %arg3[%mul3A_2] : memref<2304xi32, #tpu.memory_space<hbm>> -> memref<72xi32, #tpu.memory_space<hbm>>
      %dma_start3A_8 = tpu.memref_slice %arg3[%mul3A_2] : memref<2304xi32, #tpu.memory_space<hbm>> -> memref<72xi32, #tpu.memory_space<hbm>>
      tpu.enqueue_dma source(%dma_start3A_8 : memref<72xi32, #tpu.memory_space<hbm>>) target(%arg5 : memref<72xi32, #tpu.memory_space<vmem>>) target_semaphore(%run_scoped3A : memref<!tpu.dma_semaphore, #tpu.memory_space<semaphore_mem>>)
      %dma_wait3A_9 = tpu.memref_slice %arg3[%mul3A_2] : memref<2304xi32, #tpu.memory_space<hbm>> -> memref<72xi32, #tpu.memory_space<hbm>>
      %dma_wait3A_10 = tpu.memref_slice %arg3[%mul3A_2] : memref<2304xi32, #tpu.memory_space<hbm>> -> memref<72xi32, #tpu.memory_space<hbm>>
      tpu.wait_dma2 semaphore(%run_scoped3A : memref<!tpu.dma_semaphore, #tpu.memory_space<semaphore_mem>>) src(%dma_wait3A_10 : memref<72xi32, #tpu.memory_space<hbm>>) dst(%arg5 : memref<72xi32, #tpu.memory_space<vmem>>)
      tpu.yield
    }) : () -> ()
    %dma_start3A = arith.constant 0 : i32
    %dma_start3A_3 = arith.constant 0 : i32
    %dma_start3A_4 = tpu.memref_slice %arg2[%dma_start3A, %dma_start3A_3] : memref<8192x256xf32, #tpu.memory_space<hbm>> -> memref<8192x256xf32, #tpu.memory_space<hbm>>
    tpu.enqueue_indirect_dma source(%dma_start3A_4 : memref<8192x256xf32, #tpu.memory_space<hbm>>) target(%arg6 : memref<72x256xf32, #tpu.memory_space<vmem>>) offsets(%arg5 : memref<72xi32, #tpu.memory_space<vmem>>) semaphore(%arg7 : memref<!tpu.dma_semaphore, #tpu.memory_space<semaphore_mem>>)
    %dma_wait3A = arith.constant 0 : i32
    %dma_wait3A_5 = arith.constant 0 : i32
    %dma_wait3A_6 = tpu.memref_slice %arg2[%dma_wait3A, %dma_wait3A_5] : memref<8192x256xf32, #tpu.memory_space<hbm>> -> memref<8192x256xf32, #tpu.memory_space<hbm>>
    tpu.wait_indirect_dma semaphore(%arg7 : memref<!tpu.dma_semaphore, #tpu.memory_space<semaphore_mem>>) src(%dma_wait3A_6 : memref<8192x256xf32, #tpu.memory_space<hbm>>) dst(%arg6 : memref<72x256xf32, #tpu.memory_space<vmem>>)
    "tpu.region"() ({
      %run_scoped3A = tpu.sem_alloc : memref<!tpu.dma_semaphore, #tpu.memory_space<semaphore_mem>>
      %dma_start3A_7 = arith.constant 0 : i32
      %dma_start3A_8 = tpu.memref_slice %arg4[%mul3A_2, %dma_start3A_7] : memref<2304x256xf32, #tpu.memory_space<hbm>> -> memref<72x256xf32, #tpu.memory_space<hbm>>
      %dma_start3A_9 = arith.constant 0 : i32
      %dma_start3A_10 = tpu.memref_slice %arg4[%mul3A_2, %dma_start3A_9] : memref<2304x256xf32, #tpu.memory_space<hbm>> -> memref<72x256xf32, #tpu.memory_space<hbm>>
      tpu.enqueue_dma source(%arg6 : memref<72x256xf32, #tpu.memory_space<vmem>>) target(%dma_start3A_10 : memref<72x256xf32, #tpu.memory_space<hbm>>) target_semaphore(%run_scoped3A : memref<!tpu.dma_semaphore, #tpu.memory_space<semaphore_mem>>)
      %dma_wait3A_11 = arith.constant 0 : i32
      %dma_wait3A_12 = tpu.memref_slice %arg4[%mul3A_2, %dma_wait3A_11] : memref<2304x256xf32, #tpu.memory_space<hbm>> -> memref<72x256xf32, #tpu.memory_space<hbm>>
      %dma_wait3A_13 = arith.constant 0 : i32
      %dma_wait3A_14 = tpu.memref_slice %arg4[%mul3A_2, %dma_wait3A_13] : memref<2304x256xf32, #tpu.memory_space<hbm>> -> memref<72x256xf32, #tpu.memory_space<hbm>>
      tpu.wait_dma2 semaphore(%run_scoped3A : memref<!tpu.dma_semaphore, #tpu.memory_space<semaphore_mem>>) src(%arg6 : memref<72x256xf32, #tpu.memory_space<vmem>>) dst(%dma_wait3A_14 : memref<72x256xf32, #tpu.memory_space<hbm>>)
      tpu.yield
    }) : () -> ()
    return
  }
}

#map = affine_map<(d0, d1) -> (0, 0)>
#map1 = affine_map<(d0, d1) -> (0)>
module attributes {stable_mosaic.version = 14 : i64} {
  func.func @gather_kernel(%arg0: i32, %arg1: i32, %arg2: memref<8192x256xf32, #tpu.memory_space<hbm>>, %arg3: memref<2304xi32, #tpu.memory_space<hbm>>, %arg4: memref<2304x256xf32, #tpu.memory_space<hbm>>, %arg5: memref<72xi32, #tpu.memory_space<vmem>>, %arg6: memref<72x256xf32, #tpu.memory_space<vmem>>, %arg7: memref<!tpu.dma_semaphore, #tpu.memory_space<semaphore_mem>>) attributes {dimension_semantics = [#tpu.dimension_semantics<core_parallel>, #tpu.dimension_semantics<subcore_parallel>], iteration_bounds = array<i64: 2, 16>, scalar_prefetch = 0 : i64, scratch_operands = 3 : i64, tpu.core_type = #tpu.core_type<sc_vector_subcore>, window_params = [{transform_indices = #map}, {transform_indices = #map1}, {transform_indices = #map}]} {
    %mul3A = arith.constant 2 : i32
    %mul3A_0 = arith.muli %arg1, %mul3A : i32
    %add3A = arith.addi %mul3A_0, %arg0 : i32
    %mul3A_1 = arith.constant 72 : i32
    %mul3A_2 = arith.muli %add3A, %mul3A_1 : i32
    "tpu.region"() ({
      %run_scoped3A = tpu.sem_alloc : memref<!tpu.dma_semaphore, #tpu.memory_space<semaphore_mem>>
      %dma_start3A_7 = tpu.memref_slice %arg3[%mul3A_2] : memref<2304xi32, #tpu.memory_space<hbm>> -> memref<72xi32, #tpu.memory_space<hbm>>
      %dma_start3A_8 = tpu.memref_slice %arg3[%mul3A_2] : memref<2304xi32, #tpu.memory_space<hbm>> -> memref<72xi32, #tpu.memory_space<hbm>>
      tpu.enqueue_dma source(%dma_start3A_8 : memref<72xi32, #tpu.memory_space<hbm>>) target(%arg5 : memref<72xi32, #tpu.memory_space<vmem>>) target_semaphore(%run_scoped3A : memref<!tpu.dma_semaphore, #tpu.memory_space<semaphore_mem>>)
      %dma_wait3A_9 = tpu.memref_slice %arg3[%mul3A_2] : memref<2304xi32, #tpu.memory_space<hbm>> -> memref<72xi32, #tpu.memory_space<hbm>>
      %dma_wait3A_10 = tpu.memref_slice %arg3[%mul3A_2] : memref<2304xi32, #tpu.memory_space<hbm>> -> memref<72xi32, #tpu.memory_space<hbm>>
      tpu.wait_dma2 semaphore(%run_scoped3A : memref<!tpu.dma_semaphore, #tpu.memory_space<semaphore_mem>>) src(%dma_wait3A_10 : memref<72xi32, #tpu.memory_space<hbm>>) dst(%arg5 : memref<72xi32, #tpu.memory_space<vmem>>)
      tpu.yield
    }) : () -> ()
    %dma_start3A = arith.constant 0 : i32
    %dma_start3A_3 = arith.constant 0 : i32
    %dma_start3A_4 = tpu.memref_slice %arg2[%dma_start3A, %dma_start3A_3] : memref<8192x256xf32, #tpu.memory_space<hbm>> -> memref<8192x256xf32, #tpu.memory_space<hbm>>
    tpu.enqueue_indirect_dma source(%dma_start3A_4 : memref<8192x256xf32, #tpu.memory_space<hbm>>) target(%arg6 : memref<72x256xf32, #tpu.memory_space<vmem>>) offsets(%arg5 : memref<72xi32, #tpu.memory_space<vmem>>) semaphore(%arg7 : memref<!tpu.dma_semaphore, #tpu.memory_space<semaphore_mem>>)
    %dma_wait3A = arith.constant 0 : i32
    %dma_wait3A_5 = arith.constant 0 : i32
    %dma_wait3A_6 = tpu.memref_slice %arg2[%dma_wait3A, %dma_wait3A_5] : memref<8192x256xf32, #tpu.memory_space<hbm>> -> memref<8192x256xf32, #tpu.memory_space<hbm>>
    tpu.wait_indirect_dma semaphore(%arg7 : memref<!tpu.dma_semaphore, #tpu.memory_space<semaphore_mem>>) src(%dma_wait3A_6 : memref<8192x256xf32, #tpu.memory_space<hbm>>) dst(%arg6 : memref<72x256xf32, #tpu.memory_space<vmem>>)
    "tpu.region"() ({
      %run_scoped3A = tpu.sem_alloc : memref<!tpu.dma_semaphore, #tpu.memory_space<semaphore_mem>>
      %dma_start3A_7 = arith.constant 0 : i32
      %dma_start3A_8 = tpu.memref_slice %arg4[%mul3A_2, %dma_start3A_7] : memref<2304x256xf32, #tpu.memory_space<hbm>> -> memref<72x256xf32, #tpu.memory_space<hbm>>
      %dma_start3A_9 = arith.constant 0 : i32
      %dma_start3A_10 = tpu.memref_slice %arg4[%mul3A_2, %dma_start3A_9] : memref<2304x256xf32, #tpu.memory_space<hbm>> -> memref<72x256xf32, #tpu.memory_space<hbm>>
      tpu.enqueue_dma source(%arg6 : memref<72x256xf32, #tpu.memory_space<vmem>>) target(%dma_start3A_10 : memref<72x256xf32, #tpu.memory_space<hbm>>) target_semaphore(%run_scoped3A : memref<!tpu.dma_semaphore, #tpu.memory_space<semaphore_mem>>)
      %dma_wait3A_11 = arith.constant 0 : i32
      %dma_wait3A_12 = tpu.memref_slice %arg4[%mul3A_2, %dma_wait3A_11] : memref<2304x256xf32, #tpu.memory_space<hbm>> -> memref<72x256xf32, #tpu.memory_space<hbm>>
      %dma_wait3A_13 = arith.constant 0 : i32
      %dma_wait3A_14 = tpu.memref_slice %arg4[%mul3A_2, %dma_wait3A_13] : memref<2304x256xf32, #tpu.memory_space<hbm>> -> memref<72x256xf32, #tpu.memory_space<hbm>>
      tpu.wait_dma2 semaphore(%run_scoped3A : memref<!tpu.dma_semaphore, #tpu.memory_space<semaphore_mem>>) src(%arg6 : memref<72x256xf32, #tpu.memory_space<vmem>>) dst(%dma_wait3A_14 : memref<72x256xf32, #tpu.memory_space<hbm>>)
      tpu.yield
    }) : () -> ()
    return
  }
}

#map = affine_map<(d0, d1) -> (0, 0)>
#map1 = affine_map<(d0, d1) -> (0)>
module attributes {stable_mosaic.version = 14 : i64} {
  func.func @gather_kernel(%arg0: i32, %arg1: i32, %arg2: memref<8192x256xf32, #tpu.memory_space<hbm>>, %arg3: memref<2304xi32, #tpu.memory_space<hbm>>, %arg4: memref<2304x256xf32, #tpu.memory_space<hbm>>, %arg5: memref<72xi32, #tpu.memory_space<vmem>>, %arg6: memref<72x256xf32, #tpu.memory_space<vmem>>, %arg7: memref<!tpu.dma_semaphore, #tpu.memory_space<semaphore_mem>>) attributes {dimension_semantics = [#tpu.dimension_semantics<core_parallel>, #tpu.dimension_semantics<subcore_parallel>], iteration_bounds = array<i64: 2, 16>, scalar_prefetch = 0 : i64, scratch_operands = 3 : i64, tpu.core_type = #tpu.core_type<sc_vector_subcore>, window_params = [{transform_indices = #map}, {transform_indices = #map1}, {transform_indices = #map}]} {
    %mul3A = arith.constant 2 : i32
    %mul3A_0 = arith.muli %arg1, %mul3A : i32
    %add3A = arith.addi %mul3A_0, %arg0 : i32
    %mul3A_1 = arith.constant 72 : i32
    %mul3A_2 = arith.muli %add3A, %mul3A_1 : i32
    "tpu.region"() ({
      %run_scoped3A = tpu.sem_alloc : memref<!tpu.dma_semaphore, #tpu.memory_space<semaphore_mem>>
      %dma_start3A_7 = tpu.memref_slice %arg3[%mul3A_2] : memref<2304xi32, #tpu.memory_space<hbm>> -> memref<72xi32, #tpu.memory_space<hbm>>
      %dma_start3A_8 = tpu.memref_slice %arg3[%mul3A_2] : memref<2304xi32, #tpu.memory_space<hbm>> -> memref<72xi32, #tpu.memory_space<hbm>>
      tpu.enqueue_dma source(%dma_start3A_8 : memref<72xi32, #tpu.memory_space<hbm>>) target(%arg5 : memref<72xi32, #tpu.memory_space<vmem>>) target_semaphore(%run_scoped3A : memref<!tpu.dma_semaphore, #tpu.memory_space<semaphore_mem>>)
      %dma_wait3A_9 = tpu.memref_slice %arg3[%mul3A_2] : memref<2304xi32, #tpu.memory_space<hbm>> -> memref<72xi32, #tpu.memory_space<hbm>>
      %dma_wait3A_10 = tpu.memref_slice %arg3[%mul3A_2] : memref<2304xi32, #tpu.memory_space<hbm>> -> memref<72xi32, #tpu.memory_space<hbm>>
      tpu.wait_dma2 semaphore(%run_scoped3A : memref<!tpu.dma_semaphore, #tpu.memory_space<semaphore_mem>>) src(%dma_wait3A_10 : memref<72xi32, #tpu.memory_space<hbm>>) dst(%arg5 : memref<72xi32, #tpu.memory_space<vmem>>)
      tpu.yield
    }) : () -> ()
    %dma_start3A = arith.constant 0 : i32
    %dma_start3A_3 = arith.constant 0 : i32
    %dma_start3A_4 = tpu.memref_slice %arg2[%dma_start3A, %dma_start3A_3] : memref<8192x256xf32, #tpu.memory_space<hbm>> -> memref<8192x256xf32, #tpu.memory_space<hbm>>
    tpu.enqueue_indirect_dma source(%dma_start3A_4 : memref<8192x256xf32, #tpu.memory_space<hbm>>) target(%arg6 : memref<72x256xf32, #tpu.memory_space<vmem>>) offsets(%arg5 : memref<72xi32, #tpu.memory_space<vmem>>) semaphore(%arg7 : memref<!tpu.dma_semaphore, #tpu.memory_space<semaphore_mem>>)
    %dma_wait3A = arith.constant 0 : i32
    %dma_wait3A_5 = arith.constant 0 : i32
    %dma_wait3A_6 = tpu.memref_slice %arg2[%dma_wait3A, %dma_wait3A_5] : memref<8192x256xf32, #tpu.memory_space<hbm>> -> memref<8192x256xf32, #tpu.memory_space<hbm>>
    tpu.wait_indirect_dma semaphore(%arg7 : memref<!tpu.dma_semaphore, #tpu.memory_space<semaphore_mem>>) src(%dma_wait3A_6 : memref<8192x256xf32, #tpu.memory_space<hbm>>) dst(%arg6 : memref<72x256xf32, #tpu.memory_space<vmem>>)
    "tpu.region"() ({
      %run_scoped3A = tpu.sem_alloc : memref<!tpu.dma_semaphore, #tpu.memory_space<semaphore_mem>>
      %dma_start3A_7 = arith.constant 0 : i32
      %dma_start3A_8 = tpu.memref_slice %arg4[%mul3A_2, %dma_start3A_7] : memref<2304x256xf32, #tpu.memory_space<hbm>> -> memref<72x256xf32, #tpu.memory_space<hbm>>
      %dma_start3A_9 = arith.constant 0 : i32
      %dma_start3A_10 = tpu.memref_slice %arg4[%mul3A_2, %dma_start3A_9] : memref<2304x256xf32, #tpu.memory_space<hbm>> -> memref<72x256xf32, #tpu.memory_space<hbm>>
      tpu.enqueue_dma source(%arg6 : memref<72x256xf32, #tpu.memory_space<vmem>>) target(%dma_start3A_10 : memref<72x256xf32, #tpu.memory_space<hbm>>) target_semaphore(%run_scoped3A : memref<!tpu.dma_semaphore, #tpu.memory_space<semaphore_mem>>)
      %dma_wait3A_11 = arith.constant 0 : i32
      %dma_wait3A_12 = tpu.memref_slice %arg4[%mul3A_2, %dma_wait3A_11] : memref<2304x256xf32, #tpu.memory_space<hbm>> -> memref<72x256xf32, #tpu.memory_space<hbm>>
      %dma_wait3A_13 = arith.constant 0 : i32
      %dma_wait3A_14 = tpu.memref_slice %arg4[%mul3A_2, %dma_wait3A_13] : memref<2304x256xf32, #tpu.memory_space<hbm>> -> memref<72x256xf32, #tpu.memory_space<hbm>>
      tpu.wait_dma2 semaphore(%run_scoped3A : memref<!tpu.dma_semaphore, #tpu.memory_space<semaphore_mem>>) src(%arg6 : memref<72x256xf32, #tpu.memory_space<vmem>>) dst(%dma_wait3A_14 : memref<72x256xf32, #tpu.memory_space<hbm>>)
      tpu.yield
    }) : () -> ()
    return
  }
}

#map = affine_map<(d0, d1) -> (0, 0)>
#map1 = affine_map<(d0, d1) -> (0)>
module attributes {stable_mosaic.version = 14 : i64} {
  func.func @gather_kernel(%arg0: i32, %arg1: i32, %arg2: memref<8192x256xf32, #tpu.memory_space<hbm>>, %arg3: memref<2304xi32, #tpu.memory_space<hbm>>, %arg4: memref<2304x256xf32, #tpu.memory_space<hbm>>, %arg5: memref<72xi32, #tpu.memory_space<vmem>>, %arg6: memref<72x256xf32, #tpu.memory_space<vmem>>, %arg7: memref<!tpu.dma_semaphore, #tpu.memory_space<semaphore_mem>>) attributes {dimension_semantics = [#tpu.dimension_semantics<core_parallel>, #tpu.dimension_semantics<subcore_parallel>], iteration_bounds = array<i64: 2, 16>, scalar_prefetch = 0 : i64, scratch_operands = 3 : i64, tpu.core_type = #tpu.core_type<sc_vector_subcore>, window_params = [{transform_indices = #map}, {transform_indices = #map1}, {transform_indices = #map}]} {
    %mul3A = arith.constant 2 : i32
    %mul3A_0 = arith.muli %arg1, %mul3A : i32
    %add3A = arith.addi %mul3A_0, %arg0 : i32
    %mul3A_1 = arith.constant 72 : i32
    %mul3A_2 = arith.muli %add3A, %mul3A_1 : i32
    "tpu.region"() ({
      %run_scoped3A = tpu.sem_alloc : memref<!tpu.dma_semaphore, #tpu.memory_space<semaphore_mem>>
      %dma_start3A_7 = tpu.memref_slice %arg3[%mul3A_2] : memref<2304xi32, #tpu.memory_space<hbm>> -> memref<72xi32, #tpu.memory_space<hbm>>
      %dma_start3A_8 = tpu.memref_slice %arg3[%mul3A_2] : memref<2304xi32, #tpu.memory_space<hbm>> -> memref<72xi32, #tpu.memory_space<hbm>>
      tpu.enqueue_dma source(%dma_start3A_8 : memref<72xi32, #tpu.memory_space<hbm>>) target(%arg5 : memref<72xi32, #tpu.memory_space<vmem>>) target_semaphore(%run_scoped3A : memref<!tpu.dma_semaphore, #tpu.memory_space<semaphore_mem>>)
      %dma_wait3A_9 = tpu.memref_slice %arg3[%mul3A_2] : memref<2304xi32, #tpu.memory_space<hbm>> -> memref<72xi32, #tpu.memory_space<hbm>>
      %dma_wait3A_10 = tpu.memref_slice %arg3[%mul3A_2] : memref<2304xi32, #tpu.memory_space<hbm>> -> memref<72xi32, #tpu.memory_space<hbm>>
      tpu.wait_dma2 semaphore(%run_scoped3A : memref<!tpu.dma_semaphore, #tpu.memory_space<semaphore_mem>>) src(%dma_wait3A_10 : memref<72xi32, #tpu.memory_space<hbm>>) dst(%arg5 : memref<72xi32, #tpu.memory_space<vmem>>)
      tpu.yield
    }) : () -> ()
    %dma_start3A = arith.constant 0 : i32
    %dma_start3A_3 = arith.constant 0 : i32
    %dma_start3A_4 = tpu.memref_slice %arg2[%dma_start3A, %dma_start3A_3] : memref<8192x256xf32, #tpu.memory_space<hbm>> -> memref<8192x256xf32, #tpu.memory_space<hbm>>
    tpu.enqueue_indirect_dma source(%dma_start3A_4 : memref<8192x256xf32, #tpu.memory_space<hbm>>) target(%arg6 : memref<72x256xf32, #tpu.memory_space<vmem>>) offsets(%arg5 : memref<72xi32, #tpu.memory_space<vmem>>) semaphore(%arg7 : memref<!tpu.dma_semaphore, #tpu.memory_space<semaphore_mem>>)
    %dma_wait3A = arith.constant 0 : i32
    %dma_wait3A_5 = arith.constant 0 : i32
    %dma_wait3A_6 = tpu.memref_slice %arg2[%dma_wait3A, %dma_wait3A_5] : memref<8192x256xf32, #tpu.memory_space<hbm>> -> memref<8192x256xf32, #tpu.memory_space<hbm>>
    tpu.wait_indirect_dma semaphore(%arg7 : memref<!tpu.dma_semaphore, #tpu.memory_space<semaphore_mem>>) src(%dma_wait3A_6 : memref<8192x256xf32, #tpu.memory_space<hbm>>) dst(%arg6 : memref<72x256xf32, #tpu.memory_space<vmem>>)
    "tpu.region"() ({
      %run_scoped3A = tpu.sem_alloc : memref<!tpu.dma_semaphore, #tpu.memory_space<semaphore_mem>>
      %dma_start3A_7 = arith.constant 0 : i32
      %dma_start3A_8 = tpu.memref_slice %arg4[%mul3A_2, %dma_start3A_7] : memref<2304x256xf32, #tpu.memory_space<hbm>> -> memref<72x256xf32, #tpu.memory_space<hbm>>
      %dma_start3A_9 = arith.constant 0 : i32
      %dma_start3A_10 = tpu.memref_slice %arg4[%mul3A_2, %dma_start3A_9] : memref<2304x256xf32, #tpu.memory_space<hbm>> -> memref<72x256xf32, #tpu.memory_space<hbm>>
      tpu.enqueue_dma source(%arg6 : memref<72x256xf32, #tpu.memory_space<vmem>>) target(%dma_start3A_10 : memref<72x256xf32, #tpu.memory_space<hbm>>) target_semaphore(%run_scoped3A : memref<!tpu.dma_semaphore, #tpu.memory_space<semaphore_mem>>)
      %dma_wait3A_11 = arith.constant 0 : i32
      %dma_wait3A_12 = tpu.memref_slice %arg4[%mul3A_2, %dma_wait3A_11] : memref<2304x256xf32, #tpu.memory_space<hbm>> -> memref<72x256xf32, #tpu.memory_space<hbm>>
      %dma_wait3A_13 = arith.constant 0 : i32
      %dma_wait3A_14 = tpu.memref_slice %arg4[%mul3A_2, %dma_wait3A_13] : memref<2304x256xf32, #tpu.memory_space<hbm>> -> memref<72x256xf32, #tpu.memory_space<hbm>>
      tpu.wait_dma2 semaphore(%run_scoped3A : memref<!tpu.dma_semaphore, #tpu.memory_space<semaphore_mem>>) src(%arg6 : memref<72x256xf32, #tpu.memory_space<vmem>>) dst(%dma_wait3A_14 : memref<72x256xf32, #tpu.memory_space<hbm>>)
      tpu.yield
    }) : () -> ()
    return
  }
}

#map = affine_map<(d0, d1) -> (0, 0)>
#map1 = affine_map<(d0, d1) -> (0)>
module attributes {stable_mosaic.version = 14 : i64} {
  func.func @gather_kernel(%arg0: i32, %arg1: i32, %arg2: memref<8192x256xf32, #tpu.memory_space<hbm>>, %arg3: memref<2304xi32, #tpu.memory_space<hbm>>, %arg4: memref<2304x256xf32, #tpu.memory_space<hbm>>, %arg5: memref<72xi32, #tpu.memory_space<vmem>>, %arg6: memref<72x256xf32, #tpu.memory_space<vmem>>, %arg7: memref<!tpu.dma_semaphore, #tpu.memory_space<semaphore_mem>>) attributes {dimension_semantics = [#tpu.dimension_semantics<core_parallel>, #tpu.dimension_semantics<subcore_parallel>], iteration_bounds = array<i64: 2, 16>, scalar_prefetch = 0 : i64, scratch_operands = 3 : i64, tpu.core_type = #tpu.core_type<sc_vector_subcore>, window_params = [{transform_indices = #map}, {transform_indices = #map1}, {transform_indices = #map}]} {
    %mul3A = arith.constant 2 : i32
    %mul3A_0 = arith.muli %arg1, %mul3A : i32
    %add3A = arith.addi %mul3A_0, %arg0 : i32
    %mul3A_1 = arith.constant 72 : i32
    %mul3A_2 = arith.muli %add3A, %mul3A_1 : i32
    "tpu.region"() ({
      %run_scoped3A = tpu.sem_alloc : memref<!tpu.dma_semaphore, #tpu.memory_space<semaphore_mem>>
      %dma_start3A_7 = tpu.memref_slice %arg3[%mul3A_2] : memref<2304xi32, #tpu.memory_space<hbm>> -> memref<72xi32, #tpu.memory_space<hbm>>
      %dma_start3A_8 = tpu.memref_slice %arg3[%mul3A_2] : memref<2304xi32, #tpu.memory_space<hbm>> -> memref<72xi32, #tpu.memory_space<hbm>>
      tpu.enqueue_dma source(%dma_start3A_8 : memref<72xi32, #tpu.memory_space<hbm>>) target(%arg5 : memref<72xi32, #tpu.memory_space<vmem>>) target_semaphore(%run_scoped3A : memref<!tpu.dma_semaphore, #tpu.memory_space<semaphore_mem>>)
      %dma_wait3A_9 = tpu.memref_slice %arg3[%mul3A_2] : memref<2304xi32, #tpu.memory_space<hbm>> -> memref<72xi32, #tpu.memory_space<hbm>>
      %dma_wait3A_10 = tpu.memref_slice %arg3[%mul3A_2] : memref<2304xi32, #tpu.memory_space<hbm>> -> memref<72xi32, #tpu.memory_space<hbm>>
      tpu.wait_dma2 semaphore(%run_scoped3A : memref<!tpu.dma_semaphore, #tpu.memory_space<semaphore_mem>>) src(%dma_wait3A_10 : memref<72xi32, #tpu.memory_space<hbm>>) dst(%arg5 : memref<72xi32, #tpu.memory_space<vmem>>)
      tpu.yield
    }) : () -> ()
    %dma_start3A = arith.constant 0 : i32
    %dma_start3A_3 = arith.constant 0 : i32
    %dma_start3A_4 = tpu.memref_slice %arg2[%dma_start3A, %dma_start3A_3] : memref<8192x256xf32, #tpu.memory_space<hbm>> -> memref<8192x256xf32, #tpu.memory_space<hbm>>
    tpu.enqueue_indirect_dma source(%dma_start3A_4 : memref<8192x256xf32, #tpu.memory_space<hbm>>) target(%arg6 : memref<72x256xf32, #tpu.memory_space<vmem>>) offsets(%arg5 : memref<72xi32, #tpu.memory_space<vmem>>) semaphore(%arg7 : memref<!tpu.dma_semaphore, #tpu.memory_space<semaphore_mem>>)
    %dma_wait3A = arith.constant 0 : i32
    %dma_wait3A_5 = arith.constant 0 : i32
    %dma_wait3A_6 = tpu.memref_slice %arg2[%dma_wait3A, %dma_wait3A_5] : memref<8192x256xf32, #tpu.memory_space<hbm>> -> memref<8192x256xf32, #tpu.memory_space<hbm>>
    tpu.wait_indirect_dma semaphore(%arg7 : memref<!tpu.dma_semaphore, #tpu.memory_space<semaphore_mem>>) src(%dma_wait3A_6 : memref<8192x256xf32, #tpu.memory_space<hbm>>) dst(%arg6 : memref<72x256xf32, #tpu.memory_space<vmem>>)
    "tpu.region"() ({
      %run_scoped3A = tpu.sem_alloc : memref<!tpu.dma_semaphore, #tpu.memory_space<semaphore_mem>>
      %dma_start3A_7 = arith.constant 0 : i32
      %dma_start3A_8 = tpu.memref_slice %arg4[%mul3A_2, %dma_start3A_7] : memref<2304x256xf32, #tpu.memory_space<hbm>> -> memref<72x256xf32, #tpu.memory_space<hbm>>
      %dma_start3A_9 = arith.constant 0 : i32
      %dma_start3A_10 = tpu.memref_slice %arg4[%mul3A_2, %dma_start3A_9] : memref<2304x256xf32, #tpu.memory_space<hbm>> -> memref<72x256xf32, #tpu.memory_space<hbm>>
      tpu.enqueue_dma source(%arg6 : memref<72x256xf32, #tpu.memory_space<vmem>>) target(%dma_start3A_10 : memref<72x256xf32, #tpu.memory_space<hbm>>) target_semaphore(%run_scoped3A : memref<!tpu.dma_semaphore, #tpu.memory_space<semaphore_mem>>)
      %dma_wait3A_11 = arith.constant 0 : i32
      %dma_wait3A_12 = tpu.memref_slice %arg4[%mul3A_2, %dma_wait3A_11] : memref<2304x256xf32, #tpu.memory_space<hbm>> -> memref<72x256xf32, #tpu.memory_space<hbm>>
      %dma_wait3A_13 = arith.constant 0 : i32
      %dma_wait3A_14 = tpu.memref_slice %arg4[%mul3A_2, %dma_wait3A_13] : memref<2304x256xf32, #tpu.memory_space<hbm>> -> memref<72x256xf32, #tpu.memory_space<hbm>>
      tpu.wait_dma2 semaphore(%run_scoped3A : memref<!tpu.dma_semaphore, #tpu.memory_space<semaphore_mem>>) src(%arg6 : memref<72x256xf32, #tpu.memory_space<vmem>>) dst(%dma_wait3A_14 : memref<72x256xf32, #tpu.memory_space<hbm>>)
      tpu.yield
    }) : () -> ()
    return
  }
}

module attributes {stable_mosaic.version = 14 : i64} {
  func.func @_stage_body(%arg0: i32, %arg1: memref<1152x256xf32, #tpu.memory_space<vmem>>, %arg2: memref<1152x256xf32, #tpu.memory_space<vmem>>, %arg3: memref<1152x256xf32, #tpu.memory_space<vmem>>, %arg4: memref<8192x256xf32, #tpu.memory_space<vmem>>, %arg5: memref<1x8192xf32, #tpu.memory_space<vmem>>, %arg6: memref<1152x1xi32, #tpu.memory_space<vmem>>, %arg7: memref<1152x256xf32, #tpu.memory_space<vmem>>, %arg8: memref<1152x256xf32, #tpu.memory_space<vmem>>, %arg9: memref<1x1x1xf32, #tpu.memory_space<vmem>>) attributes {dimension_semantics = [#tpu.dimension_semantics<arbitrary>], iteration_bounds = array<i64: 2>, scalar_prefetch = 0 : i64, scratch_operands = 0 : i64, tpu.core_type = #tpu.core_type<tc>, window_params = [{transform_indices = @transform_0, window_bounds = array<i64: 1152, 256>}, {transform_indices = @transform_1, window_bounds = array<i64: 1152, 256>}, {transform_indices = @transform_2, window_bounds = array<i64: 1152, 256>}, {pipeline_mode = #tpu.pipeline_mode<synchronous>, transform_indices = @transform_3, window_bounds = array<i64: 8192, 256>}, {pipeline_mode = #tpu.pipeline_mode<synchronous>, transform_indices = @transform_4, window_bounds = array<i64: 1, 8192>}, {transform_indices = @transform_5, window_bounds = array<i64: 1152, 1>}, {transform_indices = @transform_6, window_bounds = array<i64: 1152, 256>}, {transform_indices = @transform_7, window_bounds = array<i64: 1152, 256>}, {transform_indices = @transform_8, window_bounds = array<i64: 1, 1, 1>}]} {
    %get3A = arith.constant 0 : index
    %get3A_0 = arith.constant 0 : index
    %get3A_1 = vector.load %arg1[%get3A, %get3A_0] : memref<1152x256xf32, #tpu.memory_space<vmem>>, vector<1152x256xf32>
    %get3A_2 = arith.constant 0 : index
    %get3A_3 = arith.constant 0 : index
    %get3A_4 = vector.load %arg2[%get3A_2, %get3A_3] : memref<1152x256xf32, #tpu.memory_space<vmem>>, vector<1152x256xf32>
    %sub3A = arith.subf %get3A_4, %get3A_1 : vector<1152x256xf32>
    %add3A = arith.addf %get3A_1, %sub3A : vector<1152x256xf32>
    %sub3A_5 = arith.subf %get3A_1, %add3A : vector<1152x256xf32>
    %get3A_6 = arith.constant 0 : index
    %get3A_7 = arith.constant 0 : index
    %get3A_8 = vector.load %arg3[%get3A_6, %get3A_7] : memref<1152x256xf32, #tpu.memory_space<vmem>>, vector<1152x256xf32>
    %add3A_9 = arith.addf %get3A_8, %add3A : vector<1152x256xf32>
    %swap3A = arith.constant 0 : index
    %swap3A_10 = arith.constant 0 : index
    %swap3A_11 = vector.load %arg8[%swap3A, %swap3A_10] : memref<1152x256xf32, #tpu.memory_space<vmem>>, vector<1152x256xf32>
    tpu.vector_store %arg8[%swap3A, %swap3A_10], %add3A_9 {strides = array<i32>} : memref<1152x256xf32, #tpu.memory_space<vmem>>, vector<1152x256xf32>,
    %mul3A = arith.mulf %sub3A, %sub3A : vector<1152x256xf32>
    %reduce_sum3A = vector.shape_cast %mul3A : vector<1152x256xf32> to vector<1x1152x256xf32>
    %reduce_sum3A_12 = arith.constant dense<0.000000e+00> : vector<1xf32>
    %reduce_sum3A_13 = vector.multi_reduction <add>, %reduce_sum3A, %reduce_sum3A_12 [1, 2] : vector<1x1152x256xf32> to vector<1xf32>
    %reduce_sum3A_14 = vector.shape_cast %reduce_sum3A_13 : vector<1xf32> to vector<1x1x1xf32>
    %reduce_sum3A_15 = vector.extract %reduce_sum3A_14[0, 0, 0] : f32 from vector<1x1x1xf32>
    %reshape3A = vector.broadcast %reduce_sum3A_15 : f32 to vector<1x1x1xf32>
    %swap3A_16 = arith.constant 0 : index
    %swap3A_17 = arith.constant 0 : index
    %swap3A_18 = arith.constant 0 : index
    %swap3A_19 = vector.load %arg9[%swap3A_16, %swap3A_17, %swap3A_18] : memref<1x1x1xf32, #tpu.memory_space<vmem>>, vector<1x1x1xf32>
    tpu.vector_store %arg9[%swap3A_16, %swap3A_17, %swap3A_18], %reshape3A {strides = array<i32>} : memref<1x1x1xf32, #tpu.memory_space<vmem>>, vector<1x1x1xf32>,
    %swap3A_20 = arith.constant 0 : index
    %swap3A_21 = arith.constant 0 : index
    %swap3A_22 = vector.load %arg7[%swap3A_20, %swap3A_21] : memref<1152x256xf32, #tpu.memory_space<vmem>>, vector<1152x256xf32>
    tpu.vector_store %arg7[%swap3A_20, %swap3A_21], %sub3A_5 {strides = array<i32>} : memref<1152x256xf32, #tpu.memory_space<vmem>>, vector<1152x256xf32>,
    %integer_pow3A = arith.mulf %sub3A_5, %sub3A_5 : vector<1152x256xf32>
    %reduce_sum3A_23 = arith.constant dense<0.000000e+00> : vector<1152xf32>
    %reduce_sum3A_24 = vector.multi_reduction <add>, %integer_pow3A, %reduce_sum3A_23 [1] : vector<1152x256xf32> to vector<1152xf32>
    %broadcast_in_dim3A = vector.shape_cast %reduce_sum3A_24 : vector<1152xf32> to vector<1152x1xf32>
    %add3A_25 = arith.addf %sub3A_5, %sub3A_5 : vector<1152x256xf32>
    %iota3A = tpu.iota {dimensions = array<i32: 1>} : vector<1x1024xi32>
    %convert_element_type3A = arith.sitofp %iota3A : vector<1x1024xi32> to vector<1x1024xf32>
    %get3A_26 = arith.constant 0 : index
    %get3A_27 = arith.constant 0 : index
    %get3A_28 = vector.load %arg4[%get3A_26, %get3A_27] : memref<8192x256xf32, #tpu.memory_space<vmem>>, vector<1024x256xf32>
    %get3A_29 = arith.constant 0 : index
    %get3A_30 = arith.constant 0 : index
    %get3A_31 = vector.load %arg5[%get3A_29, %get3A_30] : memref<1x8192xf32, #tpu.memory_space<vmem>>, vector<1x1024xf32>
    %dot_general3A = arith.constant dense<0.000000e+00> : vector<1152x1024xf32>
    %dot_general3A_32 = tpu.matmul %add3A_25, %get3A_28, %dot_general3A {dimension_numbers = #tpu.dot_dimension_numbers<[1], [1], [0], [0], [0, 0, 1, 0], [], []>, transpose_lhs_hint = false} : vector<1152x256xf32>, vector<1024x256xf32>, vector<1152x1024xf32> -> vector<1152x1024xf32>
    %add3A_33 = vector.broadcast %broadcast_in_dim3A : vector<1152x1xf32> to vector<1152x1024xf32>
    %add3A_34 = vector.broadcast %get3A_31 : vector<1x1024xf32> to vector<1152x1024xf32>
    %add3A_35 = arith.addf %add3A_33, %add3A_34 : vector<1152x1024xf32>
    %sub3A_36 = arith.subf %add3A_35, %dot_general3A_32 : vector<1152x1024xf32>
    %reduce_min3A = arith.constant dense<0x7F800000> : vector<1152xf32>
    %reduce_min3A_37 = vector.multi_reduction <minimumf>, %sub3A_36, %reduce_min3A [1] : vector<1152x1024xf32> to vector<1152xf32>
    %broadcast_in_dim3A_38 = vector.shape_cast %reduce_min3A_37 : vector<1152xf32> to vector<1152x1xf32>
    %eq3A = vector.broadcast %broadcast_in_dim3A_38 : vector<1152x1xf32> to vector<1152x1024xf32>
    %eq3A_39 = arith.cmpf oeq, %sub3A_36, %eq3A : vector<1152x1024xf32>
    %jit3A = arith.constant 8.192000e+03 : f32
    %broadcast_in_dim3A_40 = vector.shape_cast %convert_element_type3A : vector<1x1024xf32> to vector<1x1024xf32>
    %broadcast_in_dim3A_41 = vector.broadcast %broadcast_in_dim3A_40 : vector<1x1024xf32> to vector<1152x1024xf32>
    %broadcast_in_dim3A_42 = vector.broadcast %jit3A : f32 to vector<1152x1024xf32>
    %select_n3A = arith.select %eq3A_39, %broadcast_in_dim3A_41, %broadcast_in_dim3A_42 : vector<1152x1024xi1>, vector<1152x1024xf32>
    %reduce_min3A_43 = arith.constant dense<0x7F800000> : vector<1152xf32>
    %reduce_min3A_44 = vector.multi_reduction <minimumf>, %select_n3A, %reduce_min3A_43 [1] : vector<1152x1024xf32> to vector<1152xf32>
    %broadcast_in_dim3A_45 = vector.shape_cast %reduce_min3A_44 : vector<1152xf32> to vector<1152x1xf32>
    %add3A_46 = arith.constant 0.000000e+00 : f32
    %add3A_47 = vector.broadcast %add3A_46 : f32 to vector<1152x1xf32>
    %add3A_48 = arith.addf %broadcast_in_dim3A_45, %add3A_47 : vector<1152x1xf32>
    %get3A_49 = arith.constant 1024 : index
    %get3A_50 = arith.constant 0 : index
    %get3A_51 = vector.load %arg4[%get3A_49, %get3A_50] : memref<8192x256xf32, #tpu.memory_space<vmem>>, vector<1024x256xf32>
    %get3A_52 = arith.constant 0 : index
    %get3A_53 = arith.constant 1024 : index
    %get3A_54 = vector.load %arg5[%get3A_52, %get3A_53] : memref<1x8192xf32, #tpu.memory_space<vmem>>, vector<1x1024xf32>
    %dot_general3A_55 = arith.constant dense<0.000000e+00> : vector<1152x1024xf32>
    %dot_general3A_56 = tpu.matmul %add3A_25, %get3A_51, %dot_general3A_55 {dimension_numbers = #tpu.dot_dimension_numbers<[1], [1], [0], [0], [0, 0, 1, 0], [], []>, transpose_lhs_hint = false} : vector<1152x256xf32>, vector<1024x256xf32>, vector<1152x1024xf32> -> vector<1152x1024xf32>
    %add3A_57 = vector.broadcast %broadcast_in_dim3A : vector<1152x1xf32> to vector<1152x1024xf32>
    %add3A_58 = vector.broadcast %get3A_54 : vector<1x1024xf32> to vector<1152x1024xf32>
    %add3A_59 = arith.addf %add3A_57, %add3A_58 : vector<1152x1024xf32>
    %sub3A_60 = arith.subf %add3A_59, %dot_general3A_56 : vector<1152x1024xf32>
    %reduce_min3A_61 = arith.constant dense<0x7F800000> : vector<1152xf32>
    %reduce_min3A_62 = vector.multi_reduction <minimumf>, %sub3A_60, %reduce_min3A_61 [1] : vector<1152x1024xf32> to vector<1152xf32>
    %broadcast_in_dim3A_63 = vector.shape_cast %reduce_min3A_62 : vector<1152xf32> to vector<1152x1xf32>
    %eq3A_64 = vector.broadcast %broadcast_in_dim3A_63 : vector<1152x1xf32> to vector<1152x1024xf32>
    %eq3A_65 = arith.cmpf oeq, %sub3A_60, %eq3A_64 : vector<1152x1024xf32>
    %jit3A_66 = arith.constant 8.192000e+03 : f32
    %broadcast_in_dim3A_67 = vector.shape_cast %convert_element_type3A : vector<1x1024xf32> to vector<1x1024xf32>
    %broadcast_in_dim3A_68 = vector.broadcast %broadcast_in_dim3A_67 : vector<1x1024xf32> to vector<1152x1024xf32>
    %broadcast_in_dim3A_69 = vector.broadcast %jit3A_66 : f32 to vector<1152x1024xf32>
    %select_n3A_70 = arith.select %eq3A_65, %broadcast_in_dim3A_68, %broadcast_in_dim3A_69 : vector<1152x1024xi1>, vector<1152x1024xf32>
    %reduce_min3A_71 = arith.constant dense<0x7F800000> : vector<1152xf32>
    %reduce_min3A_72 = vector.multi_reduction <minimumf>, %select_n3A_70, %reduce_min3A_71 [1] : vector<1152x1024xf32> to vector<1152xf32>
    %broadcast_in_dim3A_73 = vector.shape_cast %reduce_min3A_72 : vector<1152xf32> to vector<1152x1xf32>
    %add3A_74 = arith.constant 1.024000e+03 : f32
    %add3A_75 = vector.broadcast %add3A_74 : f32 to vector<1152x1xf32>
    %add3A_76 = arith.addf %broadcast_in_dim3A_73, %add3A_75 : vector<1152x1xf32>
    %get3A_77 = arith.constant 2048 : index
    %get3A_78 = arith.constant 0 : index
    %get3A_79 = vector.load %arg4[%get3A_77, %get3A_78] : memref<8192x256xf32, #tpu.memory_space<vmem>>, vector<1024x256xf32>
    %get3A_80 = arith.constant 0 : index
    %get3A_81 = arith.constant 2048 : index
    %get3A_82 = vector.load %arg5[%get3A_80, %get3A_81] : memref<1x8192xf32, #tpu.memory_space<vmem>>, vector<1x1024xf32>
    %dot_general3A_83 = arith.constant dense<0.000000e+00> : vector<1152x1024xf32>
    %dot_general3A_84 = tpu.matmul %add3A_25, %get3A_79, %dot_general3A_83 {dimension_numbers = #tpu.dot_dimension_numbers<[1], [1], [0], [0], [0, 0, 1, 0], [], []>, transpose_lhs_hint = false} : vector<1152x256xf32>, vector<1024x256xf32>, vector<1152x1024xf32> -> vector<1152x1024xf32>
    %add3A_85 = vector.broadcast %broadcast_in_dim3A : vector<1152x1xf32> to vector<1152x1024xf32>
    %add3A_86 = vector.broadcast %get3A_82 : vector<1x1024xf32> to vector<1152x1024xf32>
    %add3A_87 = arith.addf %add3A_85, %add3A_86 : vector<1152x1024xf32>
    %sub3A_88 = arith.subf %add3A_87, %dot_general3A_84 : vector<1152x1024xf32>
    %reduce_min3A_89 = arith.constant dense<0x7F800000> : vector<1152xf32>
    %reduce_min3A_90 = vector.multi_reduction <minimumf>, %sub3A_88, %reduce_min3A_89 [1] : vector<1152x1024xf32> to vector<1152xf32>
    %broadcast_in_dim3A_91 = vector.shape_cast %reduce_min3A_90 : vector<1152xf32> to vector<1152x1xf32>
    %eq3A_92 = vector.broadcast %broadcast_in_dim3A_91 : vector<1152x1xf32> to vector<1152x1024xf32>
    %eq3A_93 = arith.cmpf oeq, %sub3A_88, %eq3A_92 : vector<1152x1024xf32>
    %jit3A_94 = arith.constant 8.192000e+03 : f32
    %broadcast_in_dim3A_95 = vector.shape_cast %convert_element_type3A : vector<1x1024xf32> to vector<1x1024xf32>
    %broadcast_in_dim3A_96 = vector.broadcast %broadcast_in_dim3A_95 : vector<1x1024xf32> to vector<1152x1024xf32>
    %broadcast_in_dim3A_97 = vector.broadcast %jit3A_94 : f32 to vector<1152x1024xf32>
    %select_n3A_98 = arith.select %eq3A_93, %broadcast_in_dim3A_96, %broadcast_in_dim3A_97 : vector<1152x1024xi1>, vector<1152x1024xf32>
    %reduce_min3A_99 = arith.constant dense<0x7F800000> : vector<1152xf32>
    %reduce_min3A_100 = vector.multi_reduction <minimumf>, %select_n3A_98, %reduce_min3A_99 [1] : vector<1152x1024xf32> to vector<1152xf32>
    %broadcast_in_dim3A_101 = vector.shape_cast %reduce_min3A_100 : vector<1152xf32> to vector<1152x1xf32>
    %add3A_102 = arith.constant 2.048000e+03 : f32
    %add3A_103 = vector.broadcast %add3A_102 : f32 to vector<1152x1xf32>
    %add3A_104 = arith.addf %broadcast_in_dim3A_101, %add3A_103 : vector<1152x1xf32>
    %get3A_105 = arith.constant 3072 : index
    %get3A_106 = arith.constant 0 : index
    %get3A_107 = vector.load %arg4[%get3A_105, %get3A_106] : memref<8192x256xf32, #tpu.memory_space<vmem>>, vector<1024x256xf32>
    %get3A_108 = arith.constant 0 : index
    %get3A_109 = arith.constant 3072 : index
    %get3A_110 = vector.load %arg5[%get3A_108, %get3A_109] : memref<1x8192xf32, #tpu.memory_space<vmem>>, vector<1x1024xf32>
    %dot_general3A_111 = arith.constant dense<0.000000e+00> : vector<1152x1024xf32>
    %dot_general3A_112 = tpu.matmul %add3A_25, %get3A_107, %dot_general3A_111 {dimension_numbers = #tpu.dot_dimension_numbers<[1], [1], [0], [0], [0, 0, 1, 0], [], []>, transpose_lhs_hint = false} : vector<1152x256xf32>, vector<1024x256xf32>, vector<1152x1024xf32> -> vector<1152x1024xf32>
    %add3A_113 = vector.broadcast %broadcast_in_dim3A : vector<1152x1xf32> to vector<1152x1024xf32>
    %add3A_114 = vector.broadcast %get3A_110 : vector<1x1024xf32> to vector<1152x1024xf32>
    %add3A_115 = arith.addf %add3A_113, %add3A_114 : vector<1152x1024xf32>
    %sub3A_116 = arith.subf %add3A_115, %dot_general3A_112 : vector<1152x1024xf32>
    %reduce_min3A_117 = arith.constant dense<0x7F800000> : vector<1152xf32>
    %reduce_min3A_118 = vector.multi_reduction <minimumf>, %sub3A_116, %reduce_min3A_117 [1] : vector<1152x1024xf32> to vector<1152xf32>
    %broadcast_in_dim3A_119 = vector.shape_cast %reduce_min3A_118 : vector<1152xf32> to vector<1152x1xf32>
    %eq3A_120 = vector.broadcast %broadcast_in_dim3A_119 : vector<1152x1xf32> to vector<1152x1024xf32>
    %eq3A_121 = arith.cmpf oeq, %sub3A_116, %eq3A_120 : vector<1152x1024xf32>
    %jit3A_122 = arith.constant 8.192000e+03 : f32
    %broadcast_in_dim3A_123 = vector.shape_cast %convert_element_type3A : vector<1x1024xf32> to vector<1x1024xf32>
    %broadcast_in_dim3A_124 = vector.broadcast %broadcast_in_dim3A_123 : vector<1x1024xf32> to vector<1152x1024xf32>
    %broadcast_in_dim3A_125 = vector.broadcast %jit3A_122 : f32 to vector<1152x1024xf32>
    %select_n3A_126 = arith.select %eq3A_121, %broadcast_in_dim3A_124, %broadcast_in_dim3A_125 : vector<1152x1024xi1>, vector<1152x1024xf32>
    %reduce_min3A_127 = arith.constant dense<0x7F800000> : vector<1152xf32>
    %reduce_min3A_128 = vector.multi_reduction <minimumf>, %select_n3A_126, %reduce_min3A_127 [1] : vector<1152x1024xf32> to vector<1152xf32>
    %broadcast_in_dim3A_129 = vector.shape_cast %reduce_min3A_128 : vector<1152xf32> to vector<1152x1xf32>
    %add3A_130 = arith.constant 3.072000e+03 : f32
    %add3A_131 = vector.broadcast %add3A_130 : f32 to vector<1152x1xf32>
    %add3A_132 = arith.addf %broadcast_in_dim3A_129, %add3A_131 : vector<1152x1xf32>
    %get3A_133 = arith.constant 4096 : index
    %get3A_134 = arith.constant 0 : index
    %get3A_135 = vector.load %arg4[%get3A_133, %get3A_134] : memref<8192x256xf32, #tpu.memory_space<vmem>>, vector<1024x256xf32>
    %get3A_136 = arith.constant 0 : index
    %get3A_137 = arith.constant 4096 : index
    %get3A_138 = vector.load %arg5[%get3A_136, %get3A_137] : memref<1x8192xf32, #tpu.memory_space<vmem>>, vector<1x1024xf32>
    %dot_general3A_139 = arith.constant dense<0.000000e+00> : vector<1152x1024xf32>
    %dot_general3A_140 = tpu.matmul %add3A_25, %get3A_135, %dot_general3A_139 {dimension_numbers = #tpu.dot_dimension_numbers<[1], [1], [0], [0], [0, 0, 1, 0], [], []>, transpose_lhs_hint = false} : vector<1152x256xf32>, vector<1024x256xf32>, vector<1152x1024xf32> -> vector<1152x1024xf32>
    %add3A_141 = vector.broadcast %broadcast_in_dim3A : vector<1152x1xf32> to vector<1152x1024xf32>
    %add3A_142 = vector.broadcast %get3A_138 : vector<1x1024xf32> to vector<1152x1024xf32>
    %add3A_143 = arith.addf %add3A_141, %add3A_142 : vector<1152x1024xf32>
    %sub3A_144 = arith.subf %add3A_143, %dot_general3A_140 : vector<1152x1024xf32>
    %reduce_min3A_145 = arith.constant dense<0x7F800000> : vector<1152xf32>
    %reduce_min3A_146 = vector.multi_reduction <minimumf>, %sub3A_144, %reduce_min3A_145 [1] : vector<1152x1024xf32> to vector<1152xf32>
    %broadcast_in_dim3A_147 = vector.shape_cast %reduce_min3A_146 : vector<1152xf32> to vector<1152x1xf32>
    %eq3A_148 = vector.broadcast %broadcast_in_dim3A_147 : vector<1152x1xf32> to vector<1152x1024xf32>
    %eq3A_149 = arith.cmpf oeq, %sub3A_144, %eq3A_148 : vector<1152x1024xf32>
    %jit3A_150 = arith.constant 8.192000e+03 : f32
    %broadcast_in_dim3A_151 = vector.shape_cast %convert_element_type3A : vector<1x1024xf32> to vector<1x1024xf32>
    %broadcast_in_dim3A_152 = vector.broadcast %broadcast_in_dim3A_151 : vector<1x1024xf32> to vector<1152x1024xf32>
    %broadcast_in_dim3A_153 = vector.broadcast %jit3A_150 : f32 to vector<1152x1024xf32>
    %select_n3A_154 = arith.select %eq3A_149, %broadcast_in_dim3A_152, %broadcast_in_dim3A_153 : vector<1152x1024xi1>, vector<1152x1024xf32>
    %reduce_min3A_155 = arith.constant dense<0x7F800000> : vector<1152xf32>
    %reduce_min3A_156 = vector.multi_reduction <minimumf>, %select_n3A_154, %reduce_min3A_155 [1] : vector<1152x1024xf32> to vector<1152xf32>
    %broadcast_in_dim3A_157 = vector.shape_cast %reduce_min3A_156 : vector<1152xf32> to vector<1152x1xf32>
    %add3A_158 = arith.constant 4.096000e+03 : f32
    %add3A_159 = vector.broadcast %add3A_158 : f32 to vector<1152x1xf32>
    %add3A_160 = arith.addf %broadcast_in_dim3A_157, %add3A_159 : vector<1152x1xf32>
    %get3A_161 = arith.constant 5120 : index
    %get3A_162 = arith.constant 0 : index
    %get3A_163 = vector.load %arg4[%get3A_161, %get3A_162] : memref<8192x256xf32, #tpu.memory_space<vmem>>, vector<1024x256xf32>
    %get3A_164 = arith.constant 0 : index
    %get3A_165 = arith.constant 5120 : index
    %get3A_166 = vector.load %arg5[%get3A_164, %get3A_165] : memref<1x8192xf32, #tpu.memory_space<vmem>>, vector<1x1024xf32>
    %dot_general3A_167 = arith.constant dense<0.000000e+00> : vector<1152x1024xf32>
    %dot_general3A_168 = tpu.matmul %add3A_25, %get3A_163, %dot_general3A_167 {dimension_numbers = #tpu.dot_dimension_numbers<[1], [1], [0], [0], [0, 0, 1, 0], [], []>, transpose_lhs_hint = false} : vector<1152x256xf32>, vector<1024x256xf32>, vector<1152x1024xf32> -> vector<1152x1024xf32>
    %add3A_169 = vector.broadcast %broadcast_in_dim3A : vector<1152x1xf32> to vector<1152x1024xf32>
    %add3A_170 = vector.broadcast %get3A_166 : vector<1x1024xf32> to vector<1152x1024xf32>
    %add3A_171 = arith.addf %add3A_169, %add3A_170 : vector<1152x1024xf32>
    %sub3A_172 = arith.subf %add3A_171, %dot_general3A_168 : vector<1152x1024xf32>
    %reduce_min3A_173 = arith.constant dense<0x7F800000> : vector<1152xf32>
    %reduce_min3A_174 = vector.multi_reduction <minimumf>, %sub3A_172, %reduce_min3A_173 [1] : vector<1152x1024xf32> to vector<1152xf32>
    %broadcast_in_dim3A_175 = vector.shape_cast %reduce_min3A_174 : vector<1152xf32> to vector<1152x1xf32>
    %eq3A_176 = vector.broadcast %broadcast_in_dim3A_175 : vector<1152x1xf32> to vector<1152x1024xf32>
    %eq3A_177 = arith.cmpf oeq, %sub3A_172, %eq3A_176 : vector<1152x1024xf32>
    %jit3A_178 = arith.constant 8.192000e+03 : f32
    %broadcast_in_dim3A_179 = vector.shape_cast %convert_element_type3A : vector<1x1024xf32> to vector<1x1024xf32>
    %broadcast_in_dim3A_180 = vector.broadcast %broadcast_in_dim3A_179 : vector<1x1024xf32> to vector<1152x1024xf32>
    %broadcast_in_dim3A_181 = vector.broadcast %jit3A_178 : f32 to vector<1152x1024xf32>
    %select_n3A_182 = arith.select %eq3A_177, %broadcast_in_dim3A_180, %broadcast_in_dim3A_181 : vector<1152x1024xi1>, vector<1152x1024xf32>
    %reduce_min3A_183 = arith.constant dense<0x7F800000> : vector<1152xf32>
    %reduce_min3A_184 = vector.multi_reduction <minimumf>, %select_n3A_182, %reduce_min3A_183 [1] : vector<1152x1024xf32> to vector<1152xf32>
    %broadcast_in_dim3A_185 = vector.shape_cast %reduce_min3A_184 : vector<1152xf32> to vector<1152x1xf32>
    %add3A_186 = arith.constant 5.120000e+03 : f32
    %add3A_187 = vector.broadcast %add3A_186 : f32 to vector<1152x1xf32>
    %add3A_188 = arith.addf %broadcast_in_dim3A_185, %add3A_187 : vector<1152x1xf32>
    %get3A_189 = arith.constant 6144 : index
    %get3A_190 = arith.constant 0 : index
    %get3A_191 = vector.load %arg4[%get3A_189, %get3A_190] : memref<8192x256xf32, #tpu.memory_space<vmem>>, vector<1024x256xf32>
    %get3A_192 = arith.constant 0 : index
    %get3A_193 = arith.constant 6144 : index
    %get3A_194 = vector.load %arg5[%get3A_192, %get3A_193] : memref<1x8192xf32, #tpu.memory_space<vmem>>, vector<1x1024xf32>
    %dot_general3A_195 = arith.constant dense<0.000000e+00> : vector<1152x1024xf32>
    %dot_general3A_196 = tpu.matmul %add3A_25, %get3A_191, %dot_general3A_195 {dimension_numbers = #tpu.dot_dimension_numbers<[1], [1], [0], [0], [0, 0, 1, 0], [], []>, transpose_lhs_hint = false} : vector<1152x256xf32>, vector<1024x256xf32>, vector<1152x1024xf32> -> vector<1152x1024xf32>
    %add3A_197 = vector.broadcast %broadcast_in_dim3A : vector<1152x1xf32> to vector<1152x1024xf32>
    %add3A_198 = vector.broadcast %get3A_194 : vector<1x1024xf32> to vector<1152x1024xf32>
    %add3A_199 = arith.addf %add3A_197, %add3A_198 : vector<1152x1024xf32>
    %sub3A_200 = arith.subf %add3A_199, %dot_general3A_196 : vector<1152x1024xf32>
    %reduce_min3A_201 = arith.constant dense<0x7F800000> : vector<1152xf32>
    %reduce_min3A_202 = vector.multi_reduction <minimumf>, %sub3A_200, %reduce_min3A_201 [1] : vector<1152x1024xf32> to vector<1152xf32>
    %broadcast_in_dim3A_203 = vector.shape_cast %reduce_min3A_202 : vector<1152xf32> to vector<1152x1xf32>
    %eq3A_204 = vector.broadcast %broadcast_in_dim3A_203 : vector<1152x1xf32> to vector<1152x1024xf32>
    %eq3A_205 = arith.cmpf oeq, %sub3A_200, %eq3A_204 : vector<1152x1024xf32>
    %jit3A_206 = arith.constant 8.192000e+03 : f32
    %broadcast_in_dim3A_207 = vector.shape_cast %convert_element_type3A : vector<1x1024xf32> to vector<1x1024xf32>
    %broadcast_in_dim3A_208 = vector.broadcast %broadcast_in_dim3A_207 : vector<1x1024xf32> to vector<1152x1024xf32>
    %broadcast_in_dim3A_209 = vector.broadcast %jit3A_206 : f32 to vector<1152x1024xf32>
    %select_n3A_210 = arith.select %eq3A_205, %broadcast_in_dim3A_208, %broadcast_in_dim3A_209 : vector<1152x1024xi1>, vector<1152x1024xf32>
    %reduce_min3A_211 = arith.constant dense<0x7F800000> : vector<1152xf32>
    %reduce_min3A_212 = vector.multi_reduction <minimumf>, %select_n3A_210, %reduce_min3A_211 [1] : vector<1152x1024xf32> to vector<1152xf32>
    %broadcast_in_dim3A_213 = vector.shape_cast %reduce_min3A_212 : vector<1152xf32> to vector<1152x1xf32>
    %add3A_214 = arith.constant 6.144000e+03 : f32
    %add3A_215 = vector.broadcast %add3A_214 : f32 to vector<1152x1xf32>
    %add3A_216 = arith.addf %broadcast_in_dim3A_213, %add3A_215 : vector<1152x1xf32>
    %get3A_217 = arith.constant 7168 : index
    %get3A_218 = arith.constant 0 : index
    %get3A_219 = vector.load %arg4[%get3A_217, %get3A_218] : memref<8192x256xf32, #tpu.memory_space<vmem>>, vector<1024x256xf32>
    %get3A_220 = arith.constant 0 : index
    %get3A_221 = arith.constant 7168 : index
    %get3A_222 = vector.load %arg5[%get3A_220, %get3A_221] : memref<1x8192xf32, #tpu.memory_space<vmem>>, vector<1x1024xf32>
    %dot_general3A_223 = arith.constant dense<0.000000e+00> : vector<1152x1024xf32>
    %dot_general3A_224 = tpu.matmul %add3A_25, %get3A_219, %dot_general3A_223 {dimension_numbers = #tpu.dot_dimension_numbers<[1], [1], [0], [0], [0, 0, 1, 0], [], []>, transpose_lhs_hint = false} : vector<1152x256xf32>, vector<1024x256xf32>, vector<1152x1024xf32> -> vector<1152x1024xf32>
    %add3A_225 = vector.broadcast %broadcast_in_dim3A : vector<1152x1xf32> to vector<1152x1024xf32>
    %add3A_226 = vector.broadcast %get3A_222 : vector<1x1024xf32> to vector<1152x1024xf32>
    %add3A_227 = arith.addf %add3A_225, %add3A_226 : vector<1152x1024xf32>
    %sub3A_228 = arith.subf %add3A_227, %dot_general3A_224 : vector<1152x1024xf32>
    %reduce_min3A_229 = arith.constant dense<0x7F800000> : vector<1152xf32>
    %reduce_min3A_230 = vector.multi_reduction <minimumf>, %sub3A_228, %reduce_min3A_229 [1] : vector<1152x1024xf32> to vector<1152xf32>
    %broadcast_in_dim3A_231 = vector.shape_cast %reduce_min3A_230 : vector<1152xf32> to vector<1152x1xf32>
    %eq3A_232 = vector.broadcast %broadcast_in_dim3A_231 : vector<1152x1xf32> to vector<1152x1024xf32>
    %eq3A_233 = arith.cmpf oeq, %sub3A_228, %eq3A_232 : vector<1152x1024xf32>
    %jit3A_234 = arith.constant 8.192000e+03 : f32
    %broadcast_in_dim3A_235 = vector.shape_cast %convert_element_type3A : vector<1x1024xf32> to vector<1x1024xf32>
    %broadcast_in_dim3A_236 = vector.broadcast %broadcast_in_dim3A_235 : vector<1x1024xf32> to vector<1152x1024xf32>
    %broadcast_in_dim3A_237 = vector.broadcast %jit3A_234 : f32 to vector<1152x1024xf32>
    %select_n3A_238 = arith.select %eq3A_233, %broadcast_in_dim3A_236, %broadcast_in_dim3A_237 : vector<1152x1024xi1>, vector<1152x1024xf32>
    %reduce_min3A_239 = arith.constant dense<0x7F800000> : vector<1152xf32>
    %reduce_min3A_240 = vector.multi_reduction <minimumf>, %select_n3A_238, %reduce_min3A_239 [1] : vector<1152x1024xf32> to vector<1152xf32>
    %broadcast_in_dim3A_241 = vector.shape_cast %reduce_min3A_240 : vector<1152xf32> to vector<1152x1xf32>
    %add3A_242 = arith.constant 7.168000e+03 : f32
    %add3A_243 = vector.broadcast %add3A_242 : f32 to vector<1152x1xf32>
    %add3A_244 = arith.addf %broadcast_in_dim3A_241, %add3A_243 : vector<1152x1xf32>
    %lt3A = arith.cmpf olt, %broadcast_in_dim3A_63, %broadcast_in_dim3A_38 : vector<1152x1xf32>
    %select_n3A_245 = arith.select %lt3A, %broadcast_in_dim3A_63, %broadcast_in_dim3A_38 : vector<1152x1xi1>, vector<1152x1xf32>
    %select_n3A_246 = arith.select %lt3A, %add3A_76, %add3A_48 : vector<1152x1xi1>, vector<1152x1xf32>
    %lt3A_247 = arith.cmpf olt, %broadcast_in_dim3A_91, %select_n3A_245 : vector<1152x1xf32>
    %select_n3A_248 = arith.select %lt3A_247, %broadcast_in_dim3A_91, %select_n3A_245 : vector<1152x1xi1>, vector<1152x1xf32>
    %select_n3A_249 = arith.select %lt3A_247, %add3A_104, %select_n3A_246 : vector<1152x1xi1>, vector<1152x1xf32>
    %lt3A_250 = arith.cmpf olt, %broadcast_in_dim3A_119, %select_n3A_248 : vector<1152x1xf32>
    %select_n3A_251 = arith.select %lt3A_250, %broadcast_in_dim3A_119, %select_n3A_248 : vector<1152x1xi1>, vector<1152x1xf32>
    %select_n3A_252 = arith.select %lt3A_250, %add3A_132, %select_n3A_249 : vector<1152x1xi1>, vector<1152x1xf32>
    %lt3A_253 = arith.cmpf olt, %broadcast_in_dim3A_147, %select_n3A_251 : vector<1152x1xf32>
    %select_n3A_254 = arith.select %lt3A_253, %broadcast_in_dim3A_147, %select_n3A_251 : vector<1152x1xi1>, vector<1152x1xf32>
    %select_n3A_255 = arith.select %lt3A_253, %add3A_160, %select_n3A_252 : vector<1152x1xi1>, vector<1152x1xf32>
    %lt3A_256 = arith.cmpf olt, %broadcast_in_dim3A_175, %select_n3A_254 : vector<1152x1xf32>
    %select_n3A_257 = arith.select %lt3A_256, %broadcast_in_dim3A_175, %select_n3A_254 : vector<1152x1xi1>, vector<1152x1xf32>
    %select_n3A_258 = arith.select %lt3A_256, %add3A_188, %select_n3A_255 : vector<1152x1xi1>, vector<1152x1xf32>
    %lt3A_259 = arith.cmpf olt, %broadcast_in_dim3A_203, %select_n3A_257 : vector<1152x1xf32>
    %select_n3A_260 = arith.select %lt3A_259, %broadcast_in_dim3A_203, %select_n3A_257 : vector<1152x1xi1>, vector<1152x1xf32>
    %select_n3A_261 = arith.select %lt3A_259, %add3A_216, %select_n3A_258 : vector<1152x1xi1>, vector<1152x1xf32>
    %lt3A_262 = arith.cmpf olt, %broadcast_in_dim3A_231, %select_n3A_260 : vector<1152x1xf32>
    %select_n3A_263 = arith.select %lt3A_262, %add3A_244, %select_n3A_261 : vector<1152x1xi1>, vector<1152x1xf32>
    %convert_element_type3A_264 = arith.fptosi %select_n3A_263 : vector<1152x1xf32> to vector<1152x1xi32>
    %swap3A_265 = arith.constant 0 : index
    %swap3A_266 = arith.constant 0 : index
    %swap3A_267 = vector.load %arg6[%swap3A_265, %swap3A_266] : memref<1152x1xi32, #tpu.memory_space<vmem>>, vector<1152x1xi32>
    tpu.vector_store %arg6[%swap3A_265, %swap3A_266], %convert_element_type3A_264 {strides = array<i32>} : memref<1152x1xi32, #tpu.memory_space<vmem>>, vector<1152x1xi32>,
    return
  }
  func.func @transform_0(%arg0: i32) -> (i32, i32) {
    %c0_i32 = arith.constant 0 : i32
    %c0_i32_0 = arith.constant 0 : i32
    return %arg0, %c0_i32 : i32, i32
  }
  func.func @transform_1(%arg0: i32) -> (i32, i32) {
    %c0_i32 = arith.constant 0 : i32
    %c0_i32_0 = arith.constant 0 : i32
    return %arg0, %c0_i32 : i32, i32
  }
  func.func @transform_2(%arg0: i32) -> (i32, i32) {
    %c0_i32 = arith.constant 0 : i32
    %c0_i32_0 = arith.constant 0 : i32
    return %arg0, %c0_i32 : i32, i32
  }
  func.func @transform_3(%arg0: i32) -> (i32, i32) {
    %c0_i32 = arith.constant 0 : i32
    %c0_i32_0 = arith.constant 0 : i32
    %c0_i32_1 = arith.constant 0 : i32
    return %c0_i32, %c0_i32_0 : i32, i32
  }
  func.func @transform_4(%arg0: i32) -> (i32, i32) {
    %c0_i32 = arith.constant 0 : i32
    %c0_i32_0 = arith.constant 0 : i32
    %c0_i32_1 = arith.constant 0 : i32
    return %c0_i32, %c0_i32_0 : i32, i32
  }
  func.func @transform_5(%arg0: i32) -> (i32, i32) {
    %c0_i32 = arith.constant 0 : i32
    %c0_i32_0 = arith.constant 0 : i32
    return %arg0, %c0_i32 : i32, i32
  }
  func.func @transform_6(%arg0: i32) -> (i32, i32) {
    %c0_i32 = arith.constant 0 : i32
    %c0_i32_0 = arith.constant 0 : i32
    return %arg0, %c0_i32 : i32, i32
  }
  func.func @transform_7(%arg0: i32) -> (i32, i32) {
    %c0_i32 = arith.constant 0 : i32
    %c0_i32_0 = arith.constant 0 : i32
    return %arg0, %c0_i32 : i32, i32
  }
  func.func @transform_8(%arg0: i32) -> (i32, i32, i32) {
    %c0_i32 = arith.constant 0 : i32
    %c0_i32_0 = arith.constant 0 : i32
    %c0_i32_1 = arith.constant 0 : i32
    return %arg0, %c0_i32, %c0_i32_0 : i32, i32, i32
  }
}

module attributes {stable_mosaic.version = 14 : i64} {
  func.func @_stage_body(%arg0: i32, %arg1: memref<1152x256xf32, #tpu.memory_space<vmem>>, %arg2: memref<1152x256xf32, #tpu.memory_space<vmem>>, %arg3: memref<1152x256xf32, #tpu.memory_space<vmem>>, %arg4: memref<8192x256xf32, #tpu.memory_space<vmem>>, %arg5: memref<1x8192xf32, #tpu.memory_space<vmem>>, %arg6: memref<1152x1xi32, #tpu.memory_space<vmem>>, %arg7: memref<1152x256xf32, #tpu.memory_space<vmem>>, %arg8: memref<1152x256xf32, #tpu.memory_space<vmem>>, %arg9: memref<1x1x1xf32, #tpu.memory_space<vmem>>) attributes {dimension_semantics = [#tpu.dimension_semantics<arbitrary>], iteration_bounds = array<i64: 2>, scalar_prefetch = 0 : i64, scratch_operands = 0 : i64, tpu.core_type = #tpu.core_type<tc>, window_params = [{transform_indices = @transform_0, window_bounds = array<i64: 1152, 256>}, {transform_indices = @transform_1, window_bounds = array<i64: 1152, 256>}, {transform_indices = @transform_2, window_bounds = array<i64: 1152, 256>}, {pipeline_mode = #tpu.pipeline_mode<synchronous>, transform_indices = @transform_3, window_bounds = array<i64: 8192, 256>}, {pipeline_mode = #tpu.pipeline_mode<synchronous>, transform_indices = @transform_4, window_bounds = array<i64: 1, 8192>}, {transform_indices = @transform_5, window_bounds = array<i64: 1152, 1>}, {transform_indices = @transform_6, window_bounds = array<i64: 1152, 256>}, {transform_indices = @transform_7, window_bounds = array<i64: 1152, 256>}, {transform_indices = @transform_8, window_bounds = array<i64: 1, 1, 1>}]} {
    %get3A = arith.constant 0 : index
    %get3A_0 = arith.constant 0 : index
    %get3A_1 = vector.load %arg1[%get3A, %get3A_0] : memref<1152x256xf32, #tpu.memory_space<vmem>>, vector<1152x256xf32>
    %get3A_2 = arith.constant 0 : index
    %get3A_3 = arith.constant 0 : index
    %get3A_4 = vector.load %arg2[%get3A_2, %get3A_3] : memref<1152x256xf32, #tpu.memory_space<vmem>>, vector<1152x256xf32>
    %sub3A = arith.subf %get3A_4, %get3A_1 : vector<1152x256xf32>
    %add3A = arith.addf %get3A_1, %sub3A : vector<1152x256xf32>
    %sub3A_5 = arith.subf %get3A_1, %add3A : vector<1152x256xf32>
    %get3A_6 = arith.constant 0 : index
    %get3A_7 = arith.constant 0 : index
    %get3A_8 = vector.load %arg3[%get3A_6, %get3A_7] : memref<1152x256xf32, #tpu.memory_space<vmem>>, vector<1152x256xf32>
    %add3A_9 = arith.addf %get3A_8, %add3A : vector<1152x256xf32>
    %swap3A = arith.constant 0 : index
    %swap3A_10 = arith.constant 0 : index
    %swap3A_11 = vector.load %arg8[%swap3A, %swap3A_10] : memref<1152x256xf32, #tpu.memory_space<vmem>>, vector<1152x256xf32>
    tpu.vector_store %arg8[%swap3A, %swap3A_10], %add3A_9 {strides = array<i32>} : memref<1152x256xf32, #tpu.memory_space<vmem>>, vector<1152x256xf32>,
    %mul3A = arith.mulf %sub3A, %sub3A : vector<1152x256xf32>
    %reduce_sum3A = vector.shape_cast %mul3A : vector<1152x256xf32> to vector<1x1152x256xf32>
    %reduce_sum3A_12 = arith.constant dense<0.000000e+00> : vector<1xf32>
    %reduce_sum3A_13 = vector.multi_reduction <add>, %reduce_sum3A, %reduce_sum3A_12 [1, 2] : vector<1x1152x256xf32> to vector<1xf32>
    %reduce_sum3A_14 = vector.shape_cast %reduce_sum3A_13 : vector<1xf32> to vector<1x1x1xf32>
    %reduce_sum3A_15 = vector.extract %reduce_sum3A_14[0, 0, 0] : f32 from vector<1x1x1xf32>
    %reshape3A = vector.broadcast %reduce_sum3A_15 : f32 to vector<1x1x1xf32>
    %swap3A_16 = arith.constant 0 : index
    %swap3A_17 = arith.constant 0 : index
    %swap3A_18 = arith.constant 0 : index
    %swap3A_19 = vector.load %arg9[%swap3A_16, %swap3A_17, %swap3A_18] : memref<1x1x1xf32, #tpu.memory_space<vmem>>, vector<1x1x1xf32>
    tpu.vector_store %arg9[%swap3A_16, %swap3A_17, %swap3A_18], %reshape3A {strides = array<i32>} : memref<1x1x1xf32, #tpu.memory_space<vmem>>, vector<1x1x1xf32>,
    %swap3A_20 = arith.constant 0 : index
    %swap3A_21 = arith.constant 0 : index
    %swap3A_22 = vector.load %arg7[%swap3A_20, %swap3A_21] : memref<1152x256xf32, #tpu.memory_space<vmem>>, vector<1152x256xf32>
    tpu.vector_store %arg7[%swap3A_20, %swap3A_21], %sub3A_5 {strides = array<i32>} : memref<1152x256xf32, #tpu.memory_space<vmem>>, vector<1152x256xf32>,
    %integer_pow3A = arith.mulf %sub3A_5, %sub3A_5 : vector<1152x256xf32>
    %reduce_sum3A_23 = arith.constant dense<0.000000e+00> : vector<1152xf32>
    %reduce_sum3A_24 = vector.multi_reduction <add>, %integer_pow3A, %reduce_sum3A_23 [1] : vector<1152x256xf32> to vector<1152xf32>
    %broadcast_in_dim3A = vector.shape_cast %reduce_sum3A_24 : vector<1152xf32> to vector<1152x1xf32>
    %add3A_25 = arith.addf %sub3A_5, %sub3A_5 : vector<1152x256xf32>
    %iota3A = tpu.iota {dimensions = array<i32: 1>} : vector<1x1024xi32>
    %convert_element_type3A = arith.sitofp %iota3A : vector<1x1024xi32> to vector<1x1024xf32>
    %get3A_26 = arith.constant 0 : index
    %get3A_27 = arith.constant 0 : index
    %get3A_28 = vector.load %arg4[%get3A_26, %get3A_27] : memref<8192x256xf32, #tpu.memory_space<vmem>>, vector<1024x256xf32>
    %get3A_29 = arith.constant 0 : index
    %get3A_30 = arith.constant 0 : index
    %get3A_31 = vector.load %arg5[%get3A_29, %get3A_30] : memref<1x8192xf32, #tpu.memory_space<vmem>>, vector<1x1024xf32>
    %dot_general3A = arith.constant dense<0.000000e+00> : vector<1152x1024xf32>
    %dot_general3A_32 = tpu.matmul %add3A_25, %get3A_28, %dot_general3A {dimension_numbers = #tpu.dot_dimension_numbers<[1], [1], [0], [0], [0, 0, 1, 0], [], []>, transpose_lhs_hint = false} : vector<1152x256xf32>, vector<1024x256xf32>, vector<1152x1024xf32> -> vector<1152x1024xf32>
    %add3A_33 = vector.broadcast %broadcast_in_dim3A : vector<1152x1xf32> to vector<1152x1024xf32>
    %add3A_34 = vector.broadcast %get3A_31 : vector<1x1024xf32> to vector<1152x1024xf32>
    %add3A_35 = arith.addf %add3A_33, %add3A_34 : vector<1152x1024xf32>
    %sub3A_36 = arith.subf %add3A_35, %dot_general3A_32 : vector<1152x1024xf32>
    %reduce_min3A = arith.constant dense<0x7F800000> : vector<1152xf32>
    %reduce_min3A_37 = vector.multi_reduction <minimumf>, %sub3A_36, %reduce_min3A [1] : vector<1152x1024xf32> to vector<1152xf32>
    %broadcast_in_dim3A_38 = vector.shape_cast %reduce_min3A_37 : vector<1152xf32> to vector<1152x1xf32>
    %eq3A = vector.broadcast %broadcast_in_dim3A_38 : vector<1152x1xf32> to vector<1152x1024xf32>
    %eq3A_39 = arith.cmpf oeq, %sub3A_36, %eq3A : vector<1152x1024xf32>
    %jit3A = arith.constant 8.192000e+03 : f32
    %broadcast_in_dim3A_40 = vector.shape_cast %convert_element_type3A : vector<1x1024xf32> to vector<1x1024xf32>
    %broadcast_in_dim3A_41 = vector.broadcast %broadcast_in_dim3A_40 : vector<1x1024xf32> to vector<1152x1024xf32>
    %broadcast_in_dim3A_42 = vector.broadcast %jit3A : f32 to vector<1152x1024xf32>
    %select_n3A = arith.select %eq3A_39, %broadcast_in_dim3A_41, %broadcast_in_dim3A_42 : vector<1152x1024xi1>, vector<1152x1024xf32>
    %reduce_min3A_43 = arith.constant dense<0x7F800000> : vector<1152xf32>
    %reduce_min3A_44 = vector.multi_reduction <minimumf>, %select_n3A, %reduce_min3A_43 [1] : vector<1152x1024xf32> to vector<1152xf32>
    %broadcast_in_dim3A_45 = vector.shape_cast %reduce_min3A_44 : vector<1152xf32> to vector<1152x1xf32>
    %add3A_46 = arith.constant 0.000000e+00 : f32
    %add3A_47 = vector.broadcast %add3A_46 : f32 to vector<1152x1xf32>
    %add3A_48 = arith.addf %broadcast_in_dim3A_45, %add3A_47 : vector<1152x1xf32>
    %get3A_49 = arith.constant 1024 : index
    %get3A_50 = arith.constant 0 : index
    %get3A_51 = vector.load %arg4[%get3A_49, %get3A_50] : memref<8192x256xf32, #tpu.memory_space<vmem>>, vector<1024x256xf32>
    %get3A_52 = arith.constant 0 : index
    %get3A_53 = arith.constant 1024 : index
    %get3A_54 = vector.load %arg5[%get3A_52, %get3A_53] : memref<1x8192xf32, #tpu.memory_space<vmem>>, vector<1x1024xf32>
    %dot_general3A_55 = arith.constant dense<0.000000e+00> : vector<1152x1024xf32>
    %dot_general3A_56 = tpu.matmul %add3A_25, %get3A_51, %dot_general3A_55 {dimension_numbers = #tpu.dot_dimension_numbers<[1], [1], [0], [0], [0, 0, 1, 0], [], []>, transpose_lhs_hint = false} : vector<1152x256xf32>, vector<1024x256xf32>, vector<1152x1024xf32> -> vector<1152x1024xf32>
    %add3A_57 = vector.broadcast %broadcast_in_dim3A : vector<1152x1xf32> to vector<1152x1024xf32>
    %add3A_58 = vector.broadcast %get3A_54 : vector<1x1024xf32> to vector<1152x1024xf32>
    %add3A_59 = arith.addf %add3A_57, %add3A_58 : vector<1152x1024xf32>
    %sub3A_60 = arith.subf %add3A_59, %dot_general3A_56 : vector<1152x1024xf32>
    %reduce_min3A_61 = arith.constant dense<0x7F800000> : vector<1152xf32>
    %reduce_min3A_62 = vector.multi_reduction <minimumf>, %sub3A_60, %reduce_min3A_61 [1] : vector<1152x1024xf32> to vector<1152xf32>
    %broadcast_in_dim3A_63 = vector.shape_cast %reduce_min3A_62 : vector<1152xf32> to vector<1152x1xf32>
    %eq3A_64 = vector.broadcast %broadcast_in_dim3A_63 : vector<1152x1xf32> to vector<1152x1024xf32>
    %eq3A_65 = arith.cmpf oeq, %sub3A_60, %eq3A_64 : vector<1152x1024xf32>
    %jit3A_66 = arith.constant 8.192000e+03 : f32
    %broadcast_in_dim3A_67 = vector.shape_cast %convert_element_type3A : vector<1x1024xf32> to vector<1x1024xf32>
    %broadcast_in_dim3A_68 = vector.broadcast %broadcast_in_dim3A_67 : vector<1x1024xf32> to vector<1152x1024xf32>
    %broadcast_in_dim3A_69 = vector.broadcast %jit3A_66 : f32 to vector<1152x1024xf32>
    %select_n3A_70 = arith.select %eq3A_65, %broadcast_in_dim3A_68, %broadcast_in_dim3A_69 : vector<1152x1024xi1>, vector<1152x1024xf32>
    %reduce_min3A_71 = arith.constant dense<0x7F800000> : vector<1152xf32>
    %reduce_min3A_72 = vector.multi_reduction <minimumf>, %select_n3A_70, %reduce_min3A_71 [1] : vector<1152x1024xf32> to vector<1152xf32>
    %broadcast_in_dim3A_73 = vector.shape_cast %reduce_min3A_72 : vector<1152xf32> to vector<1152x1xf32>
    %add3A_74 = arith.constant 1.024000e+03 : f32
    %add3A_75 = vector.broadcast %add3A_74 : f32 to vector<1152x1xf32>
    %add3A_76 = arith.addf %broadcast_in_dim3A_73, %add3A_75 : vector<1152x1xf32>
    %get3A_77 = arith.constant 2048 : index
    %get3A_78 = arith.constant 0 : index
    %get3A_79 = vector.load %arg4[%get3A_77, %get3A_78] : memref<8192x256xf32, #tpu.memory_space<vmem>>, vector<1024x256xf32>
    %get3A_80 = arith.constant 0 : index
    %get3A_81 = arith.constant 2048 : index
    %get3A_82 = vector.load %arg5[%get3A_80, %get3A_81] : memref<1x8192xf32, #tpu.memory_space<vmem>>, vector<1x1024xf32>
    %dot_general3A_83 = arith.constant dense<0.000000e+00> : vector<1152x1024xf32>
    %dot_general3A_84 = tpu.matmul %add3A_25, %get3A_79, %dot_general3A_83 {dimension_numbers = #tpu.dot_dimension_numbers<[1], [1], [0], [0], [0, 0, 1, 0], [], []>, transpose_lhs_hint = false} : vector<1152x256xf32>, vector<1024x256xf32>, vector<1152x1024xf32> -> vector<1152x1024xf32>
    %add3A_85 = vector.broadcast %broadcast_in_dim3A : vector<1152x1xf32> to vector<1152x1024xf32>
    %add3A_86 = vector.broadcast %get3A_82 : vector<1x1024xf32> to vector<1152x1024xf32>
    %add3A_87 = arith.addf %add3A_85, %add3A_86 : vector<1152x1024xf32>
    %sub3A_88 = arith.subf %add3A_87, %dot_general3A_84 : vector<1152x1024xf32>
    %reduce_min3A_89 = arith.constant dense<0x7F800000> : vector<1152xf32>
    %reduce_min3A_90 = vector.multi_reduction <minimumf>, %sub3A_88, %reduce_min3A_89 [1] : vector<1152x1024xf32> to vector<1152xf32>
    %broadcast_in_dim3A_91 = vector.shape_cast %reduce_min3A_90 : vector<1152xf32> to vector<1152x1xf32>
    %eq3A_92 = vector.broadcast %broadcast_in_dim3A_91 : vector<1152x1xf32> to vector<1152x1024xf32>
    %eq3A_93 = arith.cmpf oeq, %sub3A_88, %eq3A_92 : vector<1152x1024xf32>
    %jit3A_94 = arith.constant 8.192000e+03 : f32
    %broadcast_in_dim3A_95 = vector.shape_cast %convert_element_type3A : vector<1x1024xf32> to vector<1x1024xf32>
    %broadcast_in_dim3A_96 = vector.broadcast %broadcast_in_dim3A_95 : vector<1x1024xf32> to vector<1152x1024xf32>
    %broadcast_in_dim3A_97 = vector.broadcast %jit3A_94 : f32 to vector<1152x1024xf32>
    %select_n3A_98 = arith.select %eq3A_93, %broadcast_in_dim3A_96, %broadcast_in_dim3A_97 : vector<1152x1024xi1>, vector<1152x1024xf32>
    %reduce_min3A_99 = arith.constant dense<0x7F800000> : vector<1152xf32>
    %reduce_min3A_100 = vector.multi_reduction <minimumf>, %select_n3A_98, %reduce_min3A_99 [1] : vector<1152x1024xf32> to vector<1152xf32>
    %broadcast_in_dim3A_101 = vector.shape_cast %reduce_min3A_100 : vector<1152xf32> to vector<1152x1xf32>
    %add3A_102 = arith.constant 2.048000e+03 : f32
    %add3A_103 = vector.broadcast %add3A_102 : f32 to vector<1152x1xf32>
    %add3A_104 = arith.addf %broadcast_in_dim3A_101, %add3A_103 : vector<1152x1xf32>
    %get3A_105 = arith.constant 3072 : index
    %get3A_106 = arith.constant 0 : index
    %get3A_107 = vector.load %arg4[%get3A_105, %get3A_106] : memref<8192x256xf32, #tpu.memory_space<vmem>>, vector<1024x256xf32>
    %get3A_108 = arith.constant 0 : index
    %get3A_109 = arith.constant 3072 : index
    %get3A_110 = vector.load %arg5[%get3A_108, %get3A_109] : memref<1x8192xf32, #tpu.memory_space<vmem>>, vector<1x1024xf32>
    %dot_general3A_111 = arith.constant dense<0.000000e+00> : vector<1152x1024xf32>
    %dot_general3A_112 = tpu.matmul %add3A_25, %get3A_107, %dot_general3A_111 {dimension_numbers = #tpu.dot_dimension_numbers<[1], [1], [0], [0], [0, 0, 1, 0], [], []>, transpose_lhs_hint = false} : vector<1152x256xf32>, vector<1024x256xf32>, vector<1152x1024xf32> -> vector<1152x1024xf32>
    %add3A_113 = vector.broadcast %broadcast_in_dim3A : vector<1152x1xf32> to vector<1152x1024xf32>
    %add3A_114 = vector.broadcast %get3A_110 : vector<1x1024xf32> to vector<1152x1024xf32>
    %add3A_115 = arith.addf %add3A_113, %add3A_114 : vector<1152x1024xf32>
    %sub3A_116 = arith.subf %add3A_115, %dot_general3A_112 : vector<1152x1024xf32>
    %reduce_min3A_117 = arith.constant dense<0x7F800000> : vector<1152xf32>
    %reduce_min3A_118 = vector.multi_reduction <minimumf>, %sub3A_116, %reduce_min3A_117 [1] : vector<1152x1024xf32> to vector<1152xf32>
    %broadcast_in_dim3A_119 = vector.shape_cast %reduce_min3A_118 : vector<1152xf32> to vector<1152x1xf32>
    %eq3A_120 = vector.broadcast %broadcast_in_dim3A_119 : vector<1152x1xf32> to vector<1152x1024xf32>
    %eq3A_121 = arith.cmpf oeq, %sub3A_116, %eq3A_120 : vector<1152x1024xf32>
    %jit3A_122 = arith.constant 8.192000e+03 : f32
    %broadcast_in_dim3A_123 = vector.shape_cast %convert_element_type3A : vector<1x1024xf32> to vector<1x1024xf32>
    %broadcast_in_dim3A_124 = vector.broadcast %broadcast_in_dim3A_123 : vector<1x1024xf32> to vector<1152x1024xf32>
    %broadcast_in_dim3A_125 = vector.broadcast %jit3A_122 : f32 to vector<1152x1024xf32>
    %select_n3A_126 = arith.select %eq3A_121, %broadcast_in_dim3A_124, %broadcast_in_dim3A_125 : vector<1152x1024xi1>, vector<1152x1024xf32>
    %reduce_min3A_127 = arith.constant dense<0x7F800000> : vector<1152xf32>
    %reduce_min3A_128 = vector.multi_reduction <minimumf>, %select_n3A_126, %reduce_min3A_127 [1] : vector<1152x1024xf32> to vector<1152xf32>
    %broadcast_in_dim3A_129 = vector.shape_cast %reduce_min3A_128 : vector<1152xf32> to vector<1152x1xf32>
    %add3A_130 = arith.constant 3.072000e+03 : f32
    %add3A_131 = vector.broadcast %add3A_130 : f32 to vector<1152x1xf32>
    %add3A_132 = arith.addf %broadcast_in_dim3A_129, %add3A_131 : vector<1152x1xf32>
    %get3A_133 = arith.constant 4096 : index
    %get3A_134 = arith.constant 0 : index
    %get3A_135 = vector.load %arg4[%get3A_133, %get3A_134] : memref<8192x256xf32, #tpu.memory_space<vmem>>, vector<1024x256xf32>
    %get3A_136 = arith.constant 0 : index
    %get3A_137 = arith.constant 4096 : index
    %get3A_138 = vector.load %arg5[%get3A_136, %get3A_137] : memref<1x8192xf32, #tpu.memory_space<vmem>>, vector<1x1024xf32>
    %dot_general3A_139 = arith.constant dense<0.000000e+00> : vector<1152x1024xf32>
    %dot_general3A_140 = tpu.matmul %add3A_25, %get3A_135, %dot_general3A_139 {dimension_numbers = #tpu.dot_dimension_numbers<[1], [1], [0], [0], [0, 0, 1, 0], [], []>, transpose_lhs_hint = false} : vector<1152x256xf32>, vector<1024x256xf32>, vector<1152x1024xf32> -> vector<1152x1024xf32>
    %add3A_141 = vector.broadcast %broadcast_in_dim3A : vector<1152x1xf32> to vector<1152x1024xf32>
    %add3A_142 = vector.broadcast %get3A_138 : vector<1x1024xf32> to vector<1152x1024xf32>
    %add3A_143 = arith.addf %add3A_141, %add3A_142 : vector<1152x1024xf32>
    %sub3A_144 = arith.subf %add3A_143, %dot_general3A_140 : vector<1152x1024xf32>
    %reduce_min3A_145 = arith.constant dense<0x7F800000> : vector<1152xf32>
    %reduce_min3A_146 = vector.multi_reduction <minimumf>, %sub3A_144, %reduce_min3A_145 [1] : vector<1152x1024xf32> to vector<1152xf32>
    %broadcast_in_dim3A_147 = vector.shape_cast %reduce_min3A_146 : vector<1152xf32> to vector<1152x1xf32>
    %eq3A_148 = vector.broadcast %broadcast_in_dim3A_147 : vector<1152x1xf32> to vector<1152x1024xf32>
    %eq3A_149 = arith.cmpf oeq, %sub3A_144, %eq3A_148 : vector<1152x1024xf32>
    %jit3A_150 = arith.constant 8.192000e+03 : f32
    %broadcast_in_dim3A_151 = vector.shape_cast %convert_element_type3A : vector<1x1024xf32> to vector<1x1024xf32>
    %broadcast_in_dim3A_152 = vector.broadcast %broadcast_in_dim3A_151 : vector<1x1024xf32> to vector<1152x1024xf32>
    %broadcast_in_dim3A_153 = vector.broadcast %jit3A_150 : f32 to vector<1152x1024xf32>
    %select_n3A_154 = arith.select %eq3A_149, %broadcast_in_dim3A_152, %broadcast_in_dim3A_153 : vector<1152x1024xi1>, vector<1152x1024xf32>
    %reduce_min3A_155 = arith.constant dense<0x7F800000> : vector<1152xf32>
    %reduce_min3A_156 = vector.multi_reduction <minimumf>, %select_n3A_154, %reduce_min3A_155 [1] : vector<1152x1024xf32> to vector<1152xf32>
    %broadcast_in_dim3A_157 = vector.shape_cast %reduce_min3A_156 : vector<1152xf32> to vector<1152x1xf32>
    %add3A_158 = arith.constant 4.096000e+03 : f32
    %add3A_159 = vector.broadcast %add3A_158 : f32 to vector<1152x1xf32>
    %add3A_160 = arith.addf %broadcast_in_dim3A_157, %add3A_159 : vector<1152x1xf32>
    %get3A_161 = arith.constant 5120 : index
    %get3A_162 = arith.constant 0 : index
    %get3A_163 = vector.load %arg4[%get3A_161, %get3A_162] : memref<8192x256xf32, #tpu.memory_space<vmem>>, vector<1024x256xf32>
    %get3A_164 = arith.constant 0 : index
    %get3A_165 = arith.constant 5120 : index
    %get3A_166 = vector.load %arg5[%get3A_164, %get3A_165] : memref<1x8192xf32, #tpu.memory_space<vmem>>, vector<1x1024xf32>
    %dot_general3A_167 = arith.constant dense<0.000000e+00> : vector<1152x1024xf32>
    %dot_general3A_168 = tpu.matmul %add3A_25, %get3A_163, %dot_general3A_167 {dimension_numbers = #tpu.dot_dimension_numbers<[1], [1], [0], [0], [0, 0, 1, 0], [], []>, transpose_lhs_hint = false} : vector<1152x256xf32>, vector<1024x256xf32>, vector<1152x1024xf32> -> vector<1152x1024xf32>
    %add3A_169 = vector.broadcast %broadcast_in_dim3A : vector<1152x1xf32> to vector<1152x1024xf32>
    %add3A_170 = vector.broadcast %get3A_166 : vector<1x1024xf32> to vector<1152x1024xf32>
    %add3A_171 = arith.addf %add3A_169, %add3A_170 : vector<1152x1024xf32>
    %sub3A_172 = arith.subf %add3A_171, %dot_general3A_168 : vector<1152x1024xf32>
    %reduce_min3A_173 = arith.constant dense<0x7F800000> : vector<1152xf32>
    %reduce_min3A_174 = vector.multi_reduction <minimumf>, %sub3A_172, %reduce_min3A_173 [1] : vector<1152x1024xf32> to vector<1152xf32>
    %broadcast_in_dim3A_175 = vector.shape_cast %reduce_min3A_174 : vector<1152xf32> to vector<1152x1xf32>
    %eq3A_176 = vector.broadcast %broadcast_in_dim3A_175 : vector<1152x1xf32> to vector<1152x1024xf32>
    %eq3A_177 = arith.cmpf oeq, %sub3A_172, %eq3A_176 : vector<1152x1024xf32>
    %jit3A_178 = arith.constant 8.192000e+03 : f32
    %broadcast_in_dim3A_179 = vector.shape_cast %convert_element_type3A : vector<1x1024xf32> to vector<1x1024xf32>
    %broadcast_in_dim3A_180 = vector.broadcast %broadcast_in_dim3A_179 : vector<1x1024xf32> to vector<1152x1024xf32>
    %broadcast_in_dim3A_181 = vector.broadcast %jit3A_178 : f32 to vector<1152x1024xf32>
    %select_n3A_182 = arith.select %eq3A_177, %broadcast_in_dim3A_180, %broadcast_in_dim3A_181 : vector<1152x1024xi1>, vector<1152x1024xf32>
    %reduce_min3A_183 = arith.constant dense<0x7F800000> : vector<1152xf32>
    %reduce_min3A_184 = vector.multi_reduction <minimumf>, %select_n3A_182, %reduce_min3A_183 [1] : vector<1152x1024xf32> to vector<1152xf32>
    %broadcast_in_dim3A_185 = vector.shape_cast %reduce_min3A_184 : vector<1152xf32> to vector<1152x1xf32>
    %add3A_186 = arith.constant 5.120000e+03 : f32
    %add3A_187 = vector.broadcast %add3A_186 : f32 to vector<1152x1xf32>
    %add3A_188 = arith.addf %broadcast_in_dim3A_185, %add3A_187 : vector<1152x1xf32>
    %get3A_189 = arith.constant 6144 : index
    %get3A_190 = arith.constant 0 : index
    %get3A_191 = vector.load %arg4[%get3A_189, %get3A_190] : memref<8192x256xf32, #tpu.memory_space<vmem>>, vector<1024x256xf32>
    %get3A_192 = arith.constant 0 : index
    %get3A_193 = arith.constant 6144 : index
    %get3A_194 = vector.load %arg5[%get3A_192, %get3A_193] : memref<1x8192xf32, #tpu.memory_space<vmem>>, vector<1x1024xf32>
    %dot_general3A_195 = arith.constant dense<0.000000e+00> : vector<1152x1024xf32>
    %dot_general3A_196 = tpu.matmul %add3A_25, %get3A_191, %dot_general3A_195 {dimension_numbers = #tpu.dot_dimension_numbers<[1], [1], [0], [0], [0, 0, 1, 0], [], []>, transpose_lhs_hint = false} : vector<1152x256xf32>, vector<1024x256xf32>, vector<1152x1024xf32> -> vector<1152x1024xf32>
    %add3A_197 = vector.broadcast %broadcast_in_dim3A : vector<1152x1xf32> to vector<1152x1024xf32>
    %add3A_198 = vector.broadcast %get3A_194 : vector<1x1024xf32> to vector<1152x1024xf32>
    %add3A_199 = arith.addf %add3A_197, %add3A_198 : vector<1152x1024xf32>
    %sub3A_200 = arith.subf %add3A_199, %dot_general3A_196 : vector<1152x1024xf32>
    %reduce_min3A_201 = arith.constant dense<0x7F800000> : vector<1152xf32>
    %reduce_min3A_202 = vector.multi_reduction <minimumf>, %sub3A_200, %reduce_min3A_201 [1] : vector<1152x1024xf32> to vector<1152xf32>
    %broadcast_in_dim3A_203 = vector.shape_cast %reduce_min3A_202 : vector<1152xf32> to vector<1152x1xf32>
    %eq3A_204 = vector.broadcast %broadcast_in_dim3A_203 : vector<1152x1xf32> to vector<1152x1024xf32>
    %eq3A_205 = arith.cmpf oeq, %sub3A_200, %eq3A_204 : vector<1152x1024xf32>
    %jit3A_206 = arith.constant 8.192000e+03 : f32
    %broadcast_in_dim3A_207 = vector.shape_cast %convert_element_type3A : vector<1x1024xf32> to vector<1x1024xf32>
    %broadcast_in_dim3A_208 = vector.broadcast %broadcast_in_dim3A_207 : vector<1x1024xf32> to vector<1152x1024xf32>
    %broadcast_in_dim3A_209 = vector.broadcast %jit3A_206 : f32 to vector<1152x1024xf32>
    %select_n3A_210 = arith.select %eq3A_205, %broadcast_in_dim3A_208, %broadcast_in_dim3A_209 : vector<1152x1024xi1>, vector<1152x1024xf32>
    %reduce_min3A_211 = arith.constant dense<0x7F800000> : vector<1152xf32>
    %reduce_min3A_212 = vector.multi_reduction <minimumf>, %select_n3A_210, %reduce_min3A_211 [1] : vector<1152x1024xf32> to vector<1152xf32>
    %broadcast_in_dim3A_213 = vector.shape_cast %reduce_min3A_212 : vector<1152xf32> to vector<1152x1xf32>
    %add3A_214 = arith.constant 6.144000e+03 : f32
    %add3A_215 = vector.broadcast %add3A_214 : f32 to vector<1152x1xf32>
    %add3A_216 = arith.addf %broadcast_in_dim3A_213, %add3A_215 : vector<1152x1xf32>
    %get3A_217 = arith.constant 7168 : index
    %get3A_218 = arith.constant 0 : index
    %get3A_219 = vector.load %arg4[%get3A_217, %get3A_218] : memref<8192x256xf32, #tpu.memory_space<vmem>>, vector<1024x256xf32>
    %get3A_220 = arith.constant 0 : index
    %get3A_221 = arith.constant 7168 : index
    %get3A_222 = vector.load %arg5[%get3A_220, %get3A_221] : memref<1x8192xf32, #tpu.memory_space<vmem>>, vector<1x1024xf32>
    %dot_general3A_223 = arith.constant dense<0.000000e+00> : vector<1152x1024xf32>
    %dot_general3A_224 = tpu.matmul %add3A_25, %get3A_219, %dot_general3A_223 {dimension_numbers = #tpu.dot_dimension_numbers<[1], [1], [0], [0], [0, 0, 1, 0], [], []>, transpose_lhs_hint = false} : vector<1152x256xf32>, vector<1024x256xf32>, vector<1152x1024xf32> -> vector<1152x1024xf32>
    %add3A_225 = vector.broadcast %broadcast_in_dim3A : vector<1152x1xf32> to vector<1152x1024xf32>
    %add3A_226 = vector.broadcast %get3A_222 : vector<1x1024xf32> to vector<1152x1024xf32>
    %add3A_227 = arith.addf %add3A_225, %add3A_226 : vector<1152x1024xf32>
    %sub3A_228 = arith.subf %add3A_227, %dot_general3A_224 : vector<1152x1024xf32>
    %reduce_min3A_229 = arith.constant dense<0x7F800000> : vector<1152xf32>
    %reduce_min3A_230 = vector.multi_reduction <minimumf>, %sub3A_228, %reduce_min3A_229 [1] : vector<1152x1024xf32> to vector<1152xf32>
    %broadcast_in_dim3A_231 = vector.shape_cast %reduce_min3A_230 : vector<1152xf32> to vector<1152x1xf32>
    %eq3A_232 = vector.broadcast %broadcast_in_dim3A_231 : vector<1152x1xf32> to vector<1152x1024xf32>
    %eq3A_233 = arith.cmpf oeq, %sub3A_228, %eq3A_232 : vector<1152x1024xf32>
    %jit3A_234 = arith.constant 8.192000e+03 : f32
    %broadcast_in_dim3A_235 = vector.shape_cast %convert_element_type3A : vector<1x1024xf32> to vector<1x1024xf32>
    %broadcast_in_dim3A_236 = vector.broadcast %broadcast_in_dim3A_235 : vector<1x1024xf32> to vector<1152x1024xf32>
    %broadcast_in_dim3A_237 = vector.broadcast %jit3A_234 : f32 to vector<1152x1024xf32>
    %select_n3A_238 = arith.select %eq3A_233, %broadcast_in_dim3A_236, %broadcast_in_dim3A_237 : vector<1152x1024xi1>, vector<1152x1024xf32>
    %reduce_min3A_239 = arith.constant dense<0x7F800000> : vector<1152xf32>
    %reduce_min3A_240 = vector.multi_reduction <minimumf>, %select_n3A_238, %reduce_min3A_239 [1] : vector<1152x1024xf32> to vector<1152xf32>
    %broadcast_in_dim3A_241 = vector.shape_cast %reduce_min3A_240 : vector<1152xf32> to vector<1152x1xf32>
    %add3A_242 = arith.constant 7.168000e+03 : f32
    %add3A_243 = vector.broadcast %add3A_242 : f32 to vector<1152x1xf32>
    %add3A_244 = arith.addf %broadcast_in_dim3A_241, %add3A_243 : vector<1152x1xf32>
    %lt3A = arith.cmpf olt, %broadcast_in_dim3A_63, %broadcast_in_dim3A_38 : vector<1152x1xf32>
    %select_n3A_245 = arith.select %lt3A, %broadcast_in_dim3A_63, %broadcast_in_dim3A_38 : vector<1152x1xi1>, vector<1152x1xf32>
    %select_n3A_246 = arith.select %lt3A, %add3A_76, %add3A_48 : vector<1152x1xi1>, vector<1152x1xf32>
    %lt3A_247 = arith.cmpf olt, %broadcast_in_dim3A_91, %select_n3A_245 : vector<1152x1xf32>
    %select_n3A_248 = arith.select %lt3A_247, %broadcast_in_dim3A_91, %select_n3A_245 : vector<1152x1xi1>, vector<1152x1xf32>
    %select_n3A_249 = arith.select %lt3A_247, %add3A_104, %select_n3A_246 : vector<1152x1xi1>, vector<1152x1xf32>
    %lt3A_250 = arith.cmpf olt, %broadcast_in_dim3A_119, %select_n3A_248 : vector<1152x1xf32>
    %select_n3A_251 = arith.select %lt3A_250, %broadcast_in_dim3A_119, %select_n3A_248 : vector<1152x1xi1>, vector<1152x1xf32>
    %select_n3A_252 = arith.select %lt3A_250, %add3A_132, %select_n3A_249 : vector<1152x1xi1>, vector<1152x1xf32>
    %lt3A_253 = arith.cmpf olt, %broadcast_in_dim3A_147, %select_n3A_251 : vector<1152x1xf32>
    %select_n3A_254 = arith.select %lt3A_253, %broadcast_in_dim3A_147, %select_n3A_251 : vector<1152x1xi1>, vector<1152x1xf32>
    %select_n3A_255 = arith.select %lt3A_253, %add3A_160, %select_n3A_252 : vector<1152x1xi1>, vector<1152x1xf32>
    %lt3A_256 = arith.cmpf olt, %broadcast_in_dim3A_175, %select_n3A_254 : vector<1152x1xf32>
    %select_n3A_257 = arith.select %lt3A_256, %broadcast_in_dim3A_175, %select_n3A_254 : vector<1152x1xi1>, vector<1152x1xf32>
    %select_n3A_258 = arith.select %lt3A_256, %add3A_188, %select_n3A_255 : vector<1152x1xi1>, vector<1152x1xf32>
    %lt3A_259 = arith.cmpf olt, %broadcast_in_dim3A_203, %select_n3A_257 : vector<1152x1xf32>
    %select_n3A_260 = arith.select %lt3A_259, %broadcast_in_dim3A_203, %select_n3A_257 : vector<1152x1xi1>, vector<1152x1xf32>
    %select_n3A_261 = arith.select %lt3A_259, %add3A_216, %select_n3A_258 : vector<1152x1xi1>, vector<1152x1xf32>
    %lt3A_262 = arith.cmpf olt, %broadcast_in_dim3A_231, %select_n3A_260 : vector<1152x1xf32>
    %select_n3A_263 = arith.select %lt3A_262, %add3A_244, %select_n3A_261 : vector<1152x1xi1>, vector<1152x1xf32>
    %convert_element_type3A_264 = arith.fptosi %select_n3A_263 : vector<1152x1xf32> to vector<1152x1xi32>
    %swap3A_265 = arith.constant 0 : index
    %swap3A_266 = arith.constant 0 : index
    %swap3A_267 = vector.load %arg6[%swap3A_265, %swap3A_266] : memref<1152x1xi32, #tpu.memory_space<vmem>>, vector<1152x1xi32>
    tpu.vector_store %arg6[%swap3A_265, %swap3A_266], %convert_element_type3A_264 {strides = array<i32>} : memref<1152x1xi32, #tpu.memory_space<vmem>>, vector<1152x1xi32>,
    return
  }
  func.func @transform_0(%arg0: i32) -> (i32, i32) {
    %c0_i32 = arith.constant 0 : i32
    %c0_i32_0 = arith.constant 0 : i32
    return %arg0, %c0_i32 : i32, i32
  }
  func.func @transform_1(%arg0: i32) -> (i32, i32) {
    %c0_i32 = arith.constant 0 : i32
    %c0_i32_0 = arith.constant 0 : i32
    return %arg0, %c0_i32 : i32, i32
  }
  func.func @transform_2(%arg0: i32) -> (i32, i32) {
    %c0_i32 = arith.constant 0 : i32
    %c0_i32_0 = arith.constant 0 : i32
    return %arg0, %c0_i32 : i32, i32
  }
  func.func @transform_3(%arg0: i32) -> (i32, i32) {
    %c0_i32 = arith.constant 0 : i32
    %c0_i32_0 = arith.constant 0 : i32
    %c0_i32_1 = arith.constant 0 : i32
    return %c0_i32, %c0_i32_0 : i32, i32
  }
  func.func @transform_4(%arg0: i32) -> (i32, i32) {
    %c0_i32 = arith.constant 0 : i32
    %c0_i32_0 = arith.constant 0 : i32
    %c0_i32_1 = arith.constant 0 : i32
    return %c0_i32, %c0_i32_0 : i32, i32
  }
  func.func @transform_5(%arg0: i32) -> (i32, i32) {
    %c0_i32 = arith.constant 0 : i32
    %c0_i32_0 = arith.constant 0 : i32
    return %arg0, %c0_i32 : i32, i32
  }
  func.func @transform_6(%arg0: i32) -> (i32, i32) {
    %c0_i32 = arith.constant 0 : i32
    %c0_i32_0 = arith.constant 0 : i32
    return %arg0, %c0_i32 : i32, i32
  }
  func.func @transform_7(%arg0: i32) -> (i32, i32) {
    %c0_i32 = arith.constant 0 : i32
    %c0_i32_0 = arith.constant 0 : i32
    return %arg0, %c0_i32 : i32, i32
  }
  func.func @transform_8(%arg0: i32) -> (i32, i32, i32) {
    %c0_i32 = arith.constant 0 : i32
    %c0_i32_0 = arith.constant 0 : i32
    %c0_i32_1 = arith.constant 0 : i32
    return %arg0, %c0_i32, %c0_i32_0 : i32, i32, i32
  }
}

</mosaic_0001>

<sc_bundles>
// kernel: kernel.18.cloned.1.call-start
scs
__scs_entry_jumppad:
0x0: {  	(pc) =	sbr.rel $0x88, $3  }
0x1: {  	(tag) =	ssettag $0x0;
	lr =	simm.s32 $0x1  }
0x2: {  	[smem:$0x3F9F] =	sst lr;
	_ =	strace $0xD0000000  }
0x3: {  	_ = 	snop  }
0x4: {  	_ = 	snop  }
0x5: {  	_ = 	snop  }
0x6: {  	_ = 	snop  }
0x7: {  	_ = 	snop  }
__scs_overlays_trampoline_lowered:
0x8: {  	[smem:$0x3FAE] =	sst s0  }
0x9: {  	[smem:$0x3FAF] =	sst s1  }
0xa: {  	[smem:$0x3FB0] =	sst s2  }
0xb: {  	[smem:$0x3FB1] =	sst s3  }
0xc: {  	[smem:$0x3FB2] =	sst s4  }
0xd: {  	[smem:$0x3FB3] =	sst s5  }
0xe: {  	[smem:$0x3FB4] =	sst s6  }
0xf: {  	[smem:$0x3FB5] =	sst s7  }
0x10: {  	[smem:$0x3FB6] =	sst s8  }
0x11: {  	[smem:$0x3FB7] =	sst s9;
	s0 =	simm.s32 @!p0 $0x0  }
0x12: {  	s1 =	sld [smem:$0x3F9D];
	s0 =	simm.s32 @p0 $0x1  }
0x13: {  	[smem:$0x3FB8] =	sst s0;
	s0 =	simm.s32 @!p1 $0x0  }
0x14: {  	s2 =	sld [smem:$0x3F9C];
	s0 =	simm.s32 @p1 $0x1  }
0x15: {  	[smem:$0x3FB9] =	sst s0;
	s0 =	simm.s32 @!p2 $0x0  }
0x16: {  	s3 =	sld [smem:$0x3FDB];
	s0 =	simm.s32 @p2 $0x1  }
0x17: {  	s4 =	simm.s32 $0x1BF5;
	[smem:$0x3FBB] =	sst s0  }
0x18: {  	s0 =	sld [smem:$0x3F9E];
	_ =	swait.ge [sflag:s4], $0x0  }
0x19: {  	s7 =	sld [smem:$0x3F9F]  }
0x1a: {  	s8 =	sadd.s32 $0xFFFFE003, lr  }
0x1b: {  	s9 =	sadd.s32 $0xFFFFFEF7, lr;
	s5 =	simm.s32 $0xFFFFFFFF;
	p2 =	slt.u32 s8, $0xFFFFF086  }
0x1c: {  	p1 =	slt.u32 s9, $0xF7A;
	s5 =	simm.s32 @!p2 $0x0  }
0x1d: {  	s5 =	simm.s32 @p1 $0x1;
	p0 =	seq.s32 s7, s2  }
0x1e: {  	s7 =	smul.u32 @!p0 $0xF7A, s2;
	p2 =	seq.s32 @!p0 s5, $0x0  }
0x1f: {  	s9 =	smul.u32 $0xF7A, s1;
	s8 =	simm.s32 @!p0 $0x1BF5;
	p2 =	por !p2, p0  }
0x20: {  	[sflag:s8] =	ssyncset.s32 @!p0 $0xFFFFF086;
	s6 =	sadd.s32 @!p0 s3, s7;
	s7 =	simm.s32 @!p0 $0x108  }
0x21: {  	s3 =	sadd.s32 s3, s9;
	s6 =	sadd.s32 @!p0 $0x88, s6;
	s7 =	simm.s32 @p2 $0x1082  }
0x22: {  	[simem:s7], [sflag:s8] =	dma.local @!p0 [hbm:s6], $0xF7A  }
0x23: {  	s9 =	sor.u32 $0xD0000000, s2;
	s6 =	simm.s32 $0x108;
	_ =	swait.ge @!p0 [sflag:s8], $0x0  }
0x24: {  	s3 =	sadd.s32 $0x88, s3;
	s6 =	simm.s32 @!p1 $0x1082;
	[sflag:s4] =	ssyncset.s32 $0xFFFFF086  }
0x25: {  	[simem:s6], [sflag:s4] =	dma.local [hbm:s3], $0xF7A  }
0x26: {  	[smem:$0x3F9F] =	sst s1;
	(tag) =	ssettag s2;
	_ =	strace s9  }
0x27: {  	s1 =	sld [smem:$0x3FAF]  }
0x28: {  	s2 =	sld [smem:$0x3FB0]  }
0x29: {  	s4 =	sld [smem:$0x3FB2]  }
0x2a: {  	p0 =	seq.s32 s5, $0x0;
	s5 =	sld [smem:$0x3FB3]  }
0x2b: {  	s6 =	sld [smem:$0x3FB4]  }
0x2c: {  	s7 =	sld [smem:$0x3FB5]  }
0x2d: {  	s3 =	simm.s32 $0x108;
	s8 =	sld [smem:$0x3FB6]  }
0x2e: {  	s3 =	simm.s32 @!p0 $0x1082;
	s9 =	sld [smem:$0x3FB7]  }
0x2f: {  	lr =	sadd.s32 s0, s3;
	s0 =	sld [smem:$0x3FAE]  }
0x30: {  	s3 =	sld [smem:$0x3FB1]  }
0x31: {  	[smem:$0x3FBA] =	sst s10  }
0x32: {  	s10 =	sld [smem:$0x3FB8];
	_ =	sdelay $0x3  }
0x33: {  	p0 =	seq.s32 s10, $0x1;
	s10 =	sld [smem:$0x3FBA];
	_ =	sdelay $0x3  }
0x34: {  	[smem:$0x3FBA] =	sst s10  }
0x35: {  	s10 =	sld [smem:$0x3FB9];
	_ =	sdelay $0x3  }
0x36: {  	p1 =	seq.s32 s10, $0x1;
	s10 =	sld [smem:$0x3FBA];
	_ =	sdelay $0x3  }
0x37: {  	[smem:$0x3FBA] =	sst s10  }
0x38: {  	s10 =	sld [smem:$0x3FBB]  }
0x39: {  	_ = 	snop;
	(pc) =	sbr.ind lr, $3  }
0x3a: {  	_ = 	snop  }
0x3b: {  	_ = 	snop  }
0x3c: {  	p2 =	seq.s32 s10, $0x1;
	s10 =	sld [smem:$0x3FBA]  }
0x3d: {  	_ =	shalt  }
0x3e: {  	_ =	shalt  }
0x3f: {  	_ =	shalt  }
0x40: {  	_ =	shalt  }
0x41: {  	_ =	shalt  }
0x42: {  	_ =	shalt  }
0x43: {  	_ =	shalt  }
0x44: {  	_ =	shalt  }
0x45: {  	_ =	shalt  }
0x46: {  	_ =	shalt  }
0x47: {  	_ =	shalt  }
0x48: {  	_ =	shalt  }
0x49: {  	_ =	shalt  }
0x4a: {  	_ =	shalt  }
0x4b: {  	_ =	shalt  }
0x4c: {  	_ =	shalt  }
0x4d: {  	_ =	shalt  }
0x4e: {  	_ =	shalt  }
0x4f: {  	_ =	shalt  }
0x50: {  	_ =	shalt  }
0x51: {  	_ =	shalt  }
0x52: {  	_ =	shalt  }
0x53: {  	_ =	shalt  }
0x54: {  	_ =	shalt  }
0x55: {  	_ =	shalt  }
0x56: {  	_ =	shalt  }
0x57: {  	_ =	shalt  }
0x58: {  	_ =	shalt  }
0x59: {  	_ =	shalt  }
0x5a: {  	_ =	shalt  }
0x5b: {  	_ =	shalt  }
0x5c: {  	_ =	shalt  }
0x5d: {  	_ =	shalt  }
0x5e: {  	_ =	shalt  }
0x5f: {  	_ =	shalt  }
0x60: {  	_ =	shalt  }
0x61: {  	_ =	shalt  }
0x62: {  	_ =	shalt  }
0x63: {  	_ =	shalt  }
0x64: {  	_ =	shalt  }
0x65: {  	_ =	shalt  }
0x66: {  	_ =	shalt  }
0x67: {  	_ =	shalt  }
0x68: {  	_ =	shalt  }
0x69: {  	_ =	shalt  }
0x6a: {  	_ =	shalt  }
0x6b: {  	_ =	shalt  }
0x6c: {  	_ =	shalt  }
0x6d: {  	_ =	shalt  }
0x6e: {  	_ =	shalt  }
0x6f: {  	_ =	shalt  }
0x70: {  	_ =	shalt  }
0x71: {  	_ =	shalt  }
0x72: {  	_ =	shalt  }
0x73: {  	_ =	shalt  }
0x74: {  	_ =	shalt  }
0x75: {  	_ =	shalt  }
0x76: {  	_ =	shalt  }
0x77: {  	_ =	shalt  }
0x78: {  	_ =	shalt  }
0x79: {  	_ =	shalt  }
0x7a: {  	_ =	shalt  }
0x7b: {  	_ =	shalt  }
0x7c: {  	_ =	shalt  }
0x7d: {  	_ =	shalt  }
0x7e: {  	_ =	shalt  }
0x7f: {  	_ =	shalt  }
0x80: {  	_ =	shalt  }
0x81: {  	_ =	shalt  }
0x82: {  	_ =	shalt  }
0x83: {  	_ =	shalt  }
0x84: {  	_ =	shalt  }
0x85: {  	_ =	shalt  }
0x86: {  	_ =	shalt  }
0x87: {  	_ =	shalt  }
.Lfunc_end0:
.L_simem_size_0:
called_computation_lowered:
.L_overlay_start_0:
0x88: {  	s2 =	sld [smem:$0x3FD9]  }
0x89: {  	s3 =	sld [smem:$0x3FFE];
	_ =	sdelay $0x1  }
0x8a: {  	s1 =	srdreg.scid  }
0x8b: {  	s0 =	sand.u32 $0x1, s1  }
0x8c: {  	s16 =	sshll.u32 s0, $0xA;
	s2 =	sadd.s32 s3, s2  }
0x8d: {  	s2 =	sadd.s32 s2, s16  }
0x8e: {  	[smem:$0x3FC6] =	sst s2  }
0x8f: {  	_ = 	snop  }
0x90: {  	(tm) =	ssettm $0x1  }
0x91: {  	s17 =	sld [smem:$0x3FFB];
	_ =	sdelay $0x3  }
0x92: {  	_ =	strace s17  }
0x93: {  	s2 =	sld [smem:$0x3FFC];
	_ =	sdelay $0x3  }
0x94: {  	_ =	strace s2  }
0x95: {  	s2 =	sld [smem:$0x3FFD];
	_ =	sdelay $0x3  }
0x96: {  	_ =	strace s2  }
0x97: {  	_ =	strace $0x8FFFFFFF  }
0x98: {  	s18 =	sld [smem:$0x3FDB];
	_ =	sdelay $0x1  }
0x99: {  	s19 =	simm.s32 $_scs_section_size  }
0x9a: {  	s4 =	simm.s32 $_size__tile_overlayer_lowered;
	s5 =	simm.s32 $_tile_overlayer_lowered  }
0x9b: {  	s22 =	simm.s32 $0x1BFF;
	s21 =	sshll.u32 s5, $0x1;
	s2 =	sadd.s32 s19, s18  }
0x9c: {  	s6 =	simm.s32 $0x0;
	s20 =	sshll.u32 s4, $0x1;
	s4 =	sadd.s32 s21, s2  }
0x9d: {  	[timem:s6], [sflag:s22] =	dma.local [hbm:s4], s20  }
0x9e: {  	_ =	swait.ge [sflag:s22], s20  }
0x9f: {  	s3 =	ssub.s32 $0x0, s20;
	[sflag:s22] =	ssyncset.done $0x0  }
0xa0: {  	[sflag:s22] =	ssyncadd.s32 s3;
	_ =	sdelay $0x1  }
0xa1: {  	s23 =	simm.s32 $0x1B8B  }
0xa2: {  	_ =	swait.ge [sflag:s23], $0x1  }
0xa3: {  	[sflag:s23] =	ssyncset.done $0x0  }
0xa4: {  	s25 =	simm.s32 $0x1B8E;
	s24 =	sld [smem:$0x3FFE];
	[sflag:s23] =	ssyncadd.s32 $0xFFFFFFFF  }
0xa5: {  	s26 =	simm.s32 $execute0_lowered;
	[smem:$0x3FD2] =	sst s25  }
0xa6: {  	s4 =	sshll.u32 s26, $0x1;
	_ =	strace $0x80000046;
	[dreg:$0x1] =	wrdreg $0xFFFFFFFF  }
0xa7: {  	s28 =	simm.s32 $_size_execute0_lowered;
	s2 =	sadd.s32 s2, s4;
	[dreg:$0x0] =	wrdreg $0x0  }
0xa8: {  	s4 =	sshll.u32 s28, $0x1;
	[dreg:$0x2] =	wrdreg s2  }
0xa9: {  	[dreg:$0x3] =	wrdreg s4  }
0xaa: {  	[dreg:$0x4] =	wrdreg $0xC0  }
0xab: {  	_ =	task [dreg:s6], $0x5FFFF  }
0xac: {  	[dreg:$0x1] =	wrdreg $0xFFFFFFFF  }
0xad: {  	[dreg:$0x0] =	wrdreg $0x60  }
0xae: {  	[dreg:$0x2] =	wrdreg s24  }
0xaf: {  	[dreg:$0x3] =	wrdreg $0x9  }
0xb0: {  	_ =	task.clear_ibuf [dreg:s6], $0x4FFFF;
	_ =	strace $0x90000046  }
0xb1: {  	s29 =	simm.s32 $0x9;
	_ =	strace $0x80000048  }
0xb2: {  	_ =	swait.ge [sflag:s29], $0x1  }
0xb3: {  	[sflag:s29] =	ssyncadd.s32 $0xFFFFFFFF  }
0xb4: {  	_ =	strace $0x90000048  }
0xb5: {  	_ =	sfence  }
0xb6: {  	s30 =	sld [smem:$0x0];
	_ =	sdelay $0x2  }
0xb7: {  	s31 =	sshll.u32 s1, $0xD;
	s1 =	sshrl.u32 s1, $0x2  }
0xb8: {  	s3 =	sand.u32 $0x4000, s31;
	s1 =	sadd.s32 s1, s30  }
0xb9: {  	s0 =	sor.u32 s3, s0;
	s1 =	sshll.u32 s1, $0x11  }
0xba: {  	s0 =	sor.u32 s1, s0  }
0xbb: {  	s0 =	sadd.s32 $0x8F2B, s0  }
0xbc: {  	[sflag:s0] =	ssyncadd.remote.s32 $0x1  }
0xbd: {  	_ =	sfence.sel $0xFFFF  }
0xbe: {  	[dreg:$0x0] =	wrdreg $0xFFFFFFFF;
	(pc) =	sbr.abs _section_cstart, $3  }
0xbf: {  	[dreg:$0x1] =	wrdreg $0xFFFFFFFF  }
0xc0: {  	_ =	task.clear_ibuf [dreg:s6], $0x2FFFF;
	_ =	strace $0x9FFFFFFF  }
0xc1: {  	(tm) =	ssettm $0x7FFFFFFF  }
tec
execute0_lowered:
.L_overlay_start_1:
0x0: {  	(tag) =	ssettag $0x1  }
0x1: {  	s1 =	srdreg.scid;
	s0 =	stileid.u32  }
0x2: {  	s5 =	rddreg [dreg:$0x0];
	s2 =	simm.s32 $0x0;
	s8 =	simm.s32 $0x80  }
0x3: {  	s9 =	simm.s32 $0x880;
	s10 =	simm.s32 $0x1080;
	s11 =	simm.s32 $0x1880  }
0x4: {  	s12 =	simm.s32 $0x2080;
	s13 =	simm.s32 $0x2880;
	s14 =	simm.s32 $0x3080  }
0x5: {  	s15 =	simm.s32 $0x3880;
	s4 =	sand.u32 $0x1, s1;
	s30 =	sshll.u32 s0, $0x1  }
0x6: {  	s16 =	simm.s32 $0x4080;
	s1 =	rddreg [dreg:$0x1];
	s3 =	sor.u32 s4, s30  }
0x7: {  	s17 =	simm.s32 $0x1;
	[smem:$0x7FF] =	sst s2;
	s6 =	smul.u32 $0x9, s3  }
0x8: {  	_ =	strace $0x80000047;
	s4 =	ssub.s32 $0x2, s4;
	s7 =	smul.u32 $0x900, s3  }
0x9: {  	v2 =	vlaneseq.u32;
	s3 =	sadd.s32 $0x186200, s5;
	s31 =	sshrl.u32 s4, $0x1;
	s6 =	sadd.s32 s6, s5  }
0xa: {  	vm0 =	vmmov $0xffff;
	v1 =	vshrl.u32 v2, $0x3;
	s5 =	sadd.s32 s7, s5;
	s7 =	ssub.s32 s4, s31;
	s4 =	sadd.s32 $0x218600, s6  }
0xb: {  	v0 =	vand.u32 $0x7, v2;
	v2 =	vor.u32 $0x8, v2;
	v1 =	vmul.u32 $0x8, v1;
	s5 =	sadd.s32 $0x218800, s5;
	s6 =	smax.u32 s7, $0x1;
	s7 =	simm.s32 $0x2  }
.LBB2_1:
0xc: {  	[tilespmem:s2], [sflag:$0x2] =	stream.linear.gather [hbm4b:s4+s2], $0x48, $0x38;
	[tilespmem:$0x4880] =	vst v63  }
0xd: {  	_ =	swait.ge [sflag:s7], $0x48  }
0xe: {  	[sflag:s7] =	ssyncset.done $0x0  }
0xf: {  	[sflag:s7] =	ssyncadd.s32 $0xFFFFFFB8  }
0x10: {  	v3 =	vld [tilespmem:$0x0];
	_ =	sdelay $0x4  }
0x11: {  	v4 =	vshll.u32 v3, $0x1  }
0x12: {  	v3 =	vand.u32 $0x7, v3;
	v4 =	vand.u32 $0xFFFFFFF0, v4  }
0x13: {  	v3 =	vor.u32 v3, v4  }
0x14: {  	v4 =	vperm.xlane v3, v0;
	_ =	sdelay $0x1  }
0x15: {  	v3 =	vperm.xlane v3, v2;
	v4 =	vadd.s32 v1, v4;
	_ =	sdelay $0x1  }
0x16: {  	v3 =	vadd.s32 v1, v3;
	_ =	sdelay $0x2  }
0x17: {  	[tilespmem:s8], [sflag:$0x1] =	stream.indirect_vreg.gather [hbm4b:s3+s2], $0x80, v4, vm0, $0xb8;
	[tilespmem:$0x4880] =	vst v63  }
0x18: {  	_ = 	snop  }
0x19: {  	[tilespmem:s9], [sflag:$0x1] =	stream.indirect_vreg.gather [hbm4b:s3+s2], $0x80, v3, vm0, $0xb8;
	[tilespmem:$0x4880] =	vst v63  }
0x1a: {  	v3 =	vld [tilespmem:$0x10];
	_ =	sdelay $0x4  }
0x1b: {  	v60 =	vshll.u32 v3, $0x1  }
0x1c: {  	v3 =	vand.u32 $0x7, v3;
	v4 =	vand.u32 $0xFFFFFFF0, v60  }
0x1d: {  	v3 =	vor.u32 v3, v4  }
0x1e: {  	v4 =	vperm.xlane v3, v0;
	_ =	sdelay $0x1  }
0x1f: {  	v3 =	vperm.xlane v3, v2;
	v4 =	vadd.s32 v1, v4;
	_ =	sdelay $0x1  }
0x20: {  	v3 =	vadd.s32 v1, v3;
	_ =	sdelay $0x2  }
0x21: {  	[tilespmem:s10], [sflag:$0x1] =	stream.indirect_vreg.gather [hbm4b:s3+s2], $0x80, v4, vm0, $0xb8;
	[tilespmem:$0x4880] =	vst v63  }
0x22: {  	_ = 	snop  }
0x23: {  	[tilespmem:s11], [sflag:$0x1] =	stream.indirect_vreg.gather [hbm4b:s3+s2], $0x80, v3, vm0, $0xb8;
	[tilespmem:$0x4880] =	vst v63  }
0x24: {  	v3 =	vld [tilespmem:$0x20];
	_ =	sdelay $0x4  }
0x25: {  	v61 =	vshll.u32 v3, $0x1  }
0x26: {  	v3 =	vand.u32 $0x7, v3;
	v4 =	vand.u32 $0xFFFFFFF0, v61  }
0x27: {  	v3 =	vor.u32 v3, v4  }
0x28: {  	v4 =	vperm.xlane v3, v0;
	_ =	sdelay $0x1  }
0x29: {  	v3 =	vperm.xlane v3, v2;
	v4 =	vadd.s32 v1, v4;
	_ =	sdelay $0x1  }
0x2a: {  	v3 =	vadd.s32 v1, v3;
	_ =	sdelay $0x2  }
0x2b: {  	[tilespmem:s12], [sflag:$0x1] =	stream.indirect_vreg.gather [hbm4b:s3+s2], $0x80, v4, vm0, $0xb8;
	[tilespmem:$0x4880] =	vst v63  }
0x2c: {  	_ = 	snop  }
0x2d: {  	[tilespmem:s13], [sflag:$0x1] =	stream.indirect_vreg.gather [hbm4b:s3+s2], $0x80, v3, vm0, $0xb8;
	[tilespmem:$0x4880] =	vst v63  }
0x2e: {  	v3 =	vld [tilespmem:$0x30];
	_ =	sdelay $0x4  }
0x2f: {  	v62 =	vshll.u32 v3, $0x1  }
0x30: {  	v3 =	vand.u32 $0x7, v3;
	v4 =	vand.u32 $0xFFFFFFF0, v62  }
0x31: {  	v3 =	vor.u32 v3, v4  }
0x32: {  	v4 =	vperm.xlane v3, v0;
	_ =	sdelay $0x1  }
0x33: {  	v3 =	vperm.xlane v3, v2;
	v4 =	vadd.s32 v1, v4;
	_ =	sdelay $0x1  }
0x34: {  	v3 =	vadd.s32 v1, v3;
	_ =	sdelay $0x2  }
0x35: {  	[tilespmem:s14], [sflag:$0x1] =	stream.indirect_vreg.gather [hbm4b:s3+s2], $0x80, v4, vm0, $0xb8;
	[tilespmem:$0x4880] =	vst v63  }
0x36: {  	_ = 	snop  }
0x37: {  	[tilespmem:s15], [sflag:$0x1] =	stream.indirect_vreg.gather [hbm4b:s3+s2], $0x80, v3, vm0, $0xb8;
	[tilespmem:$0x4880] =	vst v63  }
0x38: {  	v3 =	vld.msk [tilespmem:$0x40], $0xff;
	_ =	sdelay $0x4  }
0x39: {  	v63 =	vshll.u32 v3, $0x1  }
0x3a: {  	v3 =	vand.u32 $0x7, v3;
	v4 =	vand.u32 $0xFFFFFFF0, v63  }
0x3b: {  	v3 =	vor.u32 v3, v4  }
0x3c: {  	v3 =	vperm.xlane v3, v0;
	_ =	sdelay $0x1  }
0x3d: {  	v3 =	vadd.s32 v1, v3;
	_ =	sdelay $0x4  }
0x3e: {  	[tilespmem:s16], [sflag:$0x1] =	stream.indirect_vreg.gather [hbm4b:s3+s2], $0x80, v3, vm0, $0xb8;
	[tilespmem:$0x4880] =	vst v63  }
0x3f: {  	_ =	swait.ge [sflag:s17], $0x4800  }
0x40: {  	p0 =	sne.s32 s6, $0x1;
	[sflag:s17] =	ssyncset.done $0x0  }
.Ltmp0:
0x41: {  	[sflag:s17] =	ssyncadd.s32 $0xFFFFB800;
	(pc) =	sbr.rel @p0 .LBB2_1-.Ltmp0, $4  }
0x42: {  	[hbm4b:s5+s2] =	stream.linear.scatter [tilespmem:s8], [sflag:$0x2], $0x4800, $0x38;
	[tilespmem:$0x4880] =	vst v63  }
0x43: {  	_ =	swait.ge [sflag:s7], $0x4800  }
0x44: {  	[sflag:s7] =	ssyncset.done $0x0  }
0x45: {  	s6 =	sadd.s32 $0xFFFFFFFF, s6;
	[sflag:s7] =	ssyncadd.s32 $0xFFFFB800  }
0x46: {  	_ =	sfence.sel $0x180000  }
0x47: {  	[bflag:$0x0] =	sbarrier.arrive $0xFFFF  }
0x48: {  	p0 =	sne.s32 s0, $0x0;
	_ =	strace $0x90000047  }
0x49: {  	s0 =	sadd.s32 @!p0 $0x100000, s1;
	[bflag:$0x2] =	sbarrier.arrive $0xFFFF  }
0x4a: {  	[sflag:s0] =	ssyncadd.tile.s32 @!p0 $0x1;
	_ =	shalt  }
.Lfunc_end2:
_tile_overlayer_lowered:
.L_overlay_start_2:
0x4b: {  	(tag) =	ssettag $0x2  }
0x4c: {  	s0 =	rddreg [dreg:$0x0];
	s2 =	stileid.u32  }
0x4d: {  	s1 =	rddreg [dreg:$0x1];
	p0 =	sne.s32 s2, $0x0  }
0x4e: {  	s3 =	rddreg [dreg:$0x2];
	[bflag:$0x3] =	sbarrier.arrive $0xFFFF;
	s2 =	simm.s32 @!p0 $0x1C02  }
0x4f: {  	[timem:s3], [sflag:s2] =	dma.local @!p0 [hbm:s0], s1  }
0x50: {  	s0 =	simm.s32 @!p0 $0x2  }
0x51: {  	_ =	swait.ge @!p0 [sflag:s0], s1  }
0x52: {  	s1 =	ssub.s32 @!p0 $0x0, s1;
	[sflag:s0] =	ssyncset.done @!p0 $0x0  }
0x53: {  	[sflag:s0] =	ssyncadd.s32 @!p0 s1  }
0x54: {  	[bflag:$0x3] =	sbarrier.arrive $0xFFFF  }
0x55: {  	_ =	shalt  }

// kernel: kernel.21.cloned.1.call-start
scs
__scs_entry_jumppad:
0x0: {  	(pc) =	sbr.rel $0x88, $3  }
0x1: {  	(tag) =	ssettag $0x0;
	lr =	simm.s32 $0x1  }
0x2: {  	[smem:$0x3F9F] =	sst lr;
	_ =	strace $0xD0000000  }
0x3: {  	_ = 	snop  }
0x4: {  	_ = 	snop  }
0x5: {  	_ = 	snop  }
0x6: {  	_ = 	snop  }
0x7: {  	_ = 	snop  }
__scs_overlays_trampoline_lowered:
0x8: {  	[smem:$0x3FAE] =	sst s0  }
0x9: {  	[smem:$0x3FAF] =	sst s1  }
0xa: {  	[smem:$0x3FB0] =	sst s2  }
0xb: {  	[smem:$0x3FB1] =	sst s3  }
0xc: {  	[smem:$0x3FB2] =	sst s4  }
0xd: {  	[smem:$0x3FB3] =	sst s5  }
0xe: {  	[smem:$0x3FB4] =	sst s6  }
0xf: {  	[smem:$0x3FB5] =	sst s7  }
0x10: {  	[smem:$0x3FB6] =	sst s8  }
0x11: {  	[smem:$0x3FB7] =	sst s9;
	s0 =	simm.s32 @!p0 $0x0  }
0x12: {  	s1 =	sld [smem:$0x3F9D];
	s0 =	simm.s32 @p0 $0x1  }
0x13: {  	[smem:$0x3FB8] =	sst s0;
	s0 =	simm.s32 @!p1 $0x0  }
0x14: {  	s2 =	sld [smem:$0x3F9C];
	s0 =	simm.s32 @p1 $0x1  }
0x15: {  	[smem:$0x3FB9] =	sst s0;
	s0 =	simm.s32 @!p2 $0x0  }
0x16: {  	s3 =	sld [smem:$0x3FDB];
	s0 =	simm.s32 @p2 $0x1  }
0x17: {  	s4 =	simm.s32 $0x1BF5;
	[smem:$0x3FBB] =	sst s0  }
0x18: {  	s0 =	sld [smem:$0x3F9E];
	_ =	swait.ge [sflag:s4], $0x0  }
0x19: {  	s7 =	sld [smem:$0x3F9F]  }
0x1a: {  	s8 =	sadd.s32 $0xFFFFE003, lr  }
0x1b: {  	s9 =	sadd.s32 $0xFFFFFEF7, lr;
	s5 =	simm.s32 $0xFFFFFFFF;
	p2 =	slt.u32 s8, $0xFFFFF086  }
0x1c: {  	p1 =	slt.u32 s9, $0xF7A;
	s5 =	simm.s32 @!p2 $0x0  }
0x1d: {  	s5 =	simm.s32 @p1 $0x1;
	p0 =	seq.s32 s7, s2  }
0x1e: {  	s7 =	smul.u32 @!p0 $0xF7A, s2;
	p2 =	seq.s32 @!p0 s5, $0x0  }
0x1f: {  	s9 =	smul.u32 $0xF7A, s1;
	s8 =	simm.s32 @!p0 $0x1BF5;
	p2 =	por !p2, p0  }
0x20: {  	[sflag:s8] =	ssyncset.s32 @!p0 $0xFFFFF086;
	s6 =	sadd.s32 @!p0 s3, s7;
	s7 =	simm.s32 @!p0 $0x108  }
0x21: {  	s3 =	sadd.s32 s3, s9;
	s6 =	sadd.s32 @!p0 $0x88, s6;
	s7 =	simm.s32 @p2 $0x1082  }
0x22: {  	[simem:s7], [sflag:s8] =	dma.local @!p0 [hbm:s6], $0xF7A  }
0x23: {  	s9 =	sor.u32 $0xD0000000, s2;
	s6 =	simm.s32 $0x108;
	_ =	swait.ge @!p0 [sflag:s8], $0x0  }
0x24: {  	s3 =	sadd.s32 $0x88, s3;
	s6 =	simm.s32 @!p1 $0x1082;
	[sflag:s4] =	ssyncset.s32 $0xFFFFF086  }
0x25: {  	[simem:s6], [sflag:s4] =	dma.local [hbm:s3], $0xF7A  }
0x26: {  	[smem:$0x3F9F] =	sst s1;
	(tag) =	ssettag s2;
	_ =	strace s9  }
0x27: {  	s1 =	sld [smem:$0x3FAF]  }
0x28: {  	s2 =	sld [smem:$0x3FB0]  }
0x29: {  	s4 =	sld [smem:$0x3FB2]  }
0x2a: {  	p0 =	seq.s32 s5, $0x0;
	s5 =	sld [smem:$0x3FB3]  }
0x2b: {  	s6 =	sld [smem:$0x3FB4]  }
0x2c: {  	s7 =	sld [smem:$0x3FB5]  }
0x2d: {  	s3 =	simm.s32 $0x108;
	s8 =	sld [smem:$0x3FB6]  }
0x2e: {  	s3 =	simm.s32 @!p0 $0x1082;
	s9 =	sld [smem:$0x3FB7]  }
0x2f: {  	lr =	sadd.s32 s0, s3;
	s0 =	sld [smem:$0x3FAE]  }
0x30: {  	s3 =	sld [smem:$0x3FB1]  }
0x31: {  	[smem:$0x3FBA] =	sst s10  }
0x32: {  	s10 =	sld [smem:$0x3FB8];
	_ =	sdelay $0x3  }
0x33: {  	p0 =	seq.s32 s10, $0x1;
	s10 =	sld [smem:$0x3FBA];
	_ =	sdelay $0x3  }
0x34: {  	[smem:$0x3FBA] =	sst s10  }
0x35: {  	s10 =	sld [smem:$0x3FB9];
	_ =	sdelay $0x3  }
0x36: {  	p1 =	seq.s32 s10, $0x1;
	s10 =	sld [smem:$0x3FBA];
	_ =	sdelay $0x3  }
0x37: {  	[smem:$0x3FBA] =	sst s10  }
0x38: {  	s10 =	sld [smem:$0x3FBB]  }
0x39: {  	_ = 	snop;
	(pc) =	sbr.ind lr, $3  }
0x3a: {  	_ = 	snop  }
0x3b: {  	_ = 	snop  }
0x3c: {  	p2 =	seq.s32 s10, $0x1;
	s10 =	sld [smem:$0x3FBA]  }
0x3d: {  	_ =	shalt  }
0x3e: {  	_ =	shalt  }
0x3f: {  	_ =	shalt  }
0x40: {  	_ =	shalt  }
0x41: {  	_ =	shalt  }
0x42: {  	_ =	shalt  }
0x43: {  	_ =	shalt  }
0x44: {  	_ =	shalt  }
0x45: {  	_ =	shalt  }
0x46: {  	_ =	shalt  }
0x47: {  	_ =	shalt  }
0x48: {  	_ =	shalt  }
0x49: {  	_ =	shalt  }
0x4a: {  	_ =	shalt  }
0x4b: {  	_ =	shalt  }
0x4c: {  	_ =	shalt  }
0x4d: {  	_ =	shalt  }
0x4e: {  	_ =	shalt  }
0x4f: {  	_ =	shalt  }
0x50: {  	_ =	shalt  }
0x51: {  	_ =	shalt  }
0x52: {  	_ =	shalt  }
0x53: {  	_ =	shalt  }
0x54: {  	_ =	shalt  }
0x55: {  	_ =	shalt  }
0x56: {  	_ =	shalt  }
0x57: {  	_ =	shalt  }
0x58: {  	_ =	shalt  }
0x59: {  	_ =	shalt  }
0x5a: {  	_ =	shalt  }
0x5b: {  	_ =	shalt  }
0x5c: {  	_ =	shalt  }
0x5d: {  	_ =	shalt  }
0x5e: {  	_ =	shalt  }
0x5f: {  	_ =	shalt  }
0x60: {  	_ =	shalt  }
0x61: {  	_ =	shalt  }
0x62: {  	_ =	shalt  }
0x63: {  	_ =	shalt  }
0x64: {  	_ =	shalt  }
0x65: {  	_ =	shalt  }
0x66: {  	_ =	shalt  }
0x67: {  	_ =	shalt  }
0x68: {  	_ =	shalt  }
0x69: {  	_ =	shalt  }
0x6a: {  	_ =	shalt  }
0x6b: {  	_ =	shalt  }
0x6c: {  	_ =	shalt  }
0x6d: {  	_ =	shalt  }
0x6e: {  	_ =	shalt  }
0x6f: {  	_ =	shalt  }
0x70: {  	_ =	shalt  }
0x71: {  	_ =	shalt  }
0x72: {  	_ =	shalt  }
0x73: {  	_ =	shalt  }
0x74: {  	_ =	shalt  }
0x75: {  	_ =	shalt  }
0x76: {  	_ =	shalt  }
0x77: {  	_ =	shalt  }
0x78: {  	_ =	shalt  }
0x79: {  	_ =	shalt  }
0x7a: {  	_ =	shalt  }
0x7b: {  	_ =	shalt  }
0x7c: {  	_ =	shalt  }
0x7d: {  	_ =	shalt  }
0x7e: {  	_ =	shalt  }
0x7f: {  	_ =	shalt  }
0x80: {  	_ =	shalt  }
0x81: {  	_ =	shalt  }
0x82: {  	_ =	shalt  }
0x83: {  	_ =	shalt  }
0x84: {  	_ =	shalt  }
0x85: {  	_ =	shalt  }
0x86: {  	_ =	shalt  }
0x87: {  	_ =	shalt  }
.Lfunc_end0:
.L_simem_size_0:
called_computation.1_lowered:
.L_overlay_start_0:
0x88: {  	s2 =	sld [smem:$0x3FD9]  }
0x89: {  	s3 =	sld [smem:$0x3FFE];
	_ =	sdelay $0x1  }
0x8a: {  	s1 =	srdreg.scid  }
0x8b: {  	s0 =	sand.u32 $0x1, s1  }
0x8c: {  	s16 =	sshll.u32 s0, $0xA;
	s2 =	sadd.s32 s3, s2  }
0x8d: {  	s2 =	sadd.s32 s2, s16  }
0x8e: {  	[smem:$0x3FC6] =	sst s2  }
0x8f: {  	_ = 	snop  }
0x90: {  	(tm) =	ssettm $0x1  }
0x91: {  	s17 =	sld [smem:$0x3FFB];
	_ =	sdelay $0x3  }
0x92: {  	_ =	strace s17  }
0x93: {  	s2 =	sld [smem:$0x3FFC];
	_ =	sdelay $0x3  }
0x94: {  	_ =	strace s2  }
0x95: {  	s2 =	sld [smem:$0x3FFD];
	_ =	sdelay $0x3  }
0x96: {  	_ =	strace s2  }
0x97: {  	_ =	strace $0x8FFFFFFF  }
0x98: {  	s18 =	sld [smem:$0x3FDB];
	_ =	sdelay $0x1  }
0x99: {  	s19 =	simm.s32 $_scs_section_size  }
0x9a: {  	s4 =	simm.s32 $_size__tile_overlayer_lowered;
	s5 =	simm.s32 $_tile_overlayer_lowered  }
0x9b: {  	s22 =	simm.s32 $0x1BFF;
	s21 =	sshll.u32 s5, $0x1;
	s2 =	sadd.s32 s19, s18  }
0x9c: {  	s6 =	simm.s32 $0x0;
	s20 =	sshll.u32 s4, $0x1;
	s4 =	sadd.s32 s21, s2  }
0x9d: {  	[timem:s6], [sflag:s22] =	dma.local [hbm:s4], s20  }
0x9e: {  	_ =	swait.ge [sflag:s22], s20  }
0x9f: {  	s3 =	ssub.s32 $0x0, s20;
	[sflag:s22] =	ssyncset.done $0x0  }
0xa0: {  	[sflag:s22] =	ssyncadd.s32 s3;
	_ =	sdelay $0x1  }
0xa1: {  	s23 =	simm.s32 $0x1B8B  }
0xa2: {  	_ =	swait.ge [sflag:s23], $0x1  }
0xa3: {  	[sflag:s23] =	ssyncset.done $0x0  }
0xa4: {  	s25 =	simm.s32 $0x1B8E;
	s24 =	sld [smem:$0x3FFE];
	[sflag:s23] =	ssyncadd.s32 $0xFFFFFFFF  }
0xa5: {  	s26 =	simm.s32 $execute0_lowered;
	[smem:$0x3FD2] =	sst s25  }
0xa6: {  	s4 =	sshll.u32 s26, $0x1;
	_ =	strace $0x80000049;
	[dreg:$0x1] =	wrdreg $0xFFFFFFFF  }
0xa7: {  	s28 =	simm.s32 $_size_execute0_lowered;
	s2 =	sadd.s32 s2, s4;
	[dreg:$0x0] =	wrdreg $0x0  }
0xa8: {  	s4 =	sshll.u32 s28, $0x1;
	[dreg:$0x2] =	wrdreg s2  }
0xa9: {  	[dreg:$0x3] =	wrdreg s4  }
0xaa: {  	[dreg:$0x4] =	wrdreg $0xC0  }
0xab: {  	_ =	task [dreg:s6], $0x5FFFF  }
0xac: {  	[dreg:$0x1] =	wrdreg $0xFFFFFFFF  }
0xad: {  	[dreg:$0x0] =	wrdreg $0x60  }
0xae: {  	[dreg:$0x2] =	wrdreg s24  }
0xaf: {  	[dreg:$0x3] =	wrdreg $0x9  }
0xb0: {  	_ =	task.clear_ibuf [dreg:s6], $0x4FFFF;
	_ =	strace $0x90000049  }
0xb1: {  	s29 =	simm.s32 $0x9;
	_ =	strace $0x8000004B  }
0xb2: {  	_ =	swait.ge [sflag:s29], $0x1  }
0xb3: {  	[sflag:s29] =	ssyncadd.s32 $0xFFFFFFFF  }
0xb4: {  	_ =	strace $0x9000004B  }
0xb5: {  	_ =	sfence  }
0xb6: {  	s30 =	sld [smem:$0x0];
	_ =	sdelay $0x2  }
0xb7: {  	s31 =	sshll.u32 s1, $0xD;
	s1 =	sshrl.u32 s1, $0x2  }
0xb8: {  	s3 =	sand.u32 $0x4000, s31;
	s1 =	sadd.s32 s1, s30  }
0xb9: {  	s0 =	sor.u32 s3, s0;
	s1 =	sshll.u32 s1, $0x11  }
0xba: {  	s0 =	sor.u32 s1, s0  }
0xbb: {  	s0 =	sadd.s32 $0x8F2B, s0  }
0xbc: {  	[sflag:s0] =	ssyncadd.remote.s32 $0x1  }
0xbd: {  	_ =	sfence.sel $0xFFFF  }
0xbe: {  	[dreg:$0x0] =	wrdreg $0xFFFFFFFF;
	(pc) =	sbr.abs _section_cstart, $3  }
0xbf: {  	[dreg:$0x1] =	wrdreg $0xFFFFFFFF  }
0xc0: {  	_ =	task.clear_ibuf [dreg:s6], $0x2FFFF;
	_ =	strace $0x9FFFFFFF  }
0xc1: {  	(tm) =	ssettm $0x7FFFFFFF  }
tec
execute0_lowered:
.L_overlay_start_1:
0x0: {  	(tag) =	ssettag $0x1  }
0x1: {  	s1 =	srdreg.scid;
	s0 =	stileid.u32  }
0x2: {  	s5 =	rddreg [dreg:$0x0];
	s2 =	simm.s32 $0x0;
	s8 =	simm.s32 $0x80  }
0x3: {  	s9 =	simm.s32 $0x880;
	s10 =	simm.s32 $0x1080;
	s11 =	simm.s32 $0x1880  }
0x4: {  	s12 =	simm.s32 $0x2080;
	s13 =	simm.s32 $0x2880;
	s14 =	simm.s32 $0x3080  }
0x5: {  	s15 =	simm.s32 $0x3880;
	s4 =	sand.u32 $0x1, s1;
	s30 =	sshll.u32 s0, $0x1  }
0x6: {  	s16 =	simm.s32 $0x4080;
	s1 =	rddreg [dreg:$0x1];
	s3 =	sor.u32 s4, s30  }
0x7: {  	s17 =	simm.s32 $0x1;
	[smem:$0x7FF] =	sst s2;
	s6 =	smul.u32 $0x9, s3  }
0x8: {  	_ =	strace $0x8000004A;
	s4 =	ssub.s32 $0x2, s4;
	s7 =	smul.u32 $0x900, s3  }
0x9: {  	v2 =	vlaneseq.u32;
	s3 =	sadd.s32 $0x6200, s5;
	s31 =	sshrl.u32 s4, $0x1;
	s6 =	sadd.s32 s6, s5  }
0xa: {  	vm0 =	vmmov $0xffff;
	v1 =	vshrl.u32 v2, $0x3;
	s5 =	sadd.s32 s7, s5;
	s7 =	ssub.s32 s4, s31;
	s4 =	sadd.s32 $0x198200, s6  }
0xb: {  	v0 =	vand.u32 $0x7, v2;
	v2 =	vor.u32 $0x8, v2;
	v1 =	vmul.u32 $0x8, v1;
	s5 =	sadd.s32 $0x198400, s5;
	s6 =	smax.u32 s7, $0x1;
	s7 =	simm.s32 $0x2  }
.LBB2_1:
0xc: {  	[tilespmem:s2], [sflag:$0x2] =	stream.linear.gather [hbm4b:s4+s2], $0x48, $0x38;
	[tilespmem:$0x4880] =	vst v63  }
0xd: {  	_ =	swait.ge [sflag:s7], $0x48  }
0xe: {  	[sflag:s7] =	ssyncset.done $0x0  }
0xf: {  	[sflag:s7] =	ssyncadd.s32 $0xFFFFFFB8  }
0x10: {  	v3 =	vld [tilespmem:$0x0];
	_ =	sdelay $0x4  }
0x11: {  	v4 =	vshll.u32 v3, $0x1  }
0x12: {  	v3 =	vand.u32 $0x7, v3;
	v4 =	vand.u32 $0xFFFFFFF0, v4  }
0x13: {  	v3 =	vor.u32 v3, v4  }
0x14: {  	v4 =	vperm.xlane v3, v0;
	_ =	sdelay $0x1  }
0x15: {  	v3 =	vperm.xlane v3, v2;
	v4 =	vadd.s32 v1, v4;
	_ =	sdelay $0x1  }
0x16: {  	v3 =	vadd.s32 v1, v3;
	_ =	sdelay $0x2  }
0x17: {  	[tilespmem:s8], [sflag:$0x1] =	stream.indirect_vreg.gather [hbm4b:s3+s2], $0x80, v4, vm0, $0xb8;
	[tilespmem:$0x4880] =	vst v63  }
0x18: {  	_ = 	snop  }
0x19: {  	[tilespmem:s9], [sflag:$0x1] =	stream.indirect_vreg.gather [hbm4b:s3+s2], $0x80, v3, vm0, $0xb8;
	[tilespmem:$0x4880] =	vst v63  }
0x1a: {  	v3 =	vld [tilespmem:$0x10];
	_ =	sdelay $0x4  }
0x1b: {  	v60 =	vshll.u32 v3, $0x1  }
0x1c: {  	v3 =	vand.u32 $0x7, v3;
	v4 =	vand.u32 $0xFFFFFFF0, v60  }
0x1d: {  	v3 =	vor.u32 v3, v4  }
0x1e: {  	v4 =	vperm.xlane v3, v0;
	_ =	sdelay $0x1  }
0x1f: {  	v3 =	vperm.xlane v3, v2;
	v4 =	vadd.s32 v1, v4;
	_ =	sdelay $0x1  }
0x20: {  	v3 =	vadd.s32 v1, v3;
	_ =	sdelay $0x2  }
0x21: {  	[tilespmem:s10], [sflag:$0x1] =	stream.indirect_vreg.gather [hbm4b:s3+s2], $0x80, v4, vm0, $0xb8;
	[tilespmem:$0x4880] =	vst v63  }
0x22: {  	_ = 	snop  }
0x23: {  	[tilespmem:s11], [sflag:$0x1] =	stream.indirect_vreg.gather [hbm4b:s3+s2], $0x80, v3, vm0, $0xb8;
	[tilespmem:$0x4880] =	vst v63  }
0x24: {  	v3 =	vld [tilespmem:$0x20];
	_ =	sdelay $0x4  }
0x25: {  	v61 =	vshll.u32 v3, $0x1  }
0x26: {  	v3 =	vand.u32 $0x7, v3;
	v4 =	vand.u32 $0xFFFFFFF0, v61  }
0x27: {  	v3 =	vor.u32 v3, v4  }
0x28: {  	v4 =	vperm.xlane v3, v0;
	_ =	sdelay $0x1  }
0x29: {  	v3 =	vperm.xlane v3, v2;
	v4 =	vadd.s32 v1, v4;
	_ =	sdelay $0x1  }
0x2a: {  	v3 =	vadd.s32 v1, v3;
	_ =	sdelay $0x2  }
0x2b: {  	[tilespmem:s12], [sflag:$0x1] =	stream.indirect_vreg.gather [hbm4b:s3+s2], $0x80, v4, vm0, $0xb8;
	[tilespmem:$0x4880] =	vst v63  }
0x2c: {  	_ = 	snop  }
0x2d: {  	[tilespmem:s13], [sflag:$0x1] =	stream.indirect_vreg.gather [hbm4b:s3+s2], $0x80, v3, vm0, $0xb8;
	[tilespmem:$0x4880] =	vst v63  }
0x2e: {  	v3 =	vld [tilespmem:$0x30];
	_ =	sdelay $0x4  }
0x2f: {  	v62 =	vshll.u32 v3, $0x1  }
0x30: {  	v3 =	vand.u32 $0x7, v3;
	v4 =	vand.u32 $0xFFFFFFF0, v62  }
0x31: {  	v3 =	vor.u32 v3, v4  }
0x32: {  	v4 =	vperm.xlane v3, v0;
	_ =	sdelay $0x1  }
0x33: {  	v3 =	vperm.xlane v3, v2;
	v4 =	vadd.s32 v1, v4;
	_ =	sdelay $0x1  }
0x34: {  	v3 =	vadd.s32 v1, v3;
	_ =	sdelay $0x2  }
0x35: {  	[tilespmem:s14], [sflag:$0x1] =	stream.indirect_vreg.gather [hbm4b:s3+s2], $0x80, v4, vm0, $0xb8;
	[tilespmem:$0x4880] =	vst v63  }
0x36: {  	_ = 	snop  }
0x37: {  	[tilespmem:s15], [sflag:$0x1] =	stream.indirect_vreg.gather [hbm4b:s3+s2], $0x80, v3, vm0, $0xb8;
	[tilespmem:$0x4880] =	vst v63  }
0x38: {  	v3 =	vld.msk [tilespmem:$0x40], $0xff;
	_ =	sdelay $0x4  }
0x39: {  	v63 =	vshll.u32 v3, $0x1  }
0x3a: {  	v3 =	vand.u32 $0x7, v3;
	v4 =	vand.u32 $0xFFFFFFF0, v63  }
0x3b: {  	v3 =	vor.u32 v3, v4  }
0x3c: {  	v3 =	vperm.xlane v3, v0;
	_ =	sdelay $0x1  }
0x3d: {  	v3 =	vadd.s32 v1, v3;
	_ =	sdelay $0x4  }
0x3e: {  	[tilespmem:s16], [sflag:$0x1] =	stream.indirect_vreg.gather [hbm4b:s3+s2], $0x80, v3, vm0, $0xb8;
	[tilespmem:$0x4880] =	vst v63  }
0x3f: {  	_ =	swait.ge [sflag:s17], $0x4800  }
0x40: {  	p0 =	sne.s32 s6, $0x1;
	[sflag:s17] =	ssyncset.done $0x0  }
.Ltmp0:
0x41: {  	[sflag:s17] =	ssyncadd.s32 $0xFFFFB800;
	(pc) =	sbr.rel @p0 .LBB2_1-.Ltmp0, $4  }
0x42: {  	[hbm4b:s5+s2] =	stream.linear.scatter [tilespmem:s8], [sflag:$0x2], $0x4800, $0x38;
	[tilespmem:$0x4880] =	vst v63  }
0x43: {  	_ =	swait.ge [sflag:s7], $0x4800  }
0x44: {  	[sflag:s7] =	ssyncset.done $0x0  }
0x45: {  	s6 =	sadd.s32 $0xFFFFFFFF, s6;
	[sflag:s7] =	ssyncadd.s32 $0xFFFFB800  }
0x46: {  	_ =	sfence.sel $0x180000  }
0x47: {  	[bflag:$0x0] =	sbarrier.arrive $0xFFFF  }
0x48: {  	p0 =	sne.s32 s0, $0x0;
	_ =	strace $0x9000004A  }
0x49: {  	s0 =	sadd.s32 @!p0 $0x100000, s1;
	[bflag:$0x2] =	sbarrier.arrive $0xFFFF  }
0x4a: {  	[sflag:s0] =	ssyncadd.tile.s32 @!p0 $0x1;
	_ =	shalt  }
.Lfunc_end2:
_tile_overlayer_lowered:
.L_overlay_start_2:
0x4b: {  	(tag) =	ssettag $0x2  }
0x4c: {  	s0 =	rddreg [dreg:$0x0];
	s2 =	stileid.u32  }
0x4d: {  	s1 =	rddreg [dreg:$0x1];
	p0 =	sne.s32 s2, $0x0  }
0x4e: {  	s3 =	rddreg [dreg:$0x2];
	[bflag:$0x3] =	sbarrier.arrive $0xFFFF;
	s2 =	simm.s32 @!p0 $0x1C02  }
0x4f: {  	[timem:s3], [sflag:s2] =	dma.local @!p0 [hbm:s0], s1  }
0x50: {  	s0 =	simm.s32 @!p0 $0x2  }
0x51: {  	_ =	swait.ge @!p0 [sflag:s0], s1  }
0x52: {  	s1 =	ssub.s32 @!p0 $0x0, s1;
	[sflag:s0] =	ssyncset.done @!p0 $0x0  }
0x53: {  	[sflag:s0] =	ssyncadd.s32 @!p0 s1  }
0x54: {  	[bflag:$0x3] =	sbarrier.arrive $0xFFFF  }
0x55: {  	_ =	shalt  }

// kernel: kernel.24.cloned.1.call-start
scs
__scs_entry_jumppad:
0x0: {  	(pc) =	sbr.rel $0x88, $3  }
0x1: {  	(tag) =	ssettag $0x0;
	lr =	simm.s32 $0x1  }
0x2: {  	[smem:$0x3F9F] =	sst lr;
	_ =	strace $0xD0000000  }
0x3: {  	_ = 	snop  }
0x4: {  	_ = 	snop  }
0x5: {  	_ = 	snop  }
0x6: {  	_ = 	snop  }
0x7: {  	_ = 	snop  }
__scs_overlays_trampoline_lowered:
0x8: {  	[smem:$0x3FAE] =	sst s0  }
0x9: {  	[smem:$0x3FAF] =	sst s1  }
0xa: {  	[smem:$0x3FB0] =	sst s2  }
0xb: {  	[smem:$0x3FB1] =	sst s3  }
0xc: {  	[smem:$0x3FB2] =	sst s4  }
0xd: {  	[smem:$0x3FB3] =	sst s5  }
0xe: {  	[smem:$0x3FB4] =	sst s6  }
0xf: {  	[smem:$0x3FB5] =	sst s7  }
0x10: {  	[smem:$0x3FB6] =	sst s8  }
0x11: {  	[smem:$0x3FB7] =	sst s9;
	s0 =	simm.s32 @!p0 $0x0  }
0x12: {  	s1 =	sld [smem:$0x3F9D];
	s0 =	simm.s32 @p0 $0x1  }
0x13: {  	[smem:$0x3FB8] =	sst s0;
	s0 =	simm.s32 @!p1 $0x0  }
0x14: {  	s2 =	sld [smem:$0x3F9C];
	s0 =	simm.s32 @p1 $0x1  }
0x15: {  	[smem:$0x3FB9] =	sst s0;
	s0 =	simm.s32 @!p2 $0x0  }
0x16: {  	s3 =	sld [smem:$0x3FDB];
	s0 =	simm.s32 @p2 $0x1  }
0x17: {  	s4 =	simm.s32 $0x1BF5;
	[smem:$0x3FBB] =	sst s0  }
0x18: {  	s0 =	sld [smem:$0x3F9E];
	_ =	swait.ge [sflag:s4], $0x0  }
0x19: {  	s7 =	sld [smem:$0x3F9F]  }
0x1a: {  	s8 =	sadd.s32 $0xFFFFE003, lr  }
0x1b: {  	s9 =	sadd.s32 $0xFFFFFEF7, lr;
	s5 =	simm.s32 $0xFFFFFFFF;
	p2 =	slt.u32 s8, $0xFFFFF086  }
0x1c: {  	p1 =	slt.u32 s9, $0xF7A;
	s5 =	simm.s32 @!p2 $0x0  }
0x1d: {  	s5 =	simm.s32 @p1 $0x1;
	p0 =	seq.s32 s7, s2  }
0x1e: {  	s7 =	smul.u32 @!p0 $0xF7A, s2;
	p2 =	seq.s32 @!p0 s5, $0x0  }
0x1f: {  	s9 =	smul.u32 $0xF7A, s1;
	s8 =	simm.s32 @!p0 $0x1BF5;
	p2 =	por !p2, p0  }
0x20: {  	[sflag:s8] =	ssyncset.s32 @!p0 $0xFFFFF086;
	s6 =	sadd.s32 @!p0 s3, s7;
	s7 =	simm.s32 @!p0 $0x108  }
0x21: {  	s3 =	sadd.s32 s3, s9;
	s6 =	sadd.s32 @!p0 $0x88, s6;
	s7 =	simm.s32 @p2 $0x1082  }
0x22: {  	[simem:s7], [sflag:s8] =	dma.local @!p0 [hbm:s6], $0xF7A  }
0x23: {  	s9 =	sor.u32 $0xD0000000, s2;
	s6 =	simm.s32 $0x108;
	_ =	swait.ge @!p0 [sflag:s8], $0x0  }
0x24: {  	s3 =	sadd.s32 $0x88, s3;
	s6 =	simm.s32 @!p1 $0x1082;
	[sflag:s4] =	ssyncset.s32 $0xFFFFF086  }
0x25: {  	[simem:s6], [sflag:s4] =	dma.local [hbm:s3], $0xF7A  }
0x26: {  	[smem:$0x3F9F] =	sst s1;
	(tag) =	ssettag s2;
	_ =	strace s9  }
0x27: {  	s1 =	sld [smem:$0x3FAF]  }
0x28: {  	s2 =	sld [smem:$0x3FB0]  }
0x29: {  	s4 =	sld [smem:$0x3FB2]  }
0x2a: {  	p0 =	seq.s32 s5, $0x0;
	s5 =	sld [smem:$0x3FB3]  }
0x2b: {  	s6 =	sld [smem:$0x3FB4]  }
0x2c: {  	s7 =	sld [smem:$0x3FB5]  }
0x2d: {  	s3 =	simm.s32 $0x108;
	s8 =	sld [smem:$0x3FB6]  }
0x2e: {  	s3 =	simm.s32 @!p0 $0x1082;
	s9 =	sld [smem:$0x3FB7]  }
0x2f: {  	lr =	sadd.s32 s0, s3;
	s0 =	sld [smem:$0x3FAE]  }
0x30: {  	s3 =	sld [smem:$0x3FB1]  }
0x31: {  	[smem:$0x3FBA] =	sst s10  }
0x32: {  	s10 =	sld [smem:$0x3FB8];
	_ =	sdelay $0x3  }
0x33: {  	p0 =	seq.s32 s10, $0x1;
	s10 =	sld [smem:$0x3FBA];
	_ =	sdelay $0x3  }
0x34: {  	[smem:$0x3FBA] =	sst s10  }
0x35: {  	s10 =	sld [smem:$0x3FB9];
	_ =	sdelay $0x3  }
0x36: {  	p1 =	seq.s32 s10, $0x1;
	s10 =	sld [smem:$0x3FBA];
	_ =	sdelay $0x3  }
0x37: {  	[smem:$0x3FBA] =	sst s10  }
0x38: {  	s10 =	sld [smem:$0x3FBB]  }
0x39: {  	_ = 	snop;
	(pc) =	sbr.ind lr, $3  }
0x3a: {  	_ = 	snop  }
0x3b: {  	_ = 	snop  }
0x3c: {  	p2 =	seq.s32 s10, $0x1;
	s10 =	sld [smem:$0x3FBA]  }
0x3d: {  	_ =	shalt  }
0x3e: {  	_ =	shalt  }
0x3f: {  	_ =	shalt  }
0x40: {  	_ =	shalt  }
0x41: {  	_ =	shalt  }
0x42: {  	_ =	shalt  }
0x43: {  	_ =	shalt  }
0x44: {  	_ =	shalt  }
0x45: {  	_ =	shalt  }
0x46: {  	_ =	shalt  }
0x47: {  	_ =	shalt  }
0x48: {  	_ =	shalt  }
0x49: {  	_ =	shalt  }
0x4a: {  	_ =	shalt  }
0x4b: {  	_ =	shalt  }
0x4c: {  	_ =	shalt  }
0x4d: {  	_ =	shalt  }
0x4e: {  	_ =	shalt  }
0x4f: {  	_ =	shalt  }
0x50: {  	_ =	shalt  }
0x51: {  	_ =	shalt  }
0x52: {  	_ =	shalt  }
0x53: {  	_ =	shalt  }
0x54: {  	_ =	shalt  }
0x55: {  	_ =	shalt  }
0x56: {  	_ =	shalt  }
0x57: {  	_ =	shalt  }
0x58: {  	_ =	shalt  }
0x59: {  	_ =	shalt  }
0x5a: {  	_ =	shalt  }
0x5b: {  	_ =	shalt  }
0x5c: {  	_ =	shalt  }
0x5d: {  	_ =	shalt  }
0x5e: {  	_ =	shalt  }
0x5f: {  	_ =	shalt  }
0x60: {  	_ =	shalt  }
0x61: {  	_ =	shalt  }
0x62: {  	_ =	shalt  }
0x63: {  	_ =	shalt  }
0x64: {  	_ =	shalt  }
0x65: {  	_ =	shalt  }
0x66: {  	_ =	shalt  }
0x67: {  	_ =	shalt  }
0x68: {  	_ =	shalt  }
0x69: {  	_ =	shalt  }
0x6a: {  	_ =	shalt  }
0x6b: {  	_ =	shalt  }
0x6c: {  	_ =	shalt  }
0x6d: {  	_ =	shalt  }
0x6e: {  	_ =	shalt  }
0x6f: {  	_ =	shalt  }
0x70: {  	_ =	shalt  }
0x71: {  	_ =	shalt  }
0x72: {  	_ =	shalt  }
0x73: {  	_ =	shalt  }
0x74: {  	_ =	shalt  }
0x75: {  	_ =	shalt  }
0x76: {  	_ =	shalt  }
0x77: {  	_ =	shalt  }
0x78: {  	_ =	shalt  }
0x79: {  	_ =	shalt  }
0x7a: {  	_ =	shalt  }
0x7b: {  	_ =	shalt  }
0x7c: {  	_ =	shalt  }
0x7d: {  	_ =	shalt  }
0x7e: {  	_ =	shalt  }
0x7f: {  	_ =	shalt  }
0x80: {  	_ =	shalt  }
0x81: {  	_ =	shalt  }
0x82: {  	_ =	shalt  }
0x83: {  	_ =	shalt  }
0x84: {  	_ =	shalt  }
0x85: {  	_ =	shalt  }
0x86: {  	_ =	shalt  }
0x87: {  	_ =	shalt  }
.Lfunc_end0:
.L_simem_size_0:
called_computation.2_lowered:
.L_overlay_start_0:
0x88: {  	s2 =	sld [smem:$0x3FD9]  }
0x89: {  	s3 =	sld [smem:$0x3FFE];
	_ =	sdelay $0x1  }
0x8a: {  	s1 =	srdreg.scid  }
0x8b: {  	s0 =	sand.u32 $0x1, s1  }
0x8c: {  	s16 =	sshll.u32 s0, $0xA;
	s2 =	sadd.s32 s3, s2  }
0x8d: {  	s2 =	sadd.s32 s2, s16  }
0x8e: {  	[smem:$0x3FC6] =	sst s2  }
0x8f: {  	_ = 	snop  }
0x90: {  	(tm) =	ssettm $0x1  }
0x91: {  	s17 =	sld [smem:$0x3FFB];
	_ =	sdelay $0x3  }
0x92: {  	_ =	strace s17  }
0x93: {  	s2 =	sld [smem:$0x3FFC];
	_ =	sdelay $0x3  }
0x94: {  	_ =	strace s2  }
0x95: {  	s2 =	sld [smem:$0x3FFD];
	_ =	sdelay $0x3  }
0x96: {  	_ =	strace s2  }
0x97: {  	_ =	strace $0x8FFFFFFF  }
0x98: {  	s18 =	sld [smem:$0x3FDB];
	_ =	sdelay $0x1  }
0x99: {  	s19 =	simm.s32 $_scs_section_size  }
0x9a: {  	s4 =	simm.s32 $_size__tile_overlayer_lowered;
	s5 =	simm.s32 $_tile_overlayer_lowered  }
0x9b: {  	s22 =	simm.s32 $0x1BFF;
	s21 =	sshll.u32 s5, $0x1;
	s2 =	sadd.s32 s19, s18  }
0x9c: {  	s6 =	simm.s32 $0x0;
	s20 =	sshll.u32 s4, $0x1;
	s4 =	sadd.s32 s21, s2  }
0x9d: {  	[timem:s6], [sflag:s22] =	dma.local [hbm:s4], s20  }
0x9e: {  	_ =	swait.ge [sflag:s22], s20  }
0x9f: {  	s3 =	ssub.s32 $0x0, s20;
	[sflag:s22] =	ssyncset.done $0x0  }
0xa0: {  	[sflag:s22] =	ssyncadd.s32 s3;
	_ =	sdelay $0x1  }
0xa1: {  	s23 =	simm.s32 $0x1B8B  }
0xa2: {  	_ =	swait.ge [sflag:s23], $0x1  }
0xa3: {  	[sflag:s23] =	ssyncset.done $0x0  }
0xa4: {  	s25 =	simm.s32 $0x1B8E;
	s24 =	sld [smem:$0x3FFE];
	[sflag:s23] =	ssyncadd.s32 $0xFFFFFFFF  }
0xa5: {  	s26 =	simm.s32 $execute0_lowered;
	[smem:$0x3FD2] =	sst s25  }
0xa6: {  	s4 =	sshll.u32 s26, $0x1;
	_ =	strace $0x8000004C;
	[dreg:$0x1] =	wrdreg $0xFFFFFFFF  }
0xa7: {  	s28 =	simm.s32 $_size_execute0_lowered;
	s2 =	sadd.s32 s2, s4;
	[dreg:$0x0] =	wrdreg $0x0  }
0xa8: {  	s4 =	sshll.u32 s28, $0x1;
	[dreg:$0x2] =	wrdreg s2  }
0xa9: {  	[dreg:$0x3] =	wrdreg s4  }
0xaa: {  	[dreg:$0x4] =	wrdreg $0xC0  }
0xab: {  	_ =	task [dreg:s6], $0x5FFFF  }
0xac: {  	[dreg:$0x1] =	wrdreg $0xFFFFFFFF  }
0xad: {  	[dreg:$0x0] =	wrdreg $0x60  }
0xae: {  	[dreg:$0x2] =	wrdreg s24  }
0xaf: {  	[dreg:$0x3] =	wrdreg $0x9  }
0xb0: {  	_ =	task.clear_ibuf [dreg:s6], $0x4FFFF;
	_ =	strace $0x9000004C  }
0xb1: {  	s29 =	simm.s32 $0x9;
	_ =	strace $0x8000004E  }
0xb2: {  	_ =	swait.ge [sflag:s29], $0x1  }
0xb3: {  	[sflag:s29] =	ssyncadd.s32 $0xFFFFFFFF  }
0xb4: {  	_ =	strace $0x9000004E  }
0xb5: {  	_ =	sfence  }
0xb6: {  	s30 =	sld [smem:$0x0];
	_ =	sdelay $0x2  }
0xb7: {  	s31 =	sshll.u32 s1, $0xD;
	s1 =	sshrl.u32 s1, $0x2  }
0xb8: {  	s3 =	sand.u32 $0x4000, s31;
	s1 =	sadd.s32 s1, s30  }
0xb9: {  	s0 =	sor.u32 s3, s0;
	s1 =	sshll.u32 s1, $0x11  }
0xba: {  	s0 =	sor.u32 s1, s0  }
0xbb: {  	s0 =	sadd.s32 $0x8F2B, s0  }
0xbc: {  	[sflag:s0] =	ssyncadd.remote.s32 $0x1  }
0xbd: {  	_ =	sfence.sel $0xFFFF  }
0xbe: {  	[dreg:$0x0] =	wrdreg $0xFFFFFFFF;
	(pc) =	sbr.abs _section_cstart, $3  }
0xbf: {  	[dreg:$0x1] =	wrdreg $0xFFFFFFFF  }
0xc0: {  	_ =	task.clear_ibuf [dreg:s6], $0x2FFFF;
	_ =	strace $0x9FFFFFFF  }
0xc1: {  	(tm) =	ssettm $0x7FFFFFFF  }
tec
execute0_lowered:
.L_overlay_start_1:
0x0: {  	(tag) =	ssettag $0x1  }
0x1: {  	s1 =	srdreg.scid;
	s0 =	stileid.u32  }
0x2: {  	s5 =	rddreg [dreg:$0x0];
	s2 =	simm.s32 $0x0;
	s8 =	simm.s32 $0x80  }
0x3: {  	s9 =	simm.s32 $0x880;
	s10 =	simm.s32 $0x1080;
	s11 =	simm.s32 $0x1880  }
0x4: {  	s12 =	simm.s32 $0x2080;
	s13 =	simm.s32 $0x2880;
	s14 =	simm.s32 $0x3080  }
0x5: {  	s15 =	simm.s32 $0x3880;
	s4 =	sand.u32 $0x1, s1;
	s30 =	sshll.u32 s0, $0x1  }
0x6: {  	s16 =	simm.s32 $0x4080;
	s1 =	rddreg [dreg:$0x1];
	s3 =	sor.u32 s4, s30  }
0x7: {  	s17 =	simm.s32 $0x1;
	[smem:$0x7FF] =	sst s2;
	s6 =	smul.u32 $0x9, s3  }
0x8: {  	_ =	strace $0x8000004D;
	s4 =	ssub.s32 $0x2, s4;
	s7 =	smul.u32 $0x900, s3  }
0x9: {  	v2 =	vlaneseq.u32;
	s3 =	sadd.s32 $0x46200, s5;
	s31 =	sshrl.u32 s4, $0x1;
	s6 =	sadd.s32 s6, s5  }
0xa: {  	vm0 =	vmmov $0xffff;
	v1 =	vshrl.u32 v2, $0x3;
	s5 =	sadd.s32 s7, s5;
	s7 =	ssub.s32 s4, s31;
	s4 =	sadd.s32 $0x18200, s6  }
0xb: {  	v0 =	vand.u32 $0x7, v2;
	v2 =	vor.u32 $0x8, v2;
	v1 =	vmul.u32 $0x8, v1;
	s5 =	sadd.s32 $0x18400, s5;
	s6 =	smax.u32 s7, $0x1;
	s7 =	simm.s32 $0x2  }
.LBB2_1:
0xc: {  	[tilespmem:s2], [sflag:$0x2] =	stream.linear.gather [hbm4b:s4+s2], $0x48, $0x38;
	[tilespmem:$0x4880] =	vst v63  }
0xd: {  	_ =	swait.ge [sflag:s7], $0x48  }
0xe: {  	[sflag:s7] =	ssyncset.done $0x0  }
0xf: {  	[sflag:s7] =	ssyncadd.s32 $0xFFFFFFB8  }
0x10: {  	v3 =	vld [tilespmem:$0x0];
	_ =	sdelay $0x4  }
0x11: {  	v4 =	vshll.u32 v3, $0x1  }
0x12: {  	v3 =	vand.u32 $0x7, v3;
	v4 =	vand.u32 $0xFFFFFFF0, v4  }
0x13: {  	v3 =	vor.u32 v3, v4  }
0x14: {  	v4 =	vperm.xlane v3, v0;
	_ =	sdelay $0x1  }
0x15: {  	v3 =	vperm.xlane v3, v2;
	v4 =	vadd.s32 v1, v4;
	_ =	sdelay $0x1  }
0x16: {  	v3 =	vadd.s32 v1, v3;
	_ =	sdelay $0x2  }
0x17: {  	[tilespmem:s8], [sflag:$0x1] =	stream.indirect_vreg.gather [hbm4b:s3+s2], $0x80, v4, vm0, $0xb8;
	[tilespmem:$0x4880] =	vst v63  }
0x18: {  	_ = 	snop  }
0x19: {  	[tilespmem:s9], [sflag:$0x1] =	stream.indirect_vreg.gather [hbm4b:s3+s2], $0x80, v3, vm0, $0xb8;
	[tilespmem:$0x4880] =	vst v63  }
0x1a: {  	v3 =	vld [tilespmem:$0x10];
	_ =	sdelay $0x4  }
0x1b: {  	v60 =	vshll.u32 v3, $0x1  }
0x1c: {  	v3 =	vand.u32 $0x7, v3;
	v4 =	vand.u32 $0xFFFFFFF0, v60  }
0x1d: {  	v3 =	vor.u32 v3, v4  }
0x1e: {  	v4 =	vperm.xlane v3, v0;
	_ =	sdelay $0x1  }
0x1f: {  	v3 =	vperm.xlane v3, v2;
	v4 =	vadd.s32 v1, v4;
	_ =	sdelay $0x1  }
0x20: {  	v3 =	vadd.s32 v1, v3;
	_ =	sdelay $0x2  }
0x21: {  	[tilespmem:s10], [sflag:$0x1] =	stream.indirect_vreg.gather [hbm4b:s3+s2], $0x80, v4, vm0, $0xb8;
	[tilespmem:$0x4880] =	vst v63  }
0x22: {  	_ = 	snop  }
0x23: {  	[tilespmem:s11], [sflag:$0x1] =	stream.indirect_vreg.gather [hbm4b:s3+s2], $0x80, v3, vm0, $0xb8;
	[tilespmem:$0x4880] =	vst v63  }
0x24: {  	v3 =	vld [tilespmem:$0x20];
	_ =	sdelay $0x4  }
0x25: {  	v61 =	vshll.u32 v3, $0x1  }
0x26: {  	v3 =	vand.u32 $0x7, v3;
	v4 =	vand.u32 $0xFFFFFFF0, v61  }
0x27: {  	v3 =	vor.u32 v3, v4  }
0x28: {  	v4 =	vperm.xlane v3, v0;
	_ =	sdelay $0x1  }
0x29: {  	v3 =	vperm.xlane v3, v2;
	v4 =	vadd.s32 v1, v4;
	_ =	sdelay $0x1  }
0x2a: {  	v3 =	vadd.s32 v1, v3;
	_ =	sdelay $0x2  }
0x2b: {  	[tilespmem:s12], [sflag:$0x1] =	stream.indirect_vreg.gather [hbm4b:s3+s2], $0x80, v4, vm0, $0xb8;
	[tilespmem:$0x4880] =	vst v63  }
0x2c: {  	_ = 	snop  }
0x2d: {  	[tilespmem:s13], [sflag:$0x1] =	stream.indirect_vreg.gather [hbm4b:s3+s2], $0x80, v3, vm0, $0xb8;
	[tilespmem:$0x4880] =	vst v63  }
0x2e: {  	v3 =	vld [tilespmem:$0x30];
	_ =	sdelay $0x4  }
0x2f: {  	v62 =	vshll.u32 v3, $0x1  }
0x30: {  	v3 =	vand.u32 $0x7, v3;
	v4 =	vand.u32 $0xFFFFFFF0, v62  }
0x31: {  	v3 =	vor.u32 v3, v4  }
0x32: {  	v4 =	vperm.xlane v3, v0;
	_ =	sdelay $0x1  }
0x33: {  	v3 =	vperm.xlane v3, v2;
	v4 =	vadd.s32 v1, v4;
	_ =	sdelay $0x1  }
0x34: {  	v3 =	vadd.s32 v1, v3;
	_ =	sdelay $0x2  }
0x35: {  	[tilespmem:s14], [sflag:$0x1] =	stream.indirect_vreg.gather [hbm4b:s3+s2], $0x80, v4, vm0, $0xb8;
	[tilespmem:$0x4880] =	vst v63  }
0x36: {  	_ = 	snop  }
0x37: {  	[tilespmem:s15], [sflag:$0x1] =	stream.indirect_vreg.gather [hbm4b:s3+s2], $0x80, v3, vm0, $0xb8;
	[tilespmem:$0x4880] =	vst v63  }
0x38: {  	v3 =	vld.msk [tilespmem:$0x40], $0xff;
	_ =	sdelay $0x4  }
0x39: {  	v63 =	vshll.u32 v3, $0x1  }
0x3a: {  	v3 =	vand.u32 $0x7, v3;
	v4 =	vand.u32 $0xFFFFFFF0, v63  }
0x3b: {  	v3 =	vor.u32 v3, v4  }
0x3c: {  	v3 =	vperm.xlane v3, v0;
	_ =	sdelay $0x1  }
0x3d: {  	v3 =	vadd.s32 v1, v3;
	_ =	sdelay $0x4  }
0x3e: {  	[tilespmem:s16], [sflag:$0x1] =	stream.indirect_vreg.gather [hbm4b:s3+s2], $0x80, v3, vm0, $0xb8;
	[tilespmem:$0x4880] =	vst v63  }
0x3f: {  	_ =	swait.ge [sflag:s17], $0x4800  }
0x40: {  	p0 =	sne.s32 s6, $0x1;
	[sflag:s17] =	ssyncset.done $0x0  }
.Ltmp0:
0x41: {  	[sflag:s17] =	ssyncadd.s32 $0xFFFFB800;
	(pc) =	sbr.rel @p0 .LBB2_1-.Ltmp0, $4  }
0x42: {  	[hbm4b:s5+s2] =	stream.linear.scatter [tilespmem:s8], [sflag:$0x2], $0x4800, $0x38;
	[tilespmem:$0x4880] =	vst v63  }
0x43: {  	_ =	swait.ge [sflag:s7], $0x4800  }
0x44: {  	[sflag:s7] =	ssyncset.done $0x0  }
0x45: {  	s6 =	sadd.s32 $0xFFFFFFFF, s6;
	[sflag:s7] =	ssyncadd.s32 $0xFFFFB800  }
0x46: {  	_ =	sfence.sel $0x180000  }
0x47: {  	[bflag:$0x0] =	sbarrier.arrive $0xFFFF  }
0x48: {  	p0 =	sne.s32 s0, $0x0;
	_ =	strace $0x9000004D  }
0x49: {  	s0 =	sadd.s32 @!p0 $0x100000, s1;
	[bflag:$0x2] =	sbarrier.arrive $0xFFFF  }
0x4a: {  	[sflag:s0] =	ssyncadd.tile.s32 @!p0 $0x1;
	_ =	shalt  }
.Lfunc_end2:
_tile_overlayer_lowered:
.L_overlay_start_2:
0x4b: {  	(tag) =	ssettag $0x2  }
0x4c: {  	s0 =	rddreg [dreg:$0x0];
	s2 =	stileid.u32  }
0x4d: {  	s1 =	rddreg [dreg:$0x1];
	p0 =	sne.s32 s2, $0x0  }
0x4e: {  	s3 =	rddreg [dreg:$0x2];
	[bflag:$0x3] =	sbarrier.arrive $0xFFFF;
	s2 =	simm.s32 @!p0 $0x1C02  }
0x4f: {  	[timem:s3], [sflag:s2] =	dma.local @!p0 [hbm:s0], s1  }
0x50: {  	s0 =	simm.s32 @!p0 $0x2  }
0x51: {  	_ =	swait.ge @!p0 [sflag:s0], s1  }
0x52: {  	s1 =	ssub.s32 @!p0 $0x0, s1;
	[sflag:s0] =	ssyncset.done @!p0 $0x0  }
0x53: {  	[sflag:s0] =	ssyncadd.s32 @!p0 s1  }
0x54: {  	[bflag:$0x3] =	sbarrier.arrive $0xFFFF  }
0x55: {  	_ =	shalt  }

// kernel: kernel.27.cloned.1.call-start
scs
__scs_entry_jumppad:
0x0: {  	(pc) =	sbr.rel $0x88, $3  }
0x1: {  	(tag) =	ssettag $0x0;
	lr =	simm.s32 $0x1  }
0x2: {  	[smem:$0x3F9F] =	sst lr;
	_ =	strace $0xD0000000  }
0x3: {  	_ = 	snop  }
0x4: {  	_ = 	snop  }
0x5: {  	_ = 	snop  }
0x6: {  	_ = 	snop  }
0x7: {  	_ = 	snop  }
__scs_overlays_trampoline_lowered:
0x8: {  	[smem:$0x3FAE] =	sst s0  }
0x9: {  	[smem:$0x3FAF] =	sst s1  }
0xa: {  	[smem:$0x3FB0] =	sst s2  }
0xb: {  	[smem:$0x3FB1] =	sst s3  }
0xc: {  	[smem:$0x3FB2] =	sst s4  }
0xd: {  	[smem:$0x3FB3] =	sst s5  }
0xe: {  	[smem:$0x3FB4] =	sst s6  }
0xf: {  	[smem:$0x3FB5] =	sst s7  }
0x10: {  	[smem:$0x3FB6] =	sst s8  }
0x11: {  	[smem:$0x3FB7] =	sst s9;
	s0 =	simm.s32 @!p0 $0x0  }
0x12: {  	s1 =	sld [smem:$0x3F9D];
	s0 =	simm.s32 @p0 $0x1  }
0x13: {  	[smem:$0x3FB8] =	sst s0;
	s0 =	simm.s32 @!p1 $0x0  }
0x14: {  	s2 =	sld [smem:$0x3F9C];
	s0 =	simm.s32 @p1 $0x1  }
0x15: {  	[smem:$0x3FB9] =	sst s0;
	s0 =	simm.s32 @!p2 $0x0  }
0x16: {  	s3 =	sld [smem:$0x3FDB];
	s0 =	simm.s32 @p2 $0x1  }
0x17: {  	s4 =	simm.s32 $0x1BF5;
	[smem:$0x3FBB] =	sst s0  }
0x18: {  	s0 =	sld [smem:$0x3F9E];
	_ =	swait.ge [sflag:s4], $0x0  }
0x19: {  	s7 =	sld [smem:$0x3F9F]  }
0x1a: {  	s8 =	sadd.s32 $0xFFFFE003, lr  }
0x1b: {  	s9 =	sadd.s32 $0xFFFFFEF7, lr;
	s5 =	simm.s32 $0xFFFFFFFF;
	p2 =	slt.u32 s8, $0xFFFFF086  }
0x1c: {  	p1 =	slt.u32 s9, $0xF7A;
	s5 =	simm.s32 @!p2 $0x0  }
0x1d: {  	s5 =	simm.s32 @p1 $0x1;
	p0 =	seq.s32 s7, s2  }
0x1e: {  	s7 =	smul.u32 @!p0 $0xF7A, s2;
	p2 =	seq.s32 @!p0 s5, $0x0  }
0x1f: {  	s9 =	smul.u32 $0xF7A, s1;
	s8 =	simm.s32 @!p0 $0x1BF5;
	p2 =	por !p2, p0  }
0x20: {  	[sflag:s8] =	ssyncset.s32 @!p0 $0xFFFFF086;
	s6 =	sadd.s32 @!p0 s3, s7;
	s7 =	simm.s32 @!p0 $0x108  }
0x21: {  	s3 =	sadd.s32 s3, s9;
	s6 =	sadd.s32 @!p0 $0x88, s6;
	s7 =	simm.s32 @p2 $0x1082  }
0x22: {  	[simem:s7], [sflag:s8] =	dma.local @!p0 [hbm:s6], $0xF7A  }
0x23: {  	s9 =	sor.u32 $0xD0000000, s2;
	s6 =	simm.s32 $0x108;
	_ =	swait.ge @!p0 [sflag:s8], $0x0  }
0x24: {  	s3 =	sadd.s32 $0x88, s3;
	s6 =	simm.s32 @!p1 $0x1082;
	[sflag:s4] =	ssyncset.s32 $0xFFFFF086  }
0x25: {  	[simem:s6], [sflag:s4] =	dma.local [hbm:s3], $0xF7A  }
0x26: {  	[smem:$0x3F9F] =	sst s1;
	(tag) =	ssettag s2;
	_ =	strace s9  }
0x27: {  	s1 =	sld [smem:$0x3FAF]  }
0x28: {  	s2 =	sld [smem:$0x3FB0]  }
0x29: {  	s4 =	sld [smem:$0x3FB2]  }
0x2a: {  	p0 =	seq.s32 s5, $0x0;
	s5 =	sld [smem:$0x3FB3]  }
0x2b: {  	s6 =	sld [smem:$0x3FB4]  }
0x2c: {  	s7 =	sld [smem:$0x3FB5]  }
0x2d: {  	s3 =	simm.s32 $0x108;
	s8 =	sld [smem:$0x3FB6]  }
0x2e: {  	s3 =	simm.s32 @!p0 $0x1082;
	s9 =	sld [smem:$0x3FB7]  }
0x2f: {  	lr =	sadd.s32 s0, s3;
	s0 =	sld [smem:$0x3FAE]  }
0x30: {  	s3 =	sld [smem:$0x3FB1]  }
0x31: {  	[smem:$0x3FBA] =	sst s10  }
0x32: {  	s10 =	sld [smem:$0x3FB8];
	_ =	sdelay $0x3  }
0x33: {  	p0 =	seq.s32 s10, $0x1;
	s10 =	sld [smem:$0x3FBA];
	_ =	sdelay $0x3  }
0x34: {  	[smem:$0x3FBA] =	sst s10  }
0x35: {  	s10 =	sld [smem:$0x3FB9];
	_ =	sdelay $0x3  }
0x36: {  	p1 =	seq.s32 s10, $0x1;
	s10 =	sld [smem:$0x3FBA];
	_ =	sdelay $0x3  }
0x37: {  	[smem:$0x3FBA] =	sst s10  }
0x38: {  	s10 =	sld [smem:$0x3FBB]  }
0x39: {  	_ = 	snop;
	(pc) =	sbr.ind lr, $3  }
0x3a: {  	_ = 	snop  }
0x3b: {  	_ = 	snop  }
0x3c: {  	p2 =	seq.s32 s10, $0x1;
	s10 =	sld [smem:$0x3FBA]  }
0x3d: {  	_ =	shalt  }
0x3e: {  	_ =	shalt  }
0x3f: {  	_ =	shalt  }
0x40: {  	_ =	shalt  }
0x41: {  	_ =	shalt  }
0x42: {  	_ =	shalt  }
0x43: {  	_ =	shalt  }
0x44: {  	_ =	shalt  }
0x45: {  	_ =	shalt  }
0x46: {  	_ =	shalt  }
0x47: {  	_ =	shalt  }
0x48: {  	_ =	shalt  }
0x49: {  	_ =	shalt  }
0x4a: {  	_ =	shalt  }
0x4b: {  	_ =	shalt  }
0x4c: {  	_ =	shalt  }
0x4d: {  	_ =	shalt  }
0x4e: {  	_ =	shalt  }
0x4f: {  	_ =	shalt  }
0x50: {  	_ =	shalt  }
0x51: {  	_ =	shalt  }
0x52: {  	_ =	shalt  }
0x53: {  	_ =	shalt  }
0x54: {  	_ =	shalt  }
0x55: {  	_ =	shalt  }
0x56: {  	_ =	shalt  }
0x57: {  	_ =	shalt  }
0x58: {  	_ =	shalt  }
0x59: {  	_ =	shalt  }
0x5a: {  	_ =	shalt  }
0x5b: {  	_ =	shalt  }
0x5c: {  	_ =	shalt  }
0x5d: {  	_ =	shalt  }
0x5e: {  	_ =	shalt  }
0x5f: {  	_ =	shalt  }
0x60: {  	_ =	shalt  }
0x61: {  	_ =	shalt  }
0x62: {  	_ =	shalt  }
0x63: {  	_ =	shalt  }
0x64: {  	_ =	shalt  }
0x65: {  	_ =	shalt  }
0x66: {  	_ =	shalt  }
0x67: {  	_ =	shalt  }
0x68: {  	_ =	shalt  }
0x69: {  	_ =	shalt  }
0x6a: {  	_ =	shalt  }
0x6b: {  	_ =	shalt  }
0x6c: {  	_ =	shalt  }
0x6d: {  	_ =	shalt  }
0x6e: {  	_ =	shalt  }
0x6f: {  	_ =	shalt  }
0x70: {  	_ =	shalt  }
0x71: {  	_ =	shalt  }
0x72: {  	_ =	shalt  }
0x73: {  	_ =	shalt  }
0x74: {  	_ =	shalt  }
0x75: {  	_ =	shalt  }
0x76: {  	_ =	shalt  }
0x77: {  	_ =	shalt  }
0x78: {  	_ =	shalt  }
0x79: {  	_ =	shalt  }
0x7a: {  	_ =	shalt  }
0x7b: {  	_ =	shalt  }
0x7c: {  	_ =	shalt  }
0x7d: {  	_ =	shalt  }
0x7e: {  	_ =	shalt  }
0x7f: {  	_ =	shalt  }
0x80: {  	_ =	shalt  }
0x81: {  	_ =	shalt  }
0x82: {  	_ =	shalt  }
0x83: {  	_ =	shalt  }
0x84: {  	_ =	shalt  }
0x85: {  	_ =	shalt  }
0x86: {  	_ =	shalt  }
0x87: {  	_ =	shalt  }
.Lfunc_end0:
.L_simem_size_0:
called_computation.3_lowered:
.L_overlay_start_0:
0x88: {  	s2 =	sld [smem:$0x3FD9]  }
0x89: {  	s3 =	sld [smem:$0x3FFE];
	_ =	sdelay $0x1  }
0x8a: {  	s1 =	srdreg.scid  }
0x8b: {  	s0 =	sand.u32 $0x1, s1  }
0x8c: {  	s14 =	sshll.u32 s0, $0xA;
	s2 =	sadd.s32 s3, s2  }
0x8d: {  	s2 =	sadd.s32 s2, s14  }
0x8e: {  	[smem:$0x3FC6] =	sst s2  }
0x8f: {  	_ = 	snop  }
0x90: {  	s2 =	sld [smem:$0x3FD0];
	_ =	sdelay $0x2  }
0x91: {  	s15 =	simm.s32 $0xA;
	s4 =	simm.s32 $0x10  }
0x92: {  	[smem:s4], [sflag:s15] =	dma.local [hbm:s2], $0x1  }
0x93: {  	_ =	swait.eq [sflag:s15], $0x1  }
0x94: {  	[sflag:s15] =	ssyncset.done $0x0  }
0x95: {  	[sflag:s15] =	ssyncadd.s32 $0xFFFFFFFF  }
0x96: {  	s16 =	sld [smem:$0x12];
	(tm) =	ssettm $0x1  }
0x97: {  	s17 =	sld [smem:$0x3FFB];
	_ =	sdelay $0x3  }
0x98: {  	_ =	strace s17  }
0x99: {  	s3 =	sld [smem:$0x3FFC];
	_ =	sdelay $0x3  }
0x9a: {  	_ =	strace s3  }
0x9b: {  	s3 =	sld [smem:$0x3FFD];
	_ =	sdelay $0x3  }
0x9c: {  	_ =	strace s3  }
0x9d: {  	_ =	strace $0x8FFFFFFF  }
0x9e: {  	s18 =	sld [smem:$0x3FDB];
	_ =	sdelay $0x1  }
0x9f: {  	s19 =	simm.s32 $_scs_section_size  }
0xa0: {  	s5 =	simm.s32 $_size__tile_overlayer_lowered;
	s6 =	simm.s32 $_tile_overlayer_lowered  }
0xa1: {  	s22 =	simm.s32 $0x1BFF;
	s21 =	sshll.u32 s6, $0x1;
	s3 =	sadd.s32 s19, s18  }
0xa2: {  	s7 =	simm.s32 $0x0;
	s20 =	sshll.u32 s5, $0x1;
	s5 =	sadd.s32 s21, s3  }
0xa3: {  	[timem:s7], [sflag:s22] =	dma.local [hbm:s5], s20  }
0xa4: {  	_ =	swait.ge [sflag:s22], s20  }
0xa5: {  	s4 =	ssub.s32 $0x0, s20;
	[sflag:s22] =	ssyncset.done $0x0  }
0xa6: {  	[sflag:s22] =	ssyncadd.s32 s4;
	_ =	sdelay $0x1  }
0xa7: {  	s23 =	simm.s32 $0x1B8B  }
0xa8: {  	_ =	swait.ge [sflag:s23], $0x1  }
0xa9: {  	[sflag:s23] =	ssyncset.done $0x0  }
0xaa: {  	s25 =	simm.s32 $0x1B8E;
	s24 =	sld [smem:$0x3FFE];
	[sflag:s23] =	ssyncadd.s32 $0xFFFFFFFF  }
0xab: {  	s26 =	simm.s32 $execute0_lowered;
	[smem:$0x3FD2] =	sst s25  }
0xac: {  	s5 =	sshll.u32 s26, $0x1;
	_ =	strace $0x8000004F;
	[dreg:$0x1] =	wrdreg $0xFFFFFFFF  }
0xad: {  	s28 =	simm.s32 $_size_execute0_lowered;
	s3 =	sadd.s32 s3, s5;
	[dreg:$0x0] =	wrdreg $0x0  }
0xae: {  	s5 =	sshll.u32 s28, $0x1;
	[dreg:$0x2] =	wrdreg s3  }
0xaf: {  	[dreg:$0x3] =	wrdreg s5  }
0xb0: {  	[dreg:$0x4] =	wrdreg $0xC0  }
0xb1: {  	_ =	task [dreg:s7], $0x5FFFF  }
0xb2: {  	[dreg:$0x1] =	wrdreg $0xFFFFFFFF  }
0xb3: {  	[dreg:$0x0] =	wrdreg $0x60  }
0xb4: {  	[dreg:$0x2] =	wrdreg s24  }
0xb5: {  	[dreg:$0x3] =	wrdreg s16  }
0xb6: {  	[dreg:$0x4] =	wrdreg $0x9  }
0xb7: {  	_ =	task.clear_ibuf [dreg:s7], $0x5FFFF;
	_ =	strace $0x9000004F  }
0xb8: {  	s29 =	simm.s32 $0x9;
	_ =	strace $0x80000051  }
0xb9: {  	_ =	swait.ge [sflag:s29], $0x1  }
0xba: {  	[sflag:s29] =	ssyncadd.s32 $0xFFFFFFFF  }
0xbb: {  	_ =	strace $0x90000051  }
0xbc: {  	_ =	sfence  }
0xbd: {  	s30 =	sld [smem:$0x0];
	_ =	sdelay $0x2  }
0xbe: {  	s31 =	sshll.u32 s1, $0xD;
	s1 =	sshrl.u32 s1, $0x2  }
0xbf: {  	s3 =	sand.u32 $0x4000, s31;
	s1 =	sadd.s32 s1, s30  }
0xc0: {  	s0 =	sor.u32 s3, s0;
	s1 =	sshll.u32 s1, $0x11  }
0xc1: {  	s0 =	sor.u32 s1, s0  }
0xc2: {  	s0 =	sadd.s32 $0x8F2B, s0  }
0xc3: {  	[sflag:s0] =	ssyncadd.remote.s32 $0x1  }
0xc4: {  	_ =	sfence.sel $0xFFFF  }
0xc5: {  	[dreg:$0x0] =	wrdreg $0xFFFFFFFF;
	(pc) =	sbr.abs _section_cstart, $3  }
0xc6: {  	[dreg:$0x1] =	wrdreg $0xFFFFFFFF  }
0xc7: {  	_ =	task.clear_ibuf [dreg:s7], $0x2FFFF;
	_ =	strace $0x9FFFFFFF  }
0xc8: {  	(tm) =	ssettm $0x7FFFFFFF  }
0xc9: {  	_ =	shalt  }
tec
execute0_lowered:
.L_overlay_start_1:
0x0: {  	(tag) =	ssettag $0x1  }
0x1: {  	s4 =	rddreg [dreg:$0x0];
	s1 =	srdreg.scid  }
0x2: {  	s0 =	stileid.u32;
	s5 =	rddreg [dreg:$0x1];
	s2 =	simm.s32 $0x0  }
0x3: {  	s9 =	simm.s32 $0x880;
	s10 =	simm.s32 $0x1080;
	s11 =	simm.s32 $0x1880  }
0x4: {  	s12 =	simm.s32 $0x2080;
	s13 =	simm.s32 $0x2880;
	s14 =	simm.s32 $0x3080  }
0x5: {  	s15 =	simm.s32 $0x3880;
	s3 =	sand.u32 $0x1, s1;
	s6 =	sshll.u32 s0, $0x1  }
0x6: {  	s16 =	simm.s32 $0x4080;
	s17 =	simm.s32 $0x1;
	s6 =	sor.u32 s3, s6  }
0x7: {  	s1 =	rddreg [dreg:$0x2];
	s8 =	ssub.s32 $0x2, s3;
	s7 =	smul.u32 $0x900, s6  }
0x8: {  	[smem:$0x7FF] =	sst s2;
	s6 =	smul.u32 $0x9, s6;
	s31 =	sshrl.u32 s8, $0x1  }
0x9: {  	v2 =	vlaneseq.u32;
	_ =	strace $0x80000050;
	s3 =	sadd.s32 $0x86200, s4;
	s8 =	ssub.s32 s8, s31  }
0xa: {  	vm0 =	vmmov $0xffff;
	v1 =	vshrl.u32 v2, $0x3;
	s7 =	sadd.s32 s7, s4;
	s4 =	sadd.s32 s5, s6;
	s6 =	smax.u32 s8, $0x1  }
0xb: {  	v0 =	vand.u32 $0x7, v2;
	v2 =	vor.u32 $0x8, v2;
	v1 =	vmul.u32 $0x8, v1;
	s8 =	simm.s32 $0x80;
	s5 =	sadd.s32 $0x1A1200, s7;
	s7 =	simm.s32 $0x2  }
.LBB2_1:
0xc: {  	[tilespmem:s2], [sflag:$0x2] =	stream.linear.gather [hbm4b:s4+s2], $0x48, $0x38;
	[tilespmem:$0x4880] =	vst v63  }
0xd: {  	_ =	swait.ge [sflag:s7], $0x48  }
0xe: {  	[sflag:s7] =	ssyncset.done $0x0  }
0xf: {  	[sflag:s7] =	ssyncadd.s32 $0xFFFFFFB8  }
0x10: {  	v3 =	vld [tilespmem:$0x0];
	_ =	sdelay $0x4  }
0x11: {  	v4 =	vshll.u32 v3, $0x1  }
0x12: {  	v3 =	vand.u32 $0x7, v3;
	v4 =	vand.u32 $0xFFFFFFF0, v4  }
0x13: {  	v3 =	vor.u32 v3, v4  }
0x14: {  	v4 =	vperm.xlane v3, v0;
	_ =	sdelay $0x1  }
0x15: {  	v3 =	vperm.xlane v3, v2;
	v4 =	vadd.s32 v1, v4;
	_ =	sdelay $0x1  }
0x16: {  	v3 =	vadd.s32 v1, v3;
	_ =	sdelay $0x2  }
0x17: {  	[tilespmem:s8], [sflag:$0x1] =	stream.indirect_vreg.gather [hbm4b:s3+s2], $0x80, v4, vm0, $0xb8;
	[tilespmem:$0x4880] =	vst v63  }
0x18: {  	_ = 	snop  }
0x19: {  	[tilespmem:s9], [sflag:$0x1] =	stream.indirect_vreg.gather [hbm4b:s3+s2], $0x80, v3, vm0, $0xb8;
	[tilespmem:$0x4880] =	vst v63  }
0x1a: {  	v3 =	vld [tilespmem:$0x10];
	_ =	sdelay $0x4  }
0x1b: {  	v60 =	vshll.u32 v3, $0x1  }
0x1c: {  	v3 =	vand.u32 $0x7, v3;
	v4 =	vand.u32 $0xFFFFFFF0, v60  }
0x1d: {  	v3 =	vor.u32 v3, v4  }
0x1e: {  	v4 =	vperm.xlane v3, v0;
	_ =	sdelay $0x1  }
0x1f: {  	v3 =	vperm.xlane v3, v2;
	v4 =	vadd.s32 v1, v4;
	_ =	sdelay $0x1  }
0x20: {  	v3 =	vadd.s32 v1, v3;
	_ =	sdelay $0x2  }
0x21: {  	[tilespmem:s10], [sflag:$0x1] =	stream.indirect_vreg.gather [hbm4b:s3+s2], $0x80, v4, vm0, $0xb8;
	[tilespmem:$0x4880] =	vst v63  }
0x22: {  	_ = 	snop  }
0x23: {  	[tilespmem:s11], [sflag:$0x1] =	stream.indirect_vreg.gather [hbm4b:s3+s2], $0x80, v3, vm0, $0xb8;
	[tilespmem:$0x4880] =	vst v63  }
0x24: {  	v3 =	vld [tilespmem:$0x20];
	_ =	sdelay $0x4  }
0x25: {  	v61 =	vshll.u32 v3, $0x1  }
0x26: {  	v3 =	vand.u32 $0x7, v3;
	v4 =	vand.u32 $0xFFFFFFF0, v61  }
0x27: {  	v3 =	vor.u32 v3, v4  }
0x28: {  	v4 =	vperm.xlane v3, v0;
	_ =	sdelay $0x1  }
0x29: {  	v3 =	vperm.xlane v3, v2;
	v4 =	vadd.s32 v1, v4;
	_ =	sdelay $0x1  }
0x2a: {  	v3 =	vadd.s32 v1, v3;
	_ =	sdelay $0x2  }
0x2b: {  	[tilespmem:s12], [sflag:$0x1] =	stream.indirect_vreg.gather [hbm4b:s3+s2], $0x80, v4, vm0, $0xb8;
	[tilespmem:$0x4880] =	vst v63  }
0x2c: {  	_ = 	snop  }
0x2d: {  	[tilespmem:s13], [sflag:$0x1] =	stream.indirect_vreg.gather [hbm4b:s3+s2], $0x80, v3, vm0, $0xb8;
	[tilespmem:$0x4880] =	vst v63  }
0x2e: {  	v3 =	vld [tilespmem:$0x30];
	_ =	sdelay $0x4  }
0x2f: {  	v62 =	vshll.u32 v3, $0x1  }
0x30: {  	v3 =	vand.u32 $0x7, v3;
	v4 =	vand.u32 $0xFFFFFFF0, v62  }
0x31: {  	v3 =	vor.u32 v3, v4  }
0x32: {  	v4 =	vperm.xlane v3, v0;
	_ =	sdelay $0x1  }
0x33: {  	v3 =	vperm.xlane v3, v2;
	v4 =	vadd.s32 v1, v4;
	_ =	sdelay $0x1  }
0x34: {  	v3 =	vadd.s32 v1, v3;
	_ =	sdelay $0x2  }
0x35: {  	[tilespmem:s14], [sflag:$0x1] =	stream.indirect_vreg.gather [hbm4b:s3+s2], $0x80, v4, vm0, $0xb8;
	[tilespmem:$0x4880] =	vst v63  }
0x36: {  	_ = 	snop  }
0x37: {  	[tilespmem:s15], [sflag:$0x1] =	stream.indirect_vreg.gather [hbm4b:s3+s2], $0x80, v3, vm0, $0xb8;
	[tilespmem:$0x4880] =	vst v63  }
0x38: {  	v3 =	vld.msk [tilespmem:$0x40], $0xff;
	_ =	sdelay $0x4  }
0x39: {  	v63 =	vshll.u32 v3, $0x1  }
0x3a: {  	v3 =	vand.u32 $0x7, v3;
	v4 =	vand.u32 $0xFFFFFFF0, v63  }
0x3b: {  	v3 =	vor.u32 v3, v4  }
0x3c: {  	v3 =	vperm.xlane v3, v0;
	_ =	sdelay $0x1  }
0x3d: {  	v3 =	vadd.s32 v1, v3;
	_ =	sdelay $0x4  }
0x3e: {  	[tilespmem:s16], [sflag:$0x1] =	stream.indirect_vreg.gather [hbm4b:s3+s2], $0x80, v3, vm0, $0xb8;
	[tilespmem:$0x4880] =	vst v63  }
0x3f: {  	_ =	swait.ge [sflag:s17], $0x4800  }
0x40: {  	p0 =	sne.s32 s6, $0x1;
	[sflag:s17] =	ssyncset.done $0x0  }
.Ltmp0:
0x41: {  	[sflag:s17] =	ssyncadd.s32 $0xFFFFB800;
	(pc) =	sbr.rel @p0 .LBB2_1-.Ltmp0, $4  }
0x42: {  	[hbm4b:s5+s2] =	stream.linear.scatter [tilespmem:s8], [sflag:$0x2], $0x4800, $0x38;
	[tilespmem:$0x4880] =	vst v63  }
0x43: {  	_ =	swait.ge [sflag:s7], $0x4800  }
0x44: {  	[sflag:s7] =	ssyncset.done $0x0  }
0x45: {  	s6 =	sadd.s32 $0xFFFFFFFF, s6;
	[sflag:s7] =	ssyncadd.s32 $0xFFFFB800  }
0x46: {  	_ =	sfence.sel $0x180000  }
0x47: {  	[bflag:$0x0] =	sbarrier.arrive $0xFFFF  }
0x48: {  	p0 =	sne.s32 s0, $0x0;
	_ =	strace $0x90000050  }
0x49: {  	s0 =	sadd.s32 @!p0 $0x100000, s1;
	[bflag:$0x2] =	sbarrier.arrive $0xFFFF  }
0x4a: {  	[sflag:s0] =	ssyncadd.tile.s32 @!p0 $0x1;
	_ =	shalt  }
.Lfunc_end2:
_tile_overlayer_lowered:
.L_overlay_start_2:
0x4b: {  	(tag) =	ssettag $0x2  }
0x4c: {  	s0 =	rddreg [dreg:$0x0];
	s2 =	stileid.u32  }
0x4d: {  	s1 =	rddreg [dreg:$0x1];
	p0 =	sne.s32 s2, $0x0  }
0x4e: {  	s3 =	rddreg [dreg:$0x2];
	[bflag:$0x3] =	sbarrier.arrive $0xFFFF;
	s2 =	simm.s32 @!p0 $0x1C02  }
0x4f: {  	[timem:s3], [sflag:s2] =	dma.local @!p0 [hbm:s0], s1  }
0x50: {  	s0 =	simm.s32 @!p0 $0x2  }
0x51: {  	_ =	swait.ge @!p0 [sflag:s0], s1  }
0x52: {  	s1 =	ssub.s32 @!p0 $0x0, s1;
	[sflag:s0] =	ssyncset.done @!p0 $0x0  }
0x53: {  	[sflag:s0] =	ssyncadd.s32 @!p0 s1  }
0x54: {  	[bflag:$0x3] =	sbarrier.arrive $0xFFFF  }
0x55: {  	_ =	shalt  }

// kernel: kernel.30.cloned.1.call-start
scs
__scs_entry_jumppad:
0x0: {  	(pc) =	sbr.rel $0x88, $3  }
0x1: {  	(tag) =	ssettag $0x0;
	lr =	simm.s32 $0x1  }
0x2: {  	[smem:$0x3F9F] =	sst lr;
	_ =	strace $0xD0000000  }
0x3: {  	_ = 	snop  }
0x4: {  	_ = 	snop  }
0x5: {  	_ = 	snop  }
0x6: {  	_ = 	snop  }
0x7: {  	_ = 	snop  }
__scs_overlays_trampoline_lowered:
0x8: {  	[smem:$0x3FAE] =	sst s0  }
0x9: {  	[smem:$0x3FAF] =	sst s1  }
0xa: {  	[smem:$0x3FB0] =	sst s2  }
0xb: {  	[smem:$0x3FB1] =	sst s3  }
0xc: {  	[smem:$0x3FB2] =	sst s4  }
0xd: {  	[smem:$0x3FB3] =	sst s5  }
0xe: {  	[smem:$0x3FB4] =	sst s6  }
0xf: {  	[smem:$0x3FB5] =	sst s7  }
0x10: {  	[smem:$0x3FB6] =	sst s8  }
0x11: {  	[smem:$0x3FB7] =	sst s9;
	s0 =	simm.s32 @!p0 $0x0  }
0x12: {  	s1 =	sld [smem:$0x3F9D];
	s0 =	simm.s32 @p0 $0x1  }
0x13: {  	[smem:$0x3FB8] =	sst s0;
	s0 =	simm.s32 @!p1 $0x0  }
0x14: {  	s2 =	sld [smem:$0x3F9C];
	s0 =	simm.s32 @p1 $0x1  }
0x15: {  	[smem:$0x3FB9] =	sst s0;
	s0 =	simm.s32 @!p2 $0x0  }
0x16: {  	s3 =	sld [smem:$0x3FDB];
	s0 =	simm.s32 @p2 $0x1  }
0x17: {  	s4 =	simm.s32 $0x1BF5;
	[smem:$0x3FBB] =	sst s0  }
0x18: {  	s0 =	sld [smem:$0x3F9E];
	_ =	swait.ge [sflag:s4], $0x0  }
0x19: {  	s7 =	sld [smem:$0x3F9F]  }
0x1a: {  	s8 =	sadd.s32 $0xFFFFE003, lr  }
0x1b: {  	s9 =	sadd.s32 $0xFFFFFEF7, lr;
	s5 =	simm.s32 $0xFFFFFFFF;
	p2 =	slt.u32 s8, $0xFFFFF086  }
0x1c: {  	p1 =	slt.u32 s9, $0xF7A;
	s5 =	simm.s32 @!p2 $0x0  }
0x1d: {  	s5 =	simm.s32 @p1 $0x1;
	p0 =	seq.s32 s7, s2  }
0x1e: {  	s7 =	smul.u32 @!p0 $0xF7A, s2;
	p2 =	seq.s32 @!p0 s5, $0x0  }
0x1f: {  	s9 =	smul.u32 $0xF7A, s1;
	s8 =	simm.s32 @!p0 $0x1BF5;
	p2 =	por !p2, p0  }
0x20: {  	[sflag:s8] =	ssyncset.s32 @!p0 $0xFFFFF086;
	s6 =	sadd.s32 @!p0 s3, s7;
	s7 =	simm.s32 @!p0 $0x108  }
0x21: {  	s3 =	sadd.s32 s3, s9;
	s6 =	sadd.s32 @!p0 $0x88, s6;
	s7 =	simm.s32 @p2 $0x1082  }
0x22: {  	[simem:s7], [sflag:s8] =	dma.local @!p0 [hbm:s6], $0xF7A  }
0x23: {  	s9 =	sor.u32 $0xD0000000, s2;
	s6 =	simm.s32 $0x108;
	_ =	swait.ge @!p0 [sflag:s8], $0x0  }
0x24: {  	s3 =	sadd.s32 $0x88, s3;
	s6 =	simm.s32 @!p1 $0x1082;
	[sflag:s4] =	ssyncset.s32 $0xFFFFF086  }
0x25: {  	[simem:s6], [sflag:s4] =	dma.local [hbm:s3], $0xF7A  }
0x26: {  	[smem:$0x3F9F] =	sst s1;
	(tag) =	ssettag s2;
	_ =	strace s9  }
0x27: {  	s1 =	sld [smem:$0x3FAF]  }
0x28: {  	s2 =	sld [smem:$0x3FB0]  }
0x29: {  	s4 =	sld [smem:$0x3FB2]  }
0x2a: {  	p0 =	seq.s32 s5, $0x0;
	s5 =	sld [smem:$0x3FB3]  }
0x2b: {  	s6 =	sld [smem:$0x3FB4]  }
0x2c: {  	s7 =	sld [smem:$0x3FB5]  }
0x2d: {  	s3 =	simm.s32 $0x108;
	s8 =	sld [smem:$0x3FB6]  }
0x2e: {  	s3 =	simm.s32 @!p0 $0x1082;
	s9 =	sld [smem:$0x3FB7]  }
0x2f: {  	lr =	sadd.s32 s0, s3;
	s0 =	sld [smem:$0x3FAE]  }
0x30: {  	s3 =	sld [smem:$0x3FB1]  }
0x31: {  	[smem:$0x3FBA] =	sst s10  }
0x32: {  	s10 =	sld [smem:$0x3FB8];
	_ =	sdelay $0x3  }
0x33: {  	p0 =	seq.s32 s10, $0x1;
	s10 =	sld [smem:$0x3FBA];
	_ =	sdelay $0x3  }
0x34: {  	[smem:$0x3FBA] =	sst s10  }
0x35: {  	s10 =	sld [smem:$0x3FB9];
	_ =	sdelay $0x3  }
0x36: {  	p1 =	seq.s32 s10, $0x1;
	s10 =	sld [smem:$0x3FBA];
	_ =	sdelay $0x3  }
0x37: {  	[smem:$0x3FBA] =	sst s10  }
0x38: {  	s10 =	sld [smem:$0x3FBB]  }
0x39: {  	_ = 	snop;
	(pc) =	sbr.ind lr, $3  }
0x3a: {  	_ = 	snop  }
0x3b: {  	_ = 	snop  }
0x3c: {  	p2 =	seq.s32 s10, $0x1;
	s10 =	sld [smem:$0x3FBA]  }
0x3d: {  	_ =	shalt  }
0x3e: {  	_ =	shalt  }
0x3f: {  	_ =	shalt  }
0x40: {  	_ =	shalt  }
0x41: {  	_ =	shalt  }
0x42: {  	_ =	shalt  }
0x43: {  	_ =	shalt  }
0x44: {  	_ =	shalt  }
0x45: {  	_ =	shalt  }
0x46: {  	_ =	shalt  }
0x47: {  	_ =	shalt  }
0x48: {  	_ =	shalt  }
0x49: {  	_ =	shalt  }
0x4a: {  	_ =	shalt  }
0x4b: {  	_ =	shalt  }
0x4c: {  	_ =	shalt  }
0x4d: {  	_ =	shalt  }
0x4e: {  	_ =	shalt  }
0x4f: {  	_ =	shalt  }
0x50: {  	_ =	shalt  }
0x51: {  	_ =	shalt  }
0x52: {  	_ =	shalt  }
0x53: {  	_ =	shalt  }
0x54: {  	_ =	shalt  }
0x55: {  	_ =	shalt  }
0x56: {  	_ =	shalt  }
0x57: {  	_ =	shalt  }
0x58: {  	_ =	shalt  }
0x59: {  	_ =	shalt  }
0x5a: {  	_ =	shalt  }
0x5b: {  	_ =	shalt  }
0x5c: {  	_ =	shalt  }
0x5d: {  	_ =	shalt  }
0x5e: {  	_ =	shalt  }
0x5f: {  	_ =	shalt  }
0x60: {  	_ =	shalt  }
0x61: {  	_ =	shalt  }
0x62: {  	_ =	shalt  }
0x63: {  	_ =	shalt  }
0x64: {  	_ =	shalt  }
0x65: {  	_ =	shalt  }
0x66: {  	_ =	shalt  }
0x67: {  	_ =	shalt  }
0x68: {  	_ =	shalt  }
0x69: {  	_ =	shalt  }
0x6a: {  	_ =	shalt  }
0x6b: {  	_ =	shalt  }
0x6c: {  	_ =	shalt  }
0x6d: {  	_ =	shalt  }
0x6e: {  	_ =	shalt  }
0x6f: {  	_ =	shalt  }
0x70: {  	_ =	shalt  }
0x71: {  	_ =	shalt  }
0x72: {  	_ =	shalt  }
0x73: {  	_ =	shalt  }
0x74: {  	_ =	shalt  }
0x75: {  	_ =	shalt  }
0x76: {  	_ =	shalt  }
0x77: {  	_ =	shalt  }
0x78: {  	_ =	shalt  }
0x79: {  	_ =	shalt  }
0x7a: {  	_ =	shalt  }
0x7b: {  	_ =	shalt  }
0x7c: {  	_ =	shalt  }
0x7d: {  	_ =	shalt  }
0x7e: {  	_ =	shalt  }
0x7f: {  	_ =	shalt  }
0x80: {  	_ =	shalt  }
0x81: {  	_ =	shalt  }
0x82: {  	_ =	shalt  }
0x83: {  	_ =	shalt  }
0x84: {  	_ =	shalt  }
0x85: {  	_ =	shalt  }
0x86: {  	_ =	shalt  }
0x87: {  	_ =	shalt  }
.Lfunc_end0:
.L_simem_size_0:
called_computation.4_lowered:
.L_overlay_start_0:
0x88: {  	s2 =	sld [smem:$0x3FD9]  }
0x89: {  	s3 =	sld [smem:$0x3FFE];
	_ =	sdelay $0x1  }
0x8a: {  	s1 =	srdreg.scid  }
0x8b: {  	s0 =	sand.u32 $0x1, s1  }
0x8c: {  	s14 =	sshll.u32 s0, $0xA;
	s2 =	sadd.s32 s3, s2  }
0x8d: {  	s2 =	sadd.s32 s2, s14  }
0x8e: {  	[smem:$0x3FC6] =	sst s2  }
0x8f: {  	_ = 	snop  }
0x90: {  	s2 =	sld [smem:$0x3FD0];
	_ =	sdelay $0x2  }
0x91: {  	s15 =	simm.s32 $0xA;
	s4 =	simm.s32 $0x10  }
0x92: {  	[smem:s4], [sflag:s15] =	dma.local [hbm:s2], $0x1  }
0x93: {  	_ =	swait.eq [sflag:s15], $0x1  }
0x94: {  	[sflag:s15] =	ssyncset.done $0x0  }
0x95: {  	[sflag:s15] =	ssyncadd.s32 $0xFFFFFFFF  }
0x96: {  	s16 =	sld [smem:$0x12];
	(tm) =	ssettm $0x1  }
0x97: {  	s17 =	sld [smem:$0x3FFB];
	_ =	sdelay $0x3  }
0x98: {  	_ =	strace s17  }
0x99: {  	s3 =	sld [smem:$0x3FFC];
	_ =	sdelay $0x3  }
0x9a: {  	_ =	strace s3  }
0x9b: {  	s3 =	sld [smem:$0x3FFD];
	_ =	sdelay $0x3  }
0x9c: {  	_ =	strace s3  }
0x9d: {  	_ =	strace $0x8FFFFFFF  }
0x9e: {  	s18 =	sld [smem:$0x3FDB];
	_ =	sdelay $0x1  }
0x9f: {  	s19 =	simm.s32 $_scs_section_size  }
0xa0: {  	s5 =	simm.s32 $_size__tile_overlayer_lowered;
	s6 =	simm.s32 $_tile_overlayer_lowered  }
0xa1: {  	s22 =	simm.s32 $0x1BFF;
	s21 =	sshll.u32 s6, $0x1;
	s3 =	sadd.s32 s19, s18  }
0xa2: {  	s7 =	simm.s32 $0x0;
	s20 =	sshll.u32 s5, $0x1;
	s5 =	sadd.s32 s21, s3  }
0xa3: {  	[timem:s7], [sflag:s22] =	dma.local [hbm:s5], s20  }
0xa4: {  	_ =	swait.ge [sflag:s22], s20  }
0xa5: {  	s4 =	ssub.s32 $0x0, s20;
	[sflag:s22] =	ssyncset.done $0x0  }
0xa6: {  	[sflag:s22] =	ssyncadd.s32 s4;
	_ =	sdelay $0x1  }
0xa7: {  	s23 =	simm.s32 $0x1B8B  }
0xa8: {  	_ =	swait.ge [sflag:s23], $0x1  }
0xa9: {  	[sflag:s23] =	ssyncset.done $0x0  }
0xaa: {  	s25 =	simm.s32 $0x1B8E;
	s24 =	sld [smem:$0x3FFE];
	[sflag:s23] =	ssyncadd.s32 $0xFFFFFFFF  }
0xab: {  	s26 =	simm.s32 $execute0_lowered;
	[smem:$0x3FD2] =	sst s25  }
0xac: {  	s5 =	sshll.u32 s26, $0x1;
	_ =	strace $0x80000052;
	[dreg:$0x1] =	wrdreg $0xFFFFFFFF  }
0xad: {  	s28 =	simm.s32 $_size_execute0_lowered;
	s3 =	sadd.s32 s3, s5;
	[dreg:$0x0] =	wrdreg $0x0  }
0xae: {  	s5 =	sshll.u32 s28, $0x1;
	[dreg:$0x2] =	wrdreg s3  }
0xaf: {  	[dreg:$0x3] =	wrdreg s5  }
0xb0: {  	[dreg:$0x4] =	wrdreg $0xC0  }
0xb1: {  	_ =	task [dreg:s7], $0x5FFFF  }
0xb2: {  	[dreg:$0x1] =	wrdreg $0xFFFFFFFF  }
0xb3: {  	[dreg:$0x0] =	wrdreg $0x60  }
0xb4: {  	[dreg:$0x2] =	wrdreg s24  }
0xb5: {  	[dreg:$0x3] =	wrdreg s16  }
0xb6: {  	[dreg:$0x4] =	wrdreg $0x9  }
0xb7: {  	_ =	task.clear_ibuf [dreg:s7], $0x5FFFF;
	_ =	strace $0x90000052  }
0xb8: {  	s29 =	simm.s32 $0x9;
	_ =	strace $0x80000054  }
0xb9: {  	_ =	swait.ge [sflag:s29], $0x1  }
0xba: {  	[sflag:s29] =	ssyncadd.s32 $0xFFFFFFFF  }
0xbb: {  	_ =	strace $0x90000054  }
0xbc: {  	_ =	sfence  }
0xbd: {  	s30 =	sld [smem:$0x0];
	_ =	sdelay $0x2  }
0xbe: {  	s31 =	sshll.u32 s1, $0xD;
	s1 =	sshrl.u32 s1, $0x2  }
0xbf: {  	s3 =	sand.u32 $0x4000, s31;
	s1 =	sadd.s32 s1, s30  }
0xc0: {  	s0 =	sor.u32 s3, s0;
	s1 =	sshll.u32 s1, $0x11  }
0xc1: {  	s0 =	sor.u32 s1, s0  }
0xc2: {  	s0 =	sadd.s32 $0x8F2B, s0  }
0xc3: {  	[sflag:s0] =	ssyncadd.remote.s32 $0x1  }
0xc4: {  	_ =	sfence.sel $0xFFFF  }
0xc5: {  	[dreg:$0x0] =	wrdreg $0xFFFFFFFF;
	(pc) =	sbr.abs _section_cstart, $3  }
0xc6: {  	[dreg:$0x1] =	wrdreg $0xFFFFFFFF  }
0xc7: {  	_ =	task.clear_ibuf [dreg:s7], $0x2FFFF;
	_ =	strace $0x9FFFFFFF  }
0xc8: {  	(tm) =	ssettm $0x7FFFFFFF  }
0xc9: {  	_ =	shalt  }
tec
execute0_lowered:
.L_overlay_start_1:
0x0: {  	(tag) =	ssettag $0x1  }
0x1: {  	s4 =	rddreg [dreg:$0x0];
	s1 =	srdreg.scid  }
0x2: {  	s0 =	stileid.u32;
	s5 =	rddreg [dreg:$0x1];
	s2 =	simm.s32 $0x0  }
0x3: {  	s9 =	simm.s32 $0x880;
	s10 =	simm.s32 $0x1080;
	s11 =	simm.s32 $0x1880  }
0x4: {  	s12 =	simm.s32 $0x2080;
	s13 =	simm.s32 $0x2880;
	s14 =	simm.s32 $0x3080  }
0x5: {  	s15 =	simm.s32 $0x3880;
	s3 =	sand.u32 $0x1, s1;
	s6 =	sshll.u32 s0, $0x1  }
0x6: {  	s16 =	simm.s32 $0x4080;
	s17 =	simm.s32 $0x1;
	s6 =	sor.u32 s3, s6  }
0x7: {  	s1 =	rddreg [dreg:$0x2];
	s8 =	ssub.s32 $0x2, s3;
	s7 =	smul.u32 $0x900, s6  }
0x8: {  	[smem:$0x7FF] =	sst s2;
	s6 =	smul.u32 $0x9, s6;
	s31 =	sshrl.u32 s8, $0x1  }
0x9: {  	v2 =	vlaneseq.u32;
	_ =	strace $0x80000053;
	s3 =	sadd.s32 $0xC6200, s4;
	s8 =	ssub.s32 s8, s31  }
0xa: {  	vm0 =	vmmov $0xffff;
	v1 =	vshrl.u32 v2, $0x3;
	s7 =	sadd.s32 s7, s4;
	s4 =	sadd.s32 s5, s6;
	s6 =	smax.u32 s8, $0x1  }
0xb: {  	v0 =	vand.u32 $0x7, v2;
	v2 =	vor.u32 $0x8, v2;
	v1 =	vmul.u32 $0x8, v1;
	s8 =	simm.s32 $0x80;
	s5 =	sadd.s32 $0x1AA200, s7;
	s7 =	simm.s32 $0x2  }
.LBB2_1:
0xc: {  	[tilespmem:s2], [sflag:$0x2] =	stream.linear.gather [hbm4b:s4+s2], $0x48, $0x38;
	[tilespmem:$0x4880] =	vst v63  }
0xd: {  	_ =	swait.ge [sflag:s7], $0x48  }
0xe: {  	[sflag:s7] =	ssyncset.done $0x0  }
0xf: {  	[sflag:s7] =	ssyncadd.s32 $0xFFFFFFB8  }
0x10: {  	v3 =	vld [tilespmem:$0x0];
	_ =	sdelay $0x4  }
0x11: {  	v4 =	vshll.u32 v3, $0x1  }
0x12: {  	v3 =	vand.u32 $0x7, v3;
	v4 =	vand.u32 $0xFFFFFFF0, v4  }
0x13: {  	v3 =	vor.u32 v3, v4  }
0x14: {  	v4 =	vperm.xlane v3, v0;
	_ =	sdelay $0x1  }
0x15: {  	v3 =	vperm.xlane v3, v2;
	v4 =	vadd.s32 v1, v4;
	_ =	sdelay $0x1  }
0x16: {  	v3 =	vadd.s32 v1, v3;
	_ =	sdelay $0x2  }
0x17: {  	[tilespmem:s8], [sflag:$0x1] =	stream.indirect_vreg.gather [hbm4b:s3+s2], $0x80, v4, vm0, $0xb8;
	[tilespmem:$0x4880] =	vst v63  }
0x18: {  	_ = 	snop  }
0x19: {  	[tilespmem:s9], [sflag:$0x1] =	stream.indirect_vreg.gather [hbm4b:s3+s2], $0x80, v3, vm0, $0xb8;
	[tilespmem:$0x4880] =	vst v63  }
0x1a: {  	v3 =	vld [tilespmem:$0x10];
	_ =	sdelay $0x4  }
0x1b: {  	v60 =	vshll.u32 v3, $0x1  }
0x1c: {  	v3 =	vand.u32 $0x7, v3;
	v4 =	vand.u32 $0xFFFFFFF0, v60  }
0x1d: {  	v3 =	vor.u32 v3, v4  }
0x1e: {  	v4 =	vperm.xlane v3, v0;
	_ =	sdelay $0x1  }
0x1f: {  	v3 =	vperm.xlane v3, v2;
	v4 =	vadd.s32 v1, v4;
	_ =	sdelay $0x1  }
0x20: {  	v3 =	vadd.s32 v1, v3;
	_ =	sdelay $0x2  }
0x21: {  	[tilespmem:s10], [sflag:$0x1] =	stream.indirect_vreg.gather [hbm4b:s3+s2], $0x80, v4, vm0, $0xb8;
	[tilespmem:$0x4880] =	vst v63  }
0x22: {  	_ = 	snop  }
0x23: {  	[tilespmem:s11], [sflag:$0x1] =	stream.indirect_vreg.gather [hbm4b:s3+s2], $0x80, v3, vm0, $0xb8;
	[tilespmem:$0x4880] =	vst v63  }
0x24: {  	v3 =	vld [tilespmem:$0x20];
	_ =	sdelay $0x4  }
0x25: {  	v61 =	vshll.u32 v3, $0x1  }
0x26: {  	v3 =	vand.u32 $0x7, v3;
	v4 =	vand.u32 $0xFFFFFFF0, v61  }
0x27: {  	v3 =	vor.u32 v3, v4  }
0x28: {  	v4 =	vperm.xlane v3, v0;
	_ =	sdelay $0x1  }
0x29: {  	v3 =	vperm.xlane v3, v2;
	v4 =	vadd.s32 v1, v4;
	_ =	sdelay $0x1  }
0x2a: {  	v3 =	vadd.s32 v1, v3;
	_ =	sdelay $0x2  }
0x2b: {  	[tilespmem:s12], [sflag:$0x1] =	stream.indirect_vreg.gather [hbm4b:s3+s2], $0x80, v4, vm0, $0xb8;
	[tilespmem:$0x4880] =	vst v63  }
0x2c: {  	_ = 	snop  }
0x2d: {  	[tilespmem:s13], [sflag:$0x1] =	stream.indirect_vreg.gather [hbm4b:s3+s2], $0x80, v3, vm0, $0xb8;
	[tilespmem:$0x4880] =	vst v63  }
0x2e: {  	v3 =	vld [tilespmem:$0x30];
	_ =	sdelay $0x4  }
0x2f: {  	v62 =	vshll.u32 v3, $0x1  }
0x30: {  	v3 =	vand.u32 $0x7, v3;
	v4 =	vand.u32 $0xFFFFFFF0, v62  }
0x31: {  	v3 =	vor.u32 v3, v4  }
0x32: {  	v4 =	vperm.xlane v3, v0;
	_ =	sdelay $0x1  }
0x33: {  	v3 =	vperm.xlane v3, v2;
	v4 =	vadd.s32 v1, v4;
	_ =	sdelay $0x1  }
0x34: {  	v3 =	vadd.s32 v1, v3;
	_ =	sdelay $0x2  }
0x35: {  	[tilespmem:s14], [sflag:$0x1] =	stream.indirect_vreg.gather [hbm4b:s3+s2], $0x80, v4, vm0, $0xb8;
	[tilespmem:$0x4880] =	vst v63  }
0x36: {  	_ = 	snop  }
0x37: {  	[tilespmem:s15], [sflag:$0x1] =	stream.indirect_vreg.gather [hbm4b:s3+s2], $0x80, v3, vm0, $0xb8;
	[tilespmem:$0x4880] =	vst v63  }
0x38: {  	v3 =	vld.msk [tilespmem:$0x40], $0xff;
	_ =	sdelay $0x4  }
0x39: {  	v63 =	vshll.u32 v3, $0x1  }
0x3a: {  	v3 =	vand.u32 $0x7, v3;
	v4 =	vand.u32 $0xFFFFFFF0, v63  }
0x3b: {  	v3 =	vor.u32 v3, v4  }
0x3c: {  	v3 =	vperm.xlane v3, v0;
	_ =	sdelay $0x1  }
0x3d: {  	v3 =	vadd.s32 v1, v3;
	_ =	sdelay $0x4  }
0x3e: {  	[tilespmem:s16], [sflag:$0x1] =	stream.indirect_vreg.gather [hbm4b:s3+s2], $0x80, v3, vm0, $0xb8;
	[tilespmem:$0x4880] =	vst v63  }
0x3f: {  	_ =	swait.ge [sflag:s17], $0x4800  }
0x40: {  	p0 =	sne.s32 s6, $0x1;
	[sflag:s17] =	ssyncset.done $0x0  }
.Ltmp0:
0x41: {  	[sflag:s17] =	ssyncadd.s32 $0xFFFFB800;
	(pc) =	sbr.rel @p0 .LBB2_1-.Ltmp0, $4  }
0x42: {  	[hbm4b:s5+s2] =	stream.linear.scatter [tilespmem:s8], [sflag:$0x2], $0x4800, $0x38;
	[tilespmem:$0x4880] =	vst v63  }
0x43: {  	_ =	swait.ge [sflag:s7], $0x4800  }
0x44: {  	[sflag:s7] =	ssyncset.done $0x0  }
0x45: {  	s6 =	sadd.s32 $0xFFFFFFFF, s6;
	[sflag:s7] =	ssyncadd.s32 $0xFFFFB800  }
0x46: {  	_ =	sfence.sel $0x180000  }
0x47: {  	[bflag:$0x0] =	sbarrier.arrive $0xFFFF  }
0x48: {  	p0 =	sne.s32 s0, $0x0;
	_ =	strace $0x90000053  }
0x49: {  	s0 =	sadd.s32 @!p0 $0x100000, s1;
	[bflag:$0x2] =	sbarrier.arrive $0xFFFF  }
0x4a: {  	[sflag:s0] =	ssyncadd.tile.s32 @!p0 $0x1;
	_ =	shalt  }
.Lfunc_end2:
_tile_overlayer_lowered:
.L_overlay_start_2:
0x4b: {  	(tag) =	ssettag $0x2  }
0x4c: {  	s0 =	rddreg [dreg:$0x0];
	s2 =	stileid.u32  }
0x4d: {  	s1 =	rddreg [dreg:$0x1];
	p0 =	sne.s32 s2, $0x0  }
0x4e: {  	s3 =	rddreg [dreg:$0x2];
	[bflag:$0x3] =	sbarrier.arrive $0xFFFF;
	s2 =	simm.s32 @!p0 $0x1C02  }
0x4f: {  	[timem:s3], [sflag:s2] =	dma.local @!p0 [hbm:s0], s1  }
0x50: {  	s0 =	simm.s32 @!p0 $0x2  }
0x51: {  	_ =	swait.ge @!p0 [sflag:s0], s1  }
0x52: {  	s1 =	ssub.s32 @!p0 $0x0, s1;
	[sflag:s0] =	ssyncset.done @!p0 $0x0  }
0x53: {  	[sflag:s0] =	ssyncadd.s32 @!p0 s1  }
0x54: {  	[bflag:$0x3] =	sbarrier.arrive $0xFFFF  }
0x55: {  	_ =	shalt  }

// kernel: kernel.33.cloned.1.call-start
scs
__scs_entry_jumppad:
0x0: {  	(pc) =	sbr.rel $0x88, $3  }
0x1: {  	(tag) =	ssettag $0x0;
	lr =	simm.s32 $0x1  }
0x2: {  	[smem:$0x3F9F] =	sst lr;
	_ =	strace $0xD0000000  }
0x3: {  	_ = 	snop  }
0x4: {  	_ = 	snop  }
0x5: {  	_ = 	snop  }
0x6: {  	_ = 	snop  }
0x7: {  	_ = 	snop  }
__scs_overlays_trampoline_lowered:
0x8: {  	[smem:$0x3FAE] =	sst s0  }
0x9: {  	[smem:$0x3FAF] =	sst s1  }
0xa: {  	[smem:$0x3FB0] =	sst s2  }
0xb: {  	[smem:$0x3FB1] =	sst s3  }
0xc: {  	[smem:$0x3FB2] =	sst s4  }
0xd: {  	[smem:$0x3FB3] =	sst s5  }
0xe: {  	[smem:$0x3FB4] =	sst s6  }
0xf: {  	[smem:$0x3FB5] =	sst s7  }
0x10: {  	[smem:$0x3FB6] =	sst s8  }
0x11: {  	[smem:$0x3FB7] =	sst s9;
	s0 =	simm.s32 @!p0 $0x0  }
0x12: {  	s1 =	sld [smem:$0x3F9D];
	s0 =	simm.s32 @p0 $0x1  }
0x13: {  	[smem:$0x3FB8] =	sst s0;
	s0 =	simm.s32 @!p1 $0x0  }
0x14: {  	s2 =	sld [smem:$0x3F9C];
	s0 =	simm.s32 @p1 $0x1  }
0x15: {  	[smem:$0x3FB9] =	sst s0;
	s0 =	simm.s32 @!p2 $0x0  }
0x16: {  	s3 =	sld [smem:$0x3FDB];
	s0 =	simm.s32 @p2 $0x1  }
0x17: {  	s4 =	simm.s32 $0x1BF5;
	[smem:$0x3FBB] =	sst s0  }
0x18: {  	s0 =	sld [smem:$0x3F9E];
	_ =	swait.ge [sflag:s4], $0x0  }
0x19: {  	s7 =	sld [smem:$0x3F9F]  }
0x1a: {  	s8 =	sadd.s32 $0xFFFFE003, lr  }
0x1b: {  	s9 =	sadd.s32 $0xFFFFFEF7, lr;
	s5 =	simm.s32 $0xFFFFFFFF;
	p2 =	slt.u32 s8, $0xFFFFF086  }
0x1c: {  	p1 =	slt.u32 s9, $0xF7A;
	s5 =	simm.s32 @!p2 $0x0  }
0x1d: {  	s5 =	simm.s32 @p1 $0x1;
	p0 =	seq.s32 s7, s2  }
0x1e: {  	s7 =	smul.u32 @!p0 $0xF7A, s2;
	p2 =	seq.s32 @!p0 s5, $0x0  }
0x1f: {  	s9 =	smul.u32 $0xF7A, s1;
	s8 =	simm.s32 @!p0 $0x1BF5;
	p2 =	por !p2, p0  }
0x20: {  	[sflag:s8] =	ssyncset.s32 @!p0 $0xFFFFF086;
	s6 =	sadd.s32 @!p0 s3, s7;
	s7 =	simm.s32 @!p0 $0x108  }
0x21: {  	s3 =	sadd.s32 s3, s9;
	s6 =	sadd.s32 @!p0 $0x88, s6;
	s7 =	simm.s32 @p2 $0x1082  }
0x22: {  	[simem:s7], [sflag:s8] =	dma.local @!p0 [hbm:s6], $0xF7A  }
0x23: {  	s9 =	sor.u32 $0xD0000000, s2;
	s6 =	simm.s32 $0x108;
	_ =	swait.ge @!p0 [sflag:s8], $0x0  }
0x24: {  	s3 =	sadd.s32 $0x88, s3;
	s6 =	simm.s32 @!p1 $0x1082;
	[sflag:s4] =	ssyncset.s32 $0xFFFFF086  }
0x25: {  	[simem:s6], [sflag:s4] =	dma.local [hbm:s3], $0xF7A  }
0x26: {  	[smem:$0x3F9F] =	sst s1;
	(tag) =	ssettag s2;
	_ =	strace s9  }
0x27: {  	s1 =	sld [smem:$0x3FAF]  }
0x28: {  	s2 =	sld [smem:$0x3FB0]  }
0x29: {  	s4 =	sld [smem:$0x3FB2]  }
0x2a: {  	p0 =	seq.s32 s5, $0x0;
	s5 =	sld [smem:$0x3FB3]  }
0x2b: {  	s6 =	sld [smem:$0x3FB4]  }
0x2c: {  	s7 =	sld [smem:$0x3FB5]  }
0x2d: {  	s3 =	simm.s32 $0x108;
	s8 =	sld [smem:$0x3FB6]  }
0x2e: {  	s3 =	simm.s32 @!p0 $0x1082;
	s9 =	sld [smem:$0x3FB7]  }
0x2f: {  	lr =	sadd.s32 s0, s3;
	s0 =	sld [smem:$0x3FAE]  }
0x30: {  	s3 =	sld [smem:$0x3FB1]  }
0x31: {  	[smem:$0x3FBA] =	sst s10  }
0x32: {  	s10 =	sld [smem:$0x3FB8];
	_ =	sdelay $0x3  }
0x33: {  	p0 =	seq.s32 s10, $0x1;
	s10 =	sld [smem:$0x3FBA];
	_ =	sdelay $0x3  }
0x34: {  	[smem:$0x3FBA] =	sst s10  }
0x35: {  	s10 =	sld [smem:$0x3FB9];
	_ =	sdelay $0x3  }
0x36: {  	p1 =	seq.s32 s10, $0x1;
	s10 =	sld [smem:$0x3FBA];
	_ =	sdelay $0x3  }
0x37: {  	[smem:$0x3FBA] =	sst s10  }
0x38: {  	s10 =	sld [smem:$0x3FBB]  }
0x39: {  	_ = 	snop;
	(pc) =	sbr.ind lr, $3  }
0x3a: {  	_ = 	snop  }
0x3b: {  	_ = 	snop  }
0x3c: {  	p2 =	seq.s32 s10, $0x1;
	s10 =	sld [smem:$0x3FBA]  }
0x3d: {  	_ =	shalt  }
0x3e: {  	_ =	shalt  }
0x3f: {  	_ =	shalt  }
0x40: {  	_ =	shalt  }
0x41: {  	_ =	shalt  }
0x42: {  	_ =	shalt  }
0x43: {  	_ =	shalt  }
0x44: {  	_ =	shalt  }
0x45: {  	_ =	shalt  }
0x46: {  	_ =	shalt  }
0x47: {  	_ =	shalt  }
0x48: {  	_ =	shalt  }
0x49: {  	_ =	shalt  }
0x4a: {  	_ =	shalt  }
0x4b: {  	_ =	shalt  }
0x4c: {  	_ =	shalt  }
0x4d: {  	_ =	shalt  }
0x4e: {  	_ =	shalt  }
0x4f: {  	_ =	shalt  }
0x50: {  	_ =	shalt  }
0x51: {  	_ =	shalt  }
0x52: {  	_ =	shalt  }
0x53: {  	_ =	shalt  }
0x54: {  	_ =	shalt  }
0x55: {  	_ =	shalt  }
0x56: {  	_ =	shalt  }
0x57: {  	_ =	shalt  }
0x58: {  	_ =	shalt  }
0x59: {  	_ =	shalt  }
0x5a: {  	_ =	shalt  }
0x5b: {  	_ =	shalt  }
0x5c: {  	_ =	shalt  }
0x5d: {  	_ =	shalt  }
0x5e: {  	_ =	shalt  }
0x5f: {  	_ =	shalt  }
0x60: {  	_ =	shalt  }
0x61: {  	_ =	shalt  }
0x62: {  	_ =	shalt  }
0x63: {  	_ =	shalt  }
0x64: {  	_ =	shalt  }
0x65: {  	_ =	shalt  }
0x66: {  	_ =	shalt  }
0x67: {  	_ =	shalt  }
0x68: {  	_ =	shalt  }
0x69: {  	_ =	shalt  }
0x6a: {  	_ =	shalt  }
0x6b: {  	_ =	shalt  }
0x6c: {  	_ =	shalt  }
0x6d: {  	_ =	shalt  }
0x6e: {  	_ =	shalt  }
0x6f: {  	_ =	shalt  }
0x70: {  	_ =	shalt  }
0x71: {  	_ =	shalt  }
0x72: {  	_ =	shalt  }
0x73: {  	_ =	shalt  }
0x74: {  	_ =	shalt  }
0x75: {  	_ =	shalt  }
0x76: {  	_ =	shalt  }
0x77: {  	_ =	shalt  }
0x78: {  	_ =	shalt  }
0x79: {  	_ =	shalt  }
0x7a: {  	_ =	shalt  }
0x7b: {  	_ =	shalt  }
0x7c: {  	_ =	shalt  }
0x7d: {  	_ =	shalt  }
0x7e: {  	_ =	shalt  }
0x7f: {  	_ =	shalt  }
0x80: {  	_ =	shalt  }
0x81: {  	_ =	shalt  }
0x82: {  	_ =	shalt  }
0x83: {  	_ =	shalt  }
0x84: {  	_ =	shalt  }
0x85: {  	_ =	shalt  }
0x86: {  	_ =	shalt  }
0x87: {  	_ =	shalt  }
.Lfunc_end0:
.L_simem_size_0:
called_computation.5_lowered:
.L_overlay_start_0:
0x88: {  	s2 =	sld [smem:$0x3FD9]  }
0x89: {  	s3 =	sld [smem:$0x3FFE];
	_ =	sdelay $0x1  }
0x8a: {  	s1 =	srdreg.scid  }
0x8b: {  	s0 =	sand.u32 $0x1, s1  }
0x8c: {  	s14 =	sshll.u32 s0, $0xA;
	s2 =	sadd.s32 s3, s2  }
0x8d: {  	s2 =	sadd.s32 s2, s14  }
0x8e: {  	[smem:$0x3FC6] =	sst s2  }
0x8f: {  	_ = 	snop  }
0x90: {  	s2 =	sld [smem:$0x3FD0];
	_ =	sdelay $0x2  }
0x91: {  	s15 =	simm.s32 $0xA;
	s4 =	simm.s32 $0x10  }
0x92: {  	[smem:s4], [sflag:s15] =	dma.local [hbm:s2], $0x1  }
0x93: {  	_ =	swait.eq [sflag:s15], $0x1  }
0x94: {  	[sflag:s15] =	ssyncset.done $0x0  }
0x95: {  	[sflag:s15] =	ssyncadd.s32 $0xFFFFFFFF  }
0x96: {  	s16 =	sld [smem:$0x12];
	(tm) =	ssettm $0x1  }
0x97: {  	s17 =	sld [smem:$0x3FFB];
	_ =	sdelay $0x3  }
0x98: {  	_ =	strace s17  }
0x99: {  	s3 =	sld [smem:$0x3FFC];
	_ =	sdelay $0x3  }
0x9a: {  	_ =	strace s3  }
0x9b: {  	s3 =	sld [smem:$0x3FFD];
	_ =	sdelay $0x3  }
0x9c: {  	_ =	strace s3  }
0x9d: {  	_ =	strace $0x8FFFFFFF  }
0x9e: {  	s18 =	sld [smem:$0x3FDB];
	_ =	sdelay $0x1  }
0x9f: {  	s19 =	simm.s32 $_scs_section_size  }
0xa0: {  	s5 =	simm.s32 $_size__tile_overlayer_lowered;
	s6 =	simm.s32 $_tile_overlayer_lowered  }
0xa1: {  	s22 =	simm.s32 $0x1BFF;
	s21 =	sshll.u32 s6, $0x1;
	s3 =	sadd.s32 s19, s18  }
0xa2: {  	s7 =	simm.s32 $0x0;
	s20 =	sshll.u32 s5, $0x1;
	s5 =	sadd.s32 s21, s3  }
0xa3: {  	[timem:s7], [sflag:s22] =	dma.local [hbm:s5], s20  }
0xa4: {  	_ =	swait.ge [sflag:s22], s20  }
0xa5: {  	s4 =	ssub.s32 $0x0, s20;
	[sflag:s22] =	ssyncset.done $0x0  }
0xa6: {  	[sflag:s22] =	ssyncadd.s32 s4;
	_ =	sdelay $0x1  }
0xa7: {  	s23 =	simm.s32 $0x1B8B  }
0xa8: {  	_ =	swait.ge [sflag:s23], $0x1  }
0xa9: {  	[sflag:s23] =	ssyncset.done $0x0  }
0xaa: {  	s25 =	simm.s32 $0x1B8E;
	s24 =	sld [smem:$0x3FFE];
	[sflag:s23] =	ssyncadd.s32 $0xFFFFFFFF  }
0xab: {  	s26 =	simm.s32 $execute0_lowered;
	[smem:$0x3FD2] =	sst s25  }
0xac: {  	s5 =	sshll.u32 s26, $0x1;
	_ =	strace $0x80000055;
	[dreg:$0x1] =	wrdreg $0xFFFFFFFF  }
0xad: {  	s28 =	simm.s32 $_size_execute0_lowered;
	s3 =	sadd.s32 s3, s5;
	[dreg:$0x0] =	wrdreg $0x0  }
0xae: {  	s5 =	sshll.u32 s28, $0x1;
	[dreg:$0x2] =	wrdreg s3  }
0xaf: {  	[dreg:$0x3] =	wrdreg s5  }
0xb0: {  	[dreg:$0x4] =	wrdreg $0xC0  }
0xb1: {  	_ =	task [dreg:s7], $0x5FFFF  }
0xb2: {  	[dreg:$0x1] =	wrdreg $0xFFFFFFFF  }
0xb3: {  	[dreg:$0x0] =	wrdreg $0x60  }
0xb4: {  	[dreg:$0x2] =	wrdreg s24  }
0xb5: {  	[dreg:$0x3] =	wrdreg s16  }
0xb6: {  	[dreg:$0x4] =	wrdreg $0x9  }
0xb7: {  	_ =	task.clear_ibuf [dreg:s7], $0x5FFFF;
	_ =	strace $0x90000055  }
0xb8: {  	s29 =	simm.s32 $0x9;
	_ =	strace $0x80000057  }
0xb9: {  	_ =	swait.ge [sflag:s29], $0x1  }
0xba: {  	[sflag:s29] =	ssyncadd.s32 $0xFFFFFFFF  }
0xbb: {  	_ =	strace $0x90000057  }
0xbc: {  	_ =	sfence  }
0xbd: {  	s30 =	sld [smem:$0x0];
	_ =	sdelay $0x2  }
0xbe: {  	s31 =	sshll.u32 s1, $0xD;
	s1 =	sshrl.u32 s1, $0x2  }
0xbf: {  	s3 =	sand.u32 $0x4000, s31;
	s1 =	sadd.s32 s1, s30  }
0xc0: {  	s0 =	sor.u32 s3, s0;
	s1 =	sshll.u32 s1, $0x11  }
0xc1: {  	s0 =	sor.u32 s1, s0  }
0xc2: {  	s0 =	sadd.s32 $0x8F2B, s0  }
0xc3: {  	[sflag:s0] =	ssyncadd.remote.s32 $0x1  }
0xc4: {  	_ =	sfence.sel $0xFFFF  }
0xc5: {  	[dreg:$0x0] =	wrdreg $0xFFFFFFFF;
	(pc) =	sbr.abs _section_cstart, $3  }
0xc6: {  	[dreg:$0x1] =	wrdreg $0xFFFFFFFF  }
0xc7: {  	_ =	task.clear_ibuf [dreg:s7], $0x2FFFF;
	_ =	strace $0x9FFFFFFF  }
0xc8: {  	(tm) =	ssettm $0x7FFFFFFF  }
0xc9: {  	_ =	shalt  }
tec
execute0_lowered:
.L_overlay_start_1:
0x0: {  	(tag) =	ssettag $0x1  }
0x1: {  	s4 =	rddreg [dreg:$0x0];
	s1 =	srdreg.scid  }
0x2: {  	s0 =	stileid.u32;
	s5 =	rddreg [dreg:$0x1];
	s2 =	simm.s32 $0x0  }
0x3: {  	s9 =	simm.s32 $0x880;
	s10 =	simm.s32 $0x1080;
	s11 =	simm.s32 $0x1880  }
0x4: {  	s12 =	simm.s32 $0x2080;
	s13 =	simm.s32 $0x2880;
	s14 =	simm.s32 $0x3080  }
0x5: {  	s15 =	simm.s32 $0x3880;
	s3 =	sand.u32 $0x1, s1;
	s6 =	sshll.u32 s0, $0x1  }
0x6: {  	s16 =	simm.s32 $0x4080;
	s17 =	simm.s32 $0x1;
	s6 =	sor.u32 s3, s6  }
0x7: {  	s1 =	rddreg [dreg:$0x2];
	s8 =	ssub.s32 $0x2, s3;
	s7 =	smul.u32 $0x900, s6  }
0x8: {  	[smem:$0x7FF] =	sst s2;
	s6 =	smul.u32 $0x9, s6;
	s31 =	sshrl.u32 s8, $0x1  }
0x9: {  	v2 =	vlaneseq.u32;
	_ =	strace $0x80000056;
	s3 =	sadd.s32 $0x106200, s4;
	s8 =	ssub.s32 s8, s31  }
0xa: {  	vm0 =	vmmov $0xffff;
	v1 =	vshrl.u32 v2, $0x3;
	s7 =	sadd.s32 s7, s4;
	s4 =	sadd.s32 s5, s6;
	s6 =	smax.u32 s8, $0x1  }
0xb: {  	v0 =	vand.u32 $0x7, v2;
	v2 =	vor.u32 $0x8, v2;
	v1 =	vmul.u32 $0x8, v1;
	s8 =	simm.s32 $0x80;
	s5 =	sadd.s32 $0x1B3200, s7;
	s7 =	simm.s32 $0x2  }
.LBB2_1:
0xc: {  	[tilespmem:s2], [sflag:$0x2] =	stream.linear.gather [hbm4b:s4+s2], $0x48, $0x38;
	[tilespmem:$0x4880] =	vst v63  }
0xd: {  	_ =	swait.ge [sflag:s7], $0x48  }
0xe: {  	[sflag:s7] =	ssyncset.done $0x0  }
0xf: {  	[sflag:s7] =	ssyncadd.s32 $0xFFFFFFB8  }
0x10: {  	v3 =	vld [tilespmem:$0x0];
	_ =	sdelay $0x4  }
0x11: {  	v4 =	vshll.u32 v3, $0x1  }
0x12: {  	v3 =	vand.u32 $0x7, v3;
	v4 =	vand.u32 $0xFFFFFFF0, v4  }
0x13: {  	v3 =	vor.u32 v3, v4  }
0x14: {  	v4 =	vperm.xlane v3, v0;
	_ =	sdelay $0x1  }
0x15: {  	v3 =	vperm.xlane v3, v2;
	v4 =	vadd.s32 v1, v4;
	_ =	sdelay $0x1  }
0x16: {  	v3 =	vadd.s32 v1, v3;
	_ =	sdelay $0x2  }
0x17: {  	[tilespmem:s8], [sflag:$0x1] =	stream.indirect_vreg.gather [hbm4b:s3+s2], $0x80, v4, vm0, $0xb8;
	[tilespmem:$0x4880] =	vst v63  }
0x18: {  	_ = 	snop  }
0x19: {  	[tilespmem:s9], [sflag:$0x1] =	stream.indirect_vreg.gather [hbm4b:s3+s2], $0x80, v3, vm0, $0xb8;
	[tilespmem:$0x4880] =	vst v63  }
0x1a: {  	v3 =	vld [tilespmem:$0x10];
	_ =	sdelay $0x4  }
0x1b: {  	v60 =	vshll.u32 v3, $0x1  }
0x1c: {  	v3 =	vand.u32 $0x7, v3;
	v4 =	vand.u32 $0xFFFFFFF0, v60  }
0x1d: {  	v3 =	vor.u32 v3, v4  }
0x1e: {  	v4 =	vperm.xlane v3, v0;
	_ =	sdelay $0x1  }
0x1f: {  	v3 =	vperm.xlane v3, v2;
	v4 =	vadd.s32 v1, v4;
	_ =	sdelay $0x1  }
0x20: {  	v3 =	vadd.s32 v1, v3;
	_ =	sdelay $0x2  }
0x21: {  	[tilespmem:s10], [sflag:$0x1] =	stream.indirect_vreg.gather [hbm4b:s3+s2], $0x80, v4, vm0, $0xb8;
	[tilespmem:$0x4880] =	vst v63  }
0x22: {  	_ = 	snop  }
0x23: {  	[tilespmem:s11], [sflag:$0x1] =	stream.indirect_vreg.gather [hbm4b:s3+s2], $0x80, v3, vm0, $0xb8;
	[tilespmem:$0x4880] =	vst v63  }
0x24: {  	v3 =	vld [tilespmem:$0x20];
	_ =	sdelay $0x4  }
0x25: {  	v61 =	vshll.u32 v3, $0x1  }
0x26: {  	v3 =	vand.u32 $0x7, v3;
	v4 =	vand.u32 $0xFFFFFFF0, v61  }
0x27: {  	v3 =	vor.u32 v3, v4  }
0x28: {  	v4 =	vperm.xlane v3, v0;
	_ =	sdelay $0x1  }
0x29: {  	v3 =	vperm.xlane v3, v2;
	v4 =	vadd.s32 v1, v4;
	_ =	sdelay $0x1  }
0x2a: {  	v3 =	vadd.s32 v1, v3;
	_ =	sdelay $0x2  }
0x2b: {  	[tilespmem:s12], [sflag:$0x1] =	stream.indirect_vreg.gather [hbm4b:s3+s2], $0x80, v4, vm0, $0xb8;
	[tilespmem:$0x4880] =	vst v63  }
0x2c: {  	_ = 	snop  }
0x2d: {  	[tilespmem:s13], [sflag:$0x1] =	stream.indirect_vreg.gather [hbm4b:s3+s2], $0x80, v3, vm0, $0xb8;
	[tilespmem:$0x4880] =	vst v63  }
0x2e: {  	v3 =	vld [tilespmem:$0x30];
	_ =	sdelay $0x4  }
0x2f: {  	v62 =	vshll.u32 v3, $0x1  }
0x30: {  	v3 =	vand.u32 $0x7, v3;
	v4 =	vand.u32 $0xFFFFFFF0, v62  }
0x31: {  	v3 =	vor.u32 v3, v4  }
0x32: {  	v4 =	vperm.xlane v3, v0;
	_ =	sdelay $0x1  }
0x33: {  	v3 =	vperm.xlane v3, v2;
	v4 =	vadd.s32 v1, v4;
	_ =	sdelay $0x1  }
0x34: {  	v3 =	vadd.s32 v1, v3;
	_ =	sdelay $0x2  }
0x35: {  	[tilespmem:s14], [sflag:$0x1] =	stream.indirect_vreg.gather [hbm4b:s3+s2], $0x80, v4, vm0, $0xb8;
	[tilespmem:$0x4880] =	vst v63  }
0x36: {  	_ = 	snop  }
0x37: {  	[tilespmem:s15], [sflag:$0x1] =	stream.indirect_vreg.gather [hbm4b:s3+s2], $0x80, v3, vm0, $0xb8;
	[tilespmem:$0x4880] =	vst v63  }
0x38: {  	v3 =	vld.msk [tilespmem:$0x40], $0xff;
	_ =	sdelay $0x4  }
0x39: {  	v63 =	vshll.u32 v3, $0x1  }
0x3a: {  	v3 =	vand.u32 $0x7, v3;
	v4 =	vand.u32 $0xFFFFFFF0, v63  }
0x3b: {  	v3 =	vor.u32 v3, v4  }
0x3c: {  	v3 =	vperm.xlane v3, v0;
	_ =	sdelay $0x1  }
0x3d: {  	v3 =	vadd.s32 v1, v3;
	_ =	sdelay $0x4  }
0x3e: {  	[tilespmem:s16], [sflag:$0x1] =	stream.indirect_vreg.gather [hbm4b:s3+s2], $0x80, v3, vm0, $0xb8;
	[tilespmem:$0x4880] =	vst v63  }
0x3f: {  	_ =	swait.ge [sflag:s17], $0x4800  }
0x40: {  	p0 =	sne.s32 s6, $0x1;
	[sflag:s17] =	ssyncset.done $0x0  }
.Ltmp0:
0x41: {  	[sflag:s17] =	ssyncadd.s32 $0xFFFFB800;
	(pc) =	sbr.rel @p0 .LBB2_1-.Ltmp0, $4  }
0x42: {  	[hbm4b:s5+s2] =	stream.linear.scatter [tilespmem:s8], [sflag:$0x2], $0x4800, $0x38;
	[tilespmem:$0x4880] =	vst v63  }
0x43: {  	_ =	swait.ge [sflag:s7], $0x4800  }
0x44: {  	[sflag:s7] =	ssyncset.done $0x0  }
0x45: {  	s6 =	sadd.s32 $0xFFFFFFFF, s6;
	[sflag:s7] =	ssyncadd.s32 $0xFFFFB800  }
0x46: {  	_ =	sfence.sel $0x180000  }
0x47: {  	[bflag:$0x0] =	sbarrier.arrive $0xFFFF  }
0x48: {  	p0 =	sne.s32 s0, $0x0;
	_ =	strace $0x90000056  }
0x49: {  	s0 =	sadd.s32 @!p0 $0x100000, s1;
	[bflag:$0x2] =	sbarrier.arrive $0xFFFF  }
0x4a: {  	[sflag:s0] =	ssyncadd.tile.s32 @!p0 $0x1;
	_ =	shalt  }
.Lfunc_end2:
_tile_overlayer_lowered:
.L_overlay_start_2:
0x4b: {  	(tag) =	ssettag $0x2  }
0x4c: {  	s0 =	rddreg [dreg:$0x0];
	s2 =	stileid.u32  }
0x4d: {  	s1 =	rddreg [dreg:$0x1];
	p0 =	sne.s32 s2, $0x0  }
0x4e: {  	s3 =	rddreg [dreg:$0x2];
	[bflag:$0x3] =	sbarrier.arrive $0xFFFF;
	s2 =	simm.s32 @!p0 $0x1C02  }
0x4f: {  	[timem:s3], [sflag:s2] =	dma.local @!p0 [hbm:s0], s1  }
0x50: {  	s0 =	simm.s32 @!p0 $0x2  }
0x51: {  	_ =	swait.ge @!p0 [sflag:s0], s1  }
0x52: {  	s1 =	ssub.s32 @!p0 $0x0, s1;
	[sflag:s0] =	ssyncset.done @!p0 $0x0  }
0x53: {  	[sflag:s0] =	ssyncadd.s32 @!p0 s1  }
0x54: {  	[bflag:$0x3] =	sbarrier.arrive $0xFFFF  }
0x55: {  	_ =	shalt  }

// kernel: kernel.36.cloned.1.call-start
scs
__scs_entry_jumppad:
0x0: {  	(pc) =	sbr.rel $0x88, $3  }
0x1: {  	(tag) =	ssettag $0x0;
	lr =	simm.s32 $0x1  }
0x2: {  	[smem:$0x3F9F] =	sst lr;
	_ =	strace $0xD0000000  }
0x3: {  	_ = 	snop  }
0x4: {  	_ = 	snop  }
0x5: {  	_ = 	snop  }
0x6: {  	_ = 	snop  }
0x7: {  	_ = 	snop  }
__scs_overlays_trampoline_lowered:
0x8: {  	[smem:$0x3FAE] =	sst s0  }
0x9: {  	[smem:$0x3FAF] =	sst s1  }
0xa: {  	[smem:$0x3FB0] =	sst s2  }
0xb: {  	[smem:$0x3FB1] =	sst s3  }
0xc: {  	[smem:$0x3FB2] =	sst s4  }
0xd: {  	[smem:$0x3FB3] =	sst s5  }
0xe: {  	[smem:$0x3FB4] =	sst s6  }
0xf: {  	[smem:$0x3FB5] =	sst s7  }
0x10: {  	[smem:$0x3FB6] =	sst s8  }
0x11: {  	[smem:$0x3FB7] =	sst s9;
	s0 =	simm.s32 @!p0 $0x0  }
0x12: {  	s1 =	sld [smem:$0x3F9D];
	s0 =	simm.s32 @p0 $0x1  }
0x13: {  	[smem:$0x3FB8] =	sst s0;
	s0 =	simm.s32 @!p1 $0x0  }
0x14: {  	s2 =	sld [smem:$0x3F9C];
	s0 =	simm.s32 @p1 $0x1  }
0x15: {  	[smem:$0x3FB9] =	sst s0;
	s0 =	simm.s32 @!p2 $0x0  }
0x16: {  	s3 =	sld [smem:$0x3FDB];
	s0 =	simm.s32 @p2 $0x1  }
0x17: {  	s4 =	simm.s32 $0x1BF5;
	[smem:$0x3FBB] =	sst s0  }
0x18: {  	s0 =	sld [smem:$0x3F9E];
	_ =	swait.ge [sflag:s4], $0x0  }
0x19: {  	s7 =	sld [smem:$0x3F9F]  }
0x1a: {  	s8 =	sadd.s32 $0xFFFFE003, lr  }
0x1b: {  	s9 =	sadd.s32 $0xFFFFFEF7, lr;
	s5 =	simm.s32 $0xFFFFFFFF;
	p2 =	slt.u32 s8, $0xFFFFF086  }
0x1c: {  	p1 =	slt.u32 s9, $0xF7A;
	s5 =	simm.s32 @!p2 $0x0  }
0x1d: {  	s5 =	simm.s32 @p1 $0x1;
	p0 =	seq.s32 s7, s2  }
0x1e: {  	s7 =	smul.u32 @!p0 $0xF7A, s2;
	p2 =	seq.s32 @!p0 s5, $0x0  }
0x1f: {  	s9 =	smul.u32 $0xF7A, s1;
	s8 =	simm.s32 @!p0 $0x1BF5;
	p2 =	por !p2, p0  }
0x20: {  	[sflag:s8] =	ssyncset.s32 @!p0 $0xFFFFF086;
	s6 =	sadd.s32 @!p0 s3, s7;
	s7 =	simm.s32 @!p0 $0x108  }
0x21: {  	s3 =	sadd.s32 s3, s9;
	s6 =	sadd.s32 @!p0 $0x88, s6;
	s7 =	simm.s32 @p2 $0x1082  }
0x22: {  	[simem:s7], [sflag:s8] =	dma.local @!p0 [hbm:s6], $0xF7A  }
0x23: {  	s9 =	sor.u32 $0xD0000000, s2;
	s6 =	simm.s32 $0x108;
	_ =	swait.ge @!p0 [sflag:s8], $0x0  }
0x24: {  	s3 =	sadd.s32 $0x88, s3;
	s6 =	simm.s32 @!p1 $0x1082;
	[sflag:s4] =	ssyncset.s32 $0xFFFFF086  }
0x25: {  	[simem:s6], [sflag:s4] =	dma.local [hbm:s3], $0xF7A  }
0x26: {  	[smem:$0x3F9F] =	sst s1;
	(tag) =	ssettag s2;
	_ =	strace s9  }
0x27: {  	s1 =	sld [smem:$0x3FAF]  }
0x28: {  	s2 =	sld [smem:$0x3FB0]  }
0x29: {  	s4 =	sld [smem:$0x3FB2]  }
0x2a: {  	p0 =	seq.s32 s5, $0x0;
	s5 =	sld [smem:$0x3FB3]  }
0x2b: {  	s6 =	sld [smem:$0x3FB4]  }
0x2c: {  	s7 =	sld [smem:$0x3FB5]  }
0x2d: {  	s3 =	simm.s32 $0x108;
	s8 =	sld [smem:$0x3FB6]  }
0x2e: {  	s3 =	simm.s32 @!p0 $0x1082;
	s9 =	sld [smem:$0x3FB7]  }
0x2f: {  	lr =	sadd.s32 s0, s3;
	s0 =	sld [smem:$0x3FAE]  }
0x30: {  	s3 =	sld [smem:$0x3FB1]  }
0x31: {  	[smem:$0x3FBA] =	sst s10  }
0x32: {  	s10 =	sld [smem:$0x3FB8];
	_ =	sdelay $0x3  }
0x33: {  	p0 =	seq.s32 s10, $0x1;
	s10 =	sld [smem:$0x3FBA];
	_ =	sdelay $0x3  }
0x34: {  	[smem:$0x3FBA] =	sst s10  }
0x35: {  	s10 =	sld [smem:$0x3FB9];
	_ =	sdelay $0x3  }
0x36: {  	p1 =	seq.s32 s10, $0x1;
	s10 =	sld [smem:$0x3FBA];
	_ =	sdelay $0x3  }
0x37: {  	[smem:$0x3FBA] =	sst s10  }
0x38: {  	s10 =	sld [smem:$0x3FBB]  }
0x39: {  	_ = 	snop;
	(pc) =	sbr.ind lr, $3  }
0x3a: {  	_ = 	snop  }
0x3b: {  	_ = 	snop  }
0x3c: {  	p2 =	seq.s32 s10, $0x1;
	s10 =	sld [smem:$0x3FBA]  }
0x3d: {  	_ =	shalt  }
0x3e: {  	_ =	shalt  }
0x3f: {  	_ =	shalt  }
0x40: {  	_ =	shalt  }
0x41: {  	_ =	shalt  }
0x42: {  	_ =	shalt  }
0x43: {  	_ =	shalt  }
0x44: {  	_ =	shalt  }
0x45: {  	_ =	shalt  }
0x46: {  	_ =	shalt  }
0x47: {  	_ =	shalt  }
0x48: {  	_ =	shalt  }
0x49: {  	_ =	shalt  }
0x4a: {  	_ =	shalt  }
0x4b: {  	_ =	shalt  }
0x4c: {  	_ =	shalt  }
0x4d: {  	_ =	shalt  }
0x4e: {  	_ =	shalt  }
0x4f: {  	_ =	shalt  }
0x50: {  	_ =	shalt  }
0x51: {  	_ =	shalt  }
0x52: {  	_ =	shalt  }
0x53: {  	_ =	shalt  }
0x54: {  	_ =	shalt  }
0x55: {  	_ =	shalt  }
0x56: {  	_ =	shalt  }
0x57: {  	_ =	shalt  }
0x58: {  	_ =	shalt  }
0x59: {  	_ =	shalt  }
0x5a: {  	_ =	shalt  }
0x5b: {  	_ =	shalt  }
0x5c: {  	_ =	shalt  }
0x5d: {  	_ =	shalt  }
0x5e: {  	_ =	shalt  }
0x5f: {  	_ =	shalt  }
0x60: {  	_ =	shalt  }
0x61: {  	_ =	shalt  }
0x62: {  	_ =	shalt  }
0x63: {  	_ =	shalt  }
0x64: {  	_ =	shalt  }
0x65: {  	_ =	shalt  }
0x66: {  	_ =	shalt  }
0x67: {  	_ =	shalt  }
0x68: {  	_ =	shalt  }
0x69: {  	_ =	shalt  }
0x6a: {  	_ =	shalt  }
0x6b: {  	_ =	shalt  }
0x6c: {  	_ =	shalt  }
0x6d: {  	_ =	shalt  }
0x6e: {  	_ =	shalt  }
0x6f: {  	_ =	shalt  }
0x70: {  	_ =	shalt  }
0x71: {  	_ =	shalt  }
0x72: {  	_ =	shalt  }
0x73: {  	_ =	shalt  }
0x74: {  	_ =	shalt  }
0x75: {  	_ =	shalt  }
0x76: {  	_ =	shalt  }
0x77: {  	_ =	shalt  }
0x78: {  	_ =	shalt  }
0x79: {  	_ =	shalt  }
0x7a: {  	_ =	shalt  }
0x7b: {  	_ =	shalt  }
0x7c: {  	_ =	shalt  }
0x7d: {  	_ =	shalt  }
0x7e: {  	_ =	shalt  }
0x7f: {  	_ =	shalt  }
0x80: {  	_ =	shalt  }
0x81: {  	_ =	shalt  }
0x82: {  	_ =	shalt  }
0x83: {  	_ =	shalt  }
0x84: {  	_ =	shalt  }
0x85: {  	_ =	shalt  }
0x86: {  	_ =	shalt  }
0x87: {  	_ =	shalt  }
.Lfunc_end0:
.L_simem_size_0:
called_computation.6_lowered:
.L_overlay_start_0:
0x88: {  	s2 =	sld [smem:$0x3FD9]  }
0x89: {  	s3 =	sld [smem:$0x3FFE];
	_ =	sdelay $0x1  }
0x8a: {  	s1 =	srdreg.scid  }
0x8b: {  	s0 =	sand.u32 $0x1, s1  }
0x8c: {  	s14 =	sshll.u32 s0, $0xA;
	s2 =	sadd.s32 s3, s2  }
0x8d: {  	s2 =	sadd.s32 s2, s14  }
0x8e: {  	[smem:$0x3FC6] =	sst s2  }
0x8f: {  	_ = 	snop  }
0x90: {  	s2 =	sld [smem:$0x3FD0];
	_ =	sdelay $0x2  }
0x91: {  	s15 =	simm.s32 $0xA;
	s4 =	simm.s32 $0x10  }
0x92: {  	[smem:s4], [sflag:s15] =	dma.local [hbm:s2], $0x1  }
0x93: {  	_ =	swait.eq [sflag:s15], $0x1  }
0x94: {  	[sflag:s15] =	ssyncset.done $0x0  }
0x95: {  	[sflag:s15] =	ssyncadd.s32 $0xFFFFFFFF  }
0x96: {  	s16 =	sld [smem:$0x12];
	(tm) =	ssettm $0x1  }
0x97: {  	s17 =	sld [smem:$0x3FFB];
	_ =	sdelay $0x3  }
0x98: {  	_ =	strace s17  }
0x99: {  	s3 =	sld [smem:$0x3FFC];
	_ =	sdelay $0x3  }
0x9a: {  	_ =	strace s3  }
0x9b: {  	s3 =	sld [smem:$0x3FFD];
	_ =	sdelay $0x3  }
0x9c: {  	_ =	strace s3  }
0x9d: {  	_ =	strace $0x8FFFFFFF  }
0x9e: {  	s18 =	sld [smem:$0x3FDB];
	_ =	sdelay $0x1  }
0x9f: {  	s19 =	simm.s32 $_scs_section_size  }
0xa0: {  	s5 =	simm.s32 $_size__tile_overlayer_lowered;
	s6 =	simm.s32 $_tile_overlayer_lowered  }
0xa1: {  	s22 =	simm.s32 $0x1BFF;
	s21 =	sshll.u32 s6, $0x1;
	s3 =	sadd.s32 s19, s18  }
0xa2: {  	s7 =	simm.s32 $0x0;
	s20 =	sshll.u32 s5, $0x1;
	s5 =	sadd.s32 s21, s3  }
0xa3: {  	[timem:s7], [sflag:s22] =	dma.local [hbm:s5], s20  }
0xa4: {  	_ =	swait.ge [sflag:s22], s20  }
0xa5: {  	s4 =	ssub.s32 $0x0, s20;
	[sflag:s22] =	ssyncset.done $0x0  }
0xa6: {  	[sflag:s22] =	ssyncadd.s32 s4;
	_ =	sdelay $0x1  }
0xa7: {  	s23 =	simm.s32 $0x1B8B  }
0xa8: {  	_ =	swait.ge [sflag:s23], $0x1  }
0xa9: {  	[sflag:s23] =	ssyncset.done $0x0  }
0xaa: {  	s25 =	simm.s32 $0x1B8E;
	s24 =	sld [smem:$0x3FFE];
	[sflag:s23] =	ssyncadd.s32 $0xFFFFFFFF  }
0xab: {  	s26 =	simm.s32 $execute0_lowered;
	[smem:$0x3FD2] =	sst s25  }
0xac: {  	s5 =	sshll.u32 s26, $0x1;
	_ =	strace $0x80000058;
	[dreg:$0x1] =	wrdreg $0xFFFFFFFF  }
0xad: {  	s28 =	simm.s32 $_size_execute0_lowered;
	s3 =	sadd.s32 s3, s5;
	[dreg:$0x0] =	wrdreg $0x0  }
0xae: {  	s5 =	sshll.u32 s28, $0x1;
	[dreg:$0x2] =	wrdreg s3  }
0xaf: {  	[dreg:$0x3] =	wrdreg s5  }
0xb0: {  	[dreg:$0x4] =	wrdreg $0xC0  }
0xb1: {  	_ =	task [dreg:s7], $0x5FFFF  }
0xb2: {  	[dreg:$0x1] =	wrdreg $0xFFFFFFFF  }
0xb3: {  	[dreg:$0x0] =	wrdreg $0x60  }
0xb4: {  	[dreg:$0x2] =	wrdreg s24  }
0xb5: {  	[dreg:$0x3] =	wrdreg s16  }
0xb6: {  	[dreg:$0x4] =	wrdreg $0x9  }
0xb7: {  	_ =	task.clear_ibuf [dreg:s7], $0x5FFFF;
	_ =	strace $0x90000058  }
0xb8: {  	s29 =	simm.s32 $0x9;
	_ =	strace $0x8000005A  }
0xb9: {  	_ =	swait.ge [sflag:s29], $0x1  }
0xba: {  	[sflag:s29] =	ssyncadd.s32 $0xFFFFFFFF  }
0xbb: {  	_ =	strace $0x9000005A  }
0xbc: {  	_ =	sfence  }
0xbd: {  	s30 =	sld [smem:$0x0];
	_ =	sdelay $0x2  }
0xbe: {  	s31 =	sshll.u32 s1, $0xD;
	s1 =	sshrl.u32 s1, $0x2  }
0xbf: {  	s3 =	sand.u32 $0x4000, s31;
	s1 =	sadd.s32 s1, s30  }
0xc0: {  	s0 =	sor.u32 s3, s0;
	s1 =	sshll.u32 s1, $0x11  }
0xc1: {  	s0 =	sor.u32 s1, s0  }
0xc2: {  	s0 =	sadd.s32 $0x8F2B, s0  }
0xc3: {  	[sflag:s0] =	ssyncadd.remote.s32 $0x1  }
0xc4: {  	_ =	sfence.sel $0xFFFF  }
0xc5: {  	[dreg:$0x0] =	wrdreg $0xFFFFFFFF;
	(pc) =	sbr.abs _section_cstart, $3  }
0xc6: {  	[dreg:$0x1] =	wrdreg $0xFFFFFFFF  }
0xc7: {  	_ =	task.clear_ibuf [dreg:s7], $0x2FFFF;
	_ =	strace $0x9FFFFFFF  }
0xc8: {  	(tm) =	ssettm $0x7FFFFFFF  }
0xc9: {  	_ =	shalt  }
tec
execute0_lowered:
.L_overlay_start_1:
0x0: {  	(tag) =	ssettag $0x1  }
0x1: {  	s4 =	rddreg [dreg:$0x0];
	s1 =	srdreg.scid  }
0x2: {  	s0 =	stileid.u32;
	s5 =	rddreg [dreg:$0x1];
	s2 =	simm.s32 $0x0  }
0x3: {  	s9 =	simm.s32 $0x880;
	s10 =	simm.s32 $0x1080;
	s11 =	simm.s32 $0x1880  }
0x4: {  	s12 =	simm.s32 $0x2080;
	s13 =	simm.s32 $0x2880;
	s14 =	simm.s32 $0x3080  }
0x5: {  	s15 =	simm.s32 $0x3880;
	s3 =	sand.u32 $0x1, s1;
	s6 =	sshll.u32 s0, $0x1  }
0x6: {  	s16 =	simm.s32 $0x4080;
	s17 =	simm.s32 $0x1;
	s6 =	sor.u32 s3, s6  }
0x7: {  	s1 =	rddreg [dreg:$0x2];
	s8 =	ssub.s32 $0x2, s3;
	s7 =	smul.u32 $0x900, s6  }
0x8: {  	[smem:$0x7FF] =	sst s2;
	s6 =	smul.u32 $0x9, s6;
	s31 =	sshrl.u32 s8, $0x1  }
0x9: {  	v2 =	vlaneseq.u32;
	_ =	strace $0x80000059;
	s3 =	sadd.s32 $0x146200, s4;
	s8 =	ssub.s32 s8, s31  }
0xa: {  	vm0 =	vmmov $0xffff;
	v1 =	vshrl.u32 v2, $0x3;
	s7 =	sadd.s32 s7, s4;
	s4 =	sadd.s32 s5, s6;
	s6 =	smax.u32 s8, $0x1  }
0xb: {  	v0 =	vand.u32 $0x7, v2;
	v2 =	vor.u32 $0x8, v2;
	v1 =	vmul.u32 $0x8, v1;
	s8 =	simm.s32 $0x80;
	s5 =	sadd.s32 $0x6200, s7;
	s7 =	simm.s32 $0x2  }
.LBB2_1:
0xc: {  	[tilespmem:s2], [sflag:$0x2] =	stream.linear.gather [hbm4b:s4+s2], $0x48, $0x38;
	[tilespmem:$0x4880] =	vst v63  }
0xd: {  	_ =	swait.ge [sflag:s7], $0x48  }
0xe: {  	[sflag:s7] =	ssyncset.done $0x0  }
0xf: {  	[sflag:s7] =	ssyncadd.s32 $0xFFFFFFB8  }
0x10: {  	v3 =	vld [tilespmem:$0x0];
	_ =	sdelay $0x4  }
0x11: {  	v4 =	vshll.u32 v3, $0x1  }
0x12: {  	v3 =	vand.u32 $0x7, v3;
	v4 =	vand.u32 $0xFFFFFFF0, v4  }
0x13: {  	v3 =	vor.u32 v3, v4  }
0x14: {  	v4 =	vperm.xlane v3, v0;
	_ =	sdelay $0x1  }
0x15: {  	v3 =	vperm.xlane v3, v2;
	v4 =	vadd.s32 v1, v4;
	_ =	sdelay $0x1  }
0x16: {  	v3 =	vadd.s32 v1, v3;
	_ =	sdelay $0x2  }
0x17: {  	[tilespmem:s8], [sflag:$0x1] =	stream.indirect_vreg.gather [hbm4b:s3+s2], $0x80, v4, vm0, $0xb8;
	[tilespmem:$0x4880] =	vst v63  }
0x18: {  	_ = 	snop  }
0x19: {  	[tilespmem:s9], [sflag:$0x1] =	stream.indirect_vreg.gather [hbm4b:s3+s2], $0x80, v3, vm0, $0xb8;
	[tilespmem:$0x4880] =	vst v63  }
0x1a: {  	v3 =	vld [tilespmem:$0x10];
	_ =	sdelay $0x4  }
0x1b: {  	v60 =	vshll.u32 v3, $0x1  }
0x1c: {  	v3 =	vand.u32 $0x7, v3;
	v4 =	vand.u32 $0xFFFFFFF0, v60  }
0x1d: {  	v3 =	vor.u32 v3, v4  }
0x1e: {  	v4 =	vperm.xlane v3, v0;
	_ =	sdelay $0x1  }
0x1f: {  	v3 =	vperm.xlane v3, v2;
	v4 =	vadd.s32 v1, v4;
	_ =	sdelay $0x1  }
0x20: {  	v3 =	vadd.s32 v1, v3;
	_ =	sdelay $0x2  }
0x21: {  	[tilespmem:s10], [sflag:$0x1] =	stream.indirect_vreg.gather [hbm4b:s3+s2], $0x80, v4, vm0, $0xb8;
	[tilespmem:$0x4880] =	vst v63  }
0x22: {  	_ = 	snop  }
0x23: {  	[tilespmem:s11], [sflag:$0x1] =	stream.indirect_vreg.gather [hbm4b:s3+s2], $0x80, v3, vm0, $0xb8;
	[tilespmem:$0x4880] =	vst v63  }
0x24: {  	v3 =	vld [tilespmem:$0x20];
	_ =	sdelay $0x4  }
0x25: {  	v61 =	vshll.u32 v3, $0x1  }
0x26: {  	v3 =	vand.u32 $0x7, v3;
	v4 =	vand.u32 $0xFFFFFFF0, v61  }
0x27: {  	v3 =	vor.u32 v3, v4  }
0x28: {  	v4 =	vperm.xlane v3, v0;
	_ =	sdelay $0x1  }
0x29: {  	v3 =	vperm.xlane v3, v2;
	v4 =	vadd.s32 v1, v4;
	_ =	sdelay $0x1  }
0x2a: {  	v3 =	vadd.s32 v1, v3;
	_ =	sdelay $0x2  }
0x2b: {  	[tilespmem:s12], [sflag:$0x1] =	stream.indirect_vreg.gather [hbm4b:s3+s2], $0x80, v4, vm0, $0xb8;
	[tilespmem:$0x4880] =	vst v63  }
0x2c: {  	_ = 	snop  }
0x2d: {  	[tilespmem:s13], [sflag:$0x1] =	stream.indirect_vreg.gather [hbm4b:s3+s2], $0x80, v3, vm0, $0xb8;
	[tilespmem:$0x4880] =	vst v63  }
0x2e: {  	v3 =	vld [tilespmem:$0x30];
	_ =	sdelay $0x4  }
0x2f: {  	v62 =	vshll.u32 v3, $0x1  }
0x30: {  	v3 =	vand.u32 $0x7, v3;
	v4 =	vand.u32 $0xFFFFFFF0, v62  }
0x31: {  	v3 =	vor.u32 v3, v4  }
0x32: {  	v4 =	vperm.xlane v3, v0;
	_ =	sdelay $0x1  }
0x33: {  	v3 =	vperm.xlane v3, v2;
	v4 =	vadd.s32 v1, v4;
	_ =	sdelay $0x1  }
0x34: {  	v3 =	vadd.s32 v1, v3;
	_ =	sdelay $0x2  }
0x35: {  	[tilespmem:s14], [sflag:$0x1] =	stream.indirect_vreg.gather [hbm4b:s3+s2], $0x80, v4, vm0, $0xb8;
	[tilespmem:$0x4880] =	vst v63  }
0x36: {  	_ = 	snop  }
0x37: {  	[tilespmem:s15], [sflag:$0x1] =	stream.indirect_vreg.gather [hbm4b:s3+s2], $0x80, v3, vm0, $0xb8;
	[tilespmem:$0x4880] =	vst v63  }
0x38: {  	v3 =	vld.msk [tilespmem:$0x40], $0xff;
	_ =	sdelay $0x4  }
0x39: {  	v63 =	vshll.u32 v3, $0x1  }
0x3a: {  	v3 =	vand.u32 $0x7, v3;
	v4 =	vand.u32 $0xFFFFFFF0, v63  }
0x3b: {  	v3 =	vor.u32 v3, v4  }
0x3c: {  	v3 =	vperm.xlane v3, v0;
	_ =	sdelay $0x1  }
0x3d: {  	v3 =	vadd.s32 v1, v3;
	_ =	sdelay $0x4  }
0x3e: {  	[tilespmem:s16], [sflag:$0x1] =	stream.indirect_vreg.gather [hbm4b:s3+s2], $0x80, v3, vm0, $0xb8;
	[tilespmem:$0x4880] =	vst v63  }
0x3f: {  	_ =	swait.ge [sflag:s17], $0x4800  }
0x40: {  	p0 =	sne.s32 s6, $0x1;
	[sflag:s17] =	ssyncset.done $0x0  }
.Ltmp0:
0x41: {  	[sflag:s17] =	ssyncadd.s32 $0xFFFFB800;
	(pc) =	sbr.rel @p0 .LBB2_1-.Ltmp0, $4  }
0x42: {  	[hbm4b:s5+s2] =	stream.linear.scatter [tilespmem:s8], [sflag:$0x2], $0x4800, $0x38;
	[tilespmem:$0x4880] =	vst v63  }
0x43: {  	_ =	swait.ge [sflag:s7], $0x4800  }
0x44: {  	[sflag:s7] =	ssyncset.done $0x0  }
0x45: {  	s6 =	sadd.s32 $0xFFFFFFFF, s6;
	[sflag:s7] =	ssyncadd.s32 $0xFFFFB800  }
0x46: {  	_ =	sfence.sel $0x180000  }
0x47: {  	[bflag:$0x0] =	sbarrier.arrive $0xFFFF  }
0x48: {  	p0 =	sne.s32 s0, $0x0;
	_ =	strace $0x90000059  }
0x49: {  	s0 =	sadd.s32 @!p0 $0x100000, s1;
	[bflag:$0x2] =	sbarrier.arrive $0xFFFF  }
0x4a: {  	[sflag:s0] =	ssyncadd.tile.s32 @!p0 $0x1;
	_ =	shalt  }
.Lfunc_end2:
_tile_overlayer_lowered:
.L_overlay_start_2:
0x4b: {  	(tag) =	ssettag $0x2  }
0x4c: {  	s0 =	rddreg [dreg:$0x0];
	s2 =	stileid.u32  }
0x4d: {  	s1 =	rddreg [dreg:$0x1];
	p0 =	sne.s32 s2, $0x0  }
0x4e: {  	s3 =	rddreg [dreg:$0x2];
	[bflag:$0x3] =	sbarrier.arrive $0xFFFF;
	s2 =	simm.s32 @!p0 $0x1C02  }
0x4f: {  	[timem:s3], [sflag:s2] =	dma.local @!p0 [hbm:s0], s1  }
0x50: {  	s0 =	simm.s32 @!p0 $0x2  }
0x51: {  	_ =	swait.ge @!p0 [sflag:s0], s1  }
0x52: {  	s1 =	ssub.s32 @!p0 $0x0, s1;
	[sflag:s0] =	ssyncset.done @!p0 $0x0  }
0x53: {  	[sflag:s0] =	ssyncadd.s32 @!p0 s1  }
0x54: {  	[bflag:$0x3] =	sbarrier.arrive $0xFFFF  }
0x55: {  	_ =	shalt  }

// kernel: kernel.39.cloned.1.call-start
scs
__scs_entry_jumppad:
0x0: {  	(pc) =	sbr.rel $0x88, $3  }
0x1: {  	(tag) =	ssettag $0x0;
	lr =	simm.s32 $0x1  }
0x2: {  	[smem:$0x3F9F] =	sst lr;
	_ =	strace $0xD0000000  }
0x3: {  	_ = 	snop  }
0x4: {  	_ = 	snop  }
0x5: {  	_ = 	snop  }
0x6: {  	_ = 	snop  }
0x7: {  	_ = 	snop  }
__scs_overlays_trampoline_lowered:
0x8: {  	[smem:$0x3FAE] =	sst s0  }
0x9: {  	[smem:$0x3FAF] =	sst s1  }
0xa: {  	[smem:$0x3FB0] =	sst s2  }
0xb: {  	[smem:$0x3FB1] =	sst s3  }
0xc: {  	[smem:$0x3FB2] =	sst s4  }
0xd: {  	[smem:$0x3FB3] =	sst s5  }
0xe: {  	[smem:$0x3FB4] =	sst s6  }
0xf: {  	[smem:$0x3FB5] =	sst s7  }
0x10: {  	[smem:$0x3FB6] =	sst s8  }
0x11: {  	[smem:$0x3FB7] =	sst s9;
	s0 =	simm.s32 @!p0 $0x0  }
0x12: {  	s1 =	sld [smem:$0x3F9D];
	s0 =	simm.s32 @p0 $0x1  }
0x13: {  	[smem:$0x3FB8] =	sst s0;
	s0 =	simm.s32 @!p1 $0x0  }
0x14: {  	s2 =	sld [smem:$0x3F9C];
	s0 =	simm.s32 @p1 $0x1  }
0x15: {  	[smem:$0x3FB9] =	sst s0;
	s0 =	simm.s32 @!p2 $0x0  }
0x16: {  	s3 =	sld [smem:$0x3FDB];
	s0 =	simm.s32 @p2 $0x1  }
0x17: {  	s4 =	simm.s32 $0x1BF5;
	[smem:$0x3FBB] =	sst s0  }
0x18: {  	s0 =	sld [smem:$0x3F9E];
	_ =	swait.ge [sflag:s4], $0x0  }
0x19: {  	s7 =	sld [smem:$0x3F9F]  }
0x1a: {  	s8 =	sadd.s32 $0xFFFFE003, lr  }
0x1b: {  	s9 =	sadd.s32 $0xFFFFFEF7, lr;
	s5 =	simm.s32 $0xFFFFFFFF;
	p2 =	slt.u32 s8, $0xFFFFF086  }
0x1c: {  	p1 =	slt.u32 s9, $0xF7A;
	s5 =	simm.s32 @!p2 $0x0  }
0x1d: {  	s5 =	simm.s32 @p1 $0x1;
	p0 =	seq.s32 s7, s2  }
0x1e: {  	s7 =	smul.u32 @!p0 $0xF7A, s2;
	p2 =	seq.s32 @!p0 s5, $0x0  }
0x1f: {  	s9 =	smul.u32 $0xF7A, s1;
	s8 =	simm.s32 @!p0 $0x1BF5;
	p2 =	por !p2, p0  }
0x20: {  	[sflag:s8] =	ssyncset.s32 @!p0 $0xFFFFF086;
	s6 =	sadd.s32 @!p0 s3, s7;
	s7 =	simm.s32 @!p0 $0x108  }
0x21: {  	s3 =	sadd.s32 s3, s9;
	s6 =	sadd.s32 @!p0 $0x88, s6;
	s7 =	simm.s32 @p2 $0x1082  }
0x22: {  	[simem:s7], [sflag:s8] =	dma.local @!p0 [hbm:s6], $0xF7A  }
0x23: {  	s9 =	sor.u32 $0xD0000000, s2;
	s6 =	simm.s32 $0x108;
	_ =	swait.ge @!p0 [sflag:s8], $0x0  }
0x24: {  	s3 =	sadd.s32 $0x88, s3;
	s6 =	simm.s32 @!p1 $0x1082;
	[sflag:s4] =	ssyncset.s32 $0xFFFFF086  }
0x25: {  	[simem:s6], [sflag:s4] =	dma.local [hbm:s3], $0xF7A  }
0x26: {  	[smem:$0x3F9F] =	sst s1;
	(tag) =	ssettag s2;
	_ =	strace s9  }
0x27: {  	s1 =	sld [smem:$0x3FAF]  }
0x28: {  	s2 =	sld [smem:$0x3FB0]  }
0x29: {  	s4 =	sld [smem:$0x3FB2]  }
0x2a: {  	p0 =	seq.s32 s5, $0x0;
	s5 =	sld [smem:$0x3FB3]  }
0x2b: {  	s6 =	sld [smem:$0x3FB4]  }
0x2c: {  	s7 =	sld [smem:$0x3FB5]  }
0x2d: {  	s3 =	simm.s32 $0x108;
	s8 =	sld [smem:$0x3FB6]  }
0x2e: {  	s3 =	simm.s32 @!p0 $0x1082;
	s9 =	sld [smem:$0x3FB7]  }
0x2f: {  	lr =	sadd.s32 s0, s3;
	s0 =	sld [smem:$0x3FAE]  }
0x30: {  	s3 =	sld [smem:$0x3FB1]  }
0x31: {  	[smem:$0x3FBA] =	sst s10  }
0x32: {  	s10 =	sld [smem:$0x3FB8];
	_ =	sdelay $0x3  }
0x33: {  	p0 =	seq.s32 s10, $0x1;
	s10 =	sld [smem:$0x3FBA];
	_ =	sdelay $0x3  }
0x34: {  	[smem:$0x3FBA] =	sst s10  }
0x35: {  	s10 =	sld [smem:$0x3FB9];
	_ =	sdelay $0x3  }
0x36: {  	p1 =	seq.s32 s10, $0x1;
	s10 =	sld [smem:$0x3FBA];
	_ =	sdelay $0x3  }
0x37: {  	[smem:$0x3FBA] =	sst s10  }
0x38: {  	s10 =	sld [smem:$0x3FBB]  }
0x39: {  	_ = 	snop;
	(pc) =	sbr.ind lr, $3  }
0x3a: {  	_ = 	snop  }
0x3b: {  	_ = 	snop  }
0x3c: {  	p2 =	seq.s32 s10, $0x1;
	s10 =	sld [smem:$0x3FBA]  }
0x3d: {  	_ =	shalt  }
0x3e: {  	_ =	shalt  }
0x3f: {  	_ =	shalt  }
0x40: {  	_ =	shalt  }
0x41: {  	_ =	shalt  }
0x42: {  	_ =	shalt  }
0x43: {  	_ =	shalt  }
0x44: {  	_ =	shalt  }
0x45: {  	_ =	shalt  }
0x46: {  	_ =	shalt  }
0x47: {  	_ =	shalt  }
0x48: {  	_ =	shalt  }
0x49: {  	_ =	shalt  }
0x4a: {  	_ =	shalt  }
0x4b: {  	_ =	shalt  }
0x4c: {  	_ =	shalt  }
0x4d: {  	_ =	shalt  }
0x4e: {  	_ =	shalt  }
0x4f: {  	_ =	shalt  }
0x50: {  	_ =	shalt  }
0x51: {  	_ =	shalt  }
0x52: {  	_ =	shalt  }
0x53: {  	_ =	shalt  }
0x54: {  	_ =	shalt  }
0x55: {  	_ =	shalt  }
0x56: {  	_ =	shalt  }
0x57: {  	_ =	shalt  }
0x58: {  	_ =	shalt  }
0x59: {  	_ =	shalt  }
0x5a: {  	_ =	shalt  }
0x5b: {  	_ =	shalt  }
0x5c: {  	_ =	shalt  }
0x5d: {  	_ =	shalt  }
0x5e: {  	_ =	shalt  }
0x5f: {  	_ =	shalt  }
0x60: {  	_ =	shalt  }
0x61: {  	_ =	shalt  }
0x62: {  	_ =	shalt  }
0x63: {  	_ =	shalt  }
0x64: {  	_ =	shalt  }
0x65: {  	_ =	shalt  }
0x66: {  	_ =	shalt  }
0x67: {  	_ =	shalt  }
0x68: {  	_ =	shalt  }
0x69: {  	_ =	shalt  }
0x6a: {  	_ =	shalt  }
0x6b: {  	_ =	shalt  }
0x6c: {  	_ =	shalt  }
0x6d: {  	_ =	shalt  }
0x6e: {  	_ =	shalt  }
0x6f: {  	_ =	shalt  }
0x70: {  	_ =	shalt  }
0x71: {  	_ =	shalt  }
0x72: {  	_ =	shalt  }
0x73: {  	_ =	shalt  }
0x74: {  	_ =	shalt  }
0x75: {  	_ =	shalt  }
0x76: {  	_ =	shalt  }
0x77: {  	_ =	shalt  }
0x78: {  	_ =	shalt  }
0x79: {  	_ =	shalt  }
0x7a: {  	_ =	shalt  }
0x7b: {  	_ =	shalt  }
0x7c: {  	_ =	shalt  }
0x7d: {  	_ =	shalt  }
0x7e: {  	_ =	shalt  }
0x7f: {  	_ =	shalt  }
0x80: {  	_ =	shalt  }
0x81: {  	_ =	shalt  }
0x82: {  	_ =	shalt  }
0x83: {  	_ =	shalt  }
0x84: {  	_ =	shalt  }
0x85: {  	_ =	shalt  }
0x86: {  	_ =	shalt  }
0x87: {  	_ =	shalt  }
.Lfunc_end0:
.L_simem_size_0:
called_computation.7_lowered:
.L_overlay_start_0:
0x88: {  	s2 =	sld [smem:$0x3FD9]  }
0x89: {  	s3 =	sld [smem:$0x3FFE];
	_ =	sdelay $0x1  }
0x8a: {  	s1 =	srdreg.scid  }
0x8b: {  	s0 =	sand.u32 $0x1, s1  }
0x8c: {  	s14 =	sshll.u32 s0, $0xA;
	s2 =	sadd.s32 s3, s2  }
0x8d: {  	s2 =	sadd.s32 s2, s14  }
0x8e: {  	[smem:$0x3FC6] =	sst s2  }
0x8f: {  	_ = 	snop  }
0x90: {  	s2 =	sld [smem:$0x3FD0];
	_ =	sdelay $0x2  }
0x91: {  	s15 =	simm.s32 $0xA;
	s4 =	simm.s32 $0x10  }
0x92: {  	[smem:s4], [sflag:s15] =	dma.local [hbm:s2], $0x1  }
0x93: {  	_ =	swait.eq [sflag:s15], $0x1  }
0x94: {  	[sflag:s15] =	ssyncset.done $0x0  }
0x95: {  	[sflag:s15] =	ssyncadd.s32 $0xFFFFFFFF  }
0x96: {  	s16 =	sld [smem:$0x10];
	(tm) =	ssettm $0x1  }
0x97: {  	s17 =	sld [smem:$0x3FFB];
	_ =	sdelay $0x3  }
0x98: {  	_ =	strace s17  }
0x99: {  	s3 =	sld [smem:$0x3FFC];
	_ =	sdelay $0x3  }
0x9a: {  	_ =	strace s3  }
0x9b: {  	s3 =	sld [smem:$0x3FFD];
	_ =	sdelay $0x3  }
0x9c: {  	_ =	strace s3  }
0x9d: {  	_ =	strace $0x8FFFFFFF  }
0x9e: {  	s18 =	sld [smem:$0x3FDB];
	_ =	sdelay $0x1  }
0x9f: {  	s19 =	simm.s32 $_scs_section_size  }
0xa0: {  	s5 =	simm.s32 $_size__tile_overlayer_lowered;
	s6 =	simm.s32 $_tile_overlayer_lowered  }
0xa1: {  	s22 =	simm.s32 $0x1BFF;
	s21 =	sshll.u32 s6, $0x1;
	s3 =	sadd.s32 s19, s18  }
0xa2: {  	s7 =	simm.s32 $0x0;
	s20 =	sshll.u32 s5, $0x1;
	s5 =	sadd.s32 s21, s3  }
0xa3: {  	[timem:s7], [sflag:s22] =	dma.local [hbm:s5], s20  }
0xa4: {  	_ =	swait.ge [sflag:s22], s20  }
0xa5: {  	s4 =	ssub.s32 $0x0, s20;
	[sflag:s22] =	ssyncset.done $0x0  }
0xa6: {  	[sflag:s22] =	ssyncadd.s32 s4;
	_ =	sdelay $0x1  }
0xa7: {  	s23 =	simm.s32 $0x1B8B  }
0xa8: {  	_ =	swait.ge [sflag:s23], $0x1  }
0xa9: {  	[sflag:s23] =	ssyncset.done $0x0  }
0xaa: {  	s25 =	simm.s32 $0x1B8E;
	s24 =	sld [smem:$0x3FFE];
	[sflag:s23] =	ssyncadd.s32 $0xFFFFFFFF  }
0xab: {  	s26 =	simm.s32 $execute0_lowered;
	[smem:$0x3FD2] =	sst s25  }
0xac: {  	s5 =	sshll.u32 s26, $0x1;
	_ =	strace $0x8000005B;
	[dreg:$0x1] =	wrdreg $0xFFFFFFFF  }
0xad: {  	s28 =	simm.s32 $_size_execute0_lowered;
	s3 =	sadd.s32 s3, s5;
	[dreg:$0x0] =	wrdreg $0x0  }
0xae: {  	s5 =	sshll.u32 s28, $0x1;
	[dreg:$0x2] =	wrdreg s3  }
0xaf: {  	[dreg:$0x3] =	wrdreg s5  }
0xb0: {  	[dreg:$0x4] =	wrdreg $0xC0  }
0xb1: {  	_ =	task [dreg:s7], $0x5FFFF  }
0xb2: {  	[dreg:$0x1] =	wrdreg $0xFFFFFFFF  }
0xb3: {  	[dreg:$0x0] =	wrdreg $0x60  }
0xb4: {  	[dreg:$0x2] =	wrdreg s24  }
0xb5: {  	[dreg:$0x3] =	wrdreg s16  }
0xb6: {  	[dreg:$0x4] =	wrdreg $0x9  }
0xb7: {  	_ =	task.clear_ibuf [dreg:s7], $0x5FFFF;
	_ =	strace $0x9000005B  }
0xb8: {  	s29 =	simm.s32 $0x9;
	_ =	strace $0x8000005D  }
0xb9: {  	_ =	swait.ge [sflag:s29], $0x1  }
0xba: {  	[sflag:s29] =	ssyncadd.s32 $0xFFFFFFFF  }
0xbb: {  	_ =	strace $0x9000005D  }
0xbc: {  	_ =	sfence  }
0xbd: {  	s30 =	sld [smem:$0x0];
	_ =	sdelay $0x2  }
0xbe: {  	s31 =	sshll.u32 s1, $0xD;
	s1 =	sshrl.u32 s1, $0x2  }
0xbf: {  	s3 =	sand.u32 $0x4000, s31;
	s1 =	sadd.s32 s1, s30  }
0xc0: {  	s0 =	sor.u32 s3, s0;
	s1 =	sshll.u32 s1, $0x11  }
0xc1: {  	s0 =	sor.u32 s1, s0  }
0xc2: {  	s0 =	sadd.s32 $0x8F2B, s0  }
0xc3: {  	[sflag:s0] =	ssyncadd.remote.s32 $0x1  }
0xc4: {  	_ =	sfence.sel $0xFFFF  }
0xc5: {  	[dreg:$0x0] =	wrdreg $0xFFFFFFFF;
	(pc) =	sbr.abs _section_cstart, $3  }
0xc6: {  	[dreg:$0x1] =	wrdreg $0xFFFFFFFF  }
0xc7: {  	_ =	task.clear_ibuf [dreg:s7], $0x2FFFF;
	_ =	strace $0x9FFFFFFF  }
0xc8: {  	(tm) =	ssettm $0x7FFFFFFF  }
0xc9: {  	_ =	shalt  }
tec
execute0_lowered:
.L_overlay_start_1:
0x0: {  	(tag) =	ssettag $0x1  }
0x1: {  	s4 =	rddreg [dreg:$0x0];
	s1 =	srdreg.scid  }
0x2: {  	s0 =	stileid.u32;
	s5 =	rddreg [dreg:$0x1];
	s2 =	simm.s32 $0x0  }
0x3: {  	s9 =	simm.s32 $0x880;
	s10 =	simm.s32 $0x1080;
	s11 =	simm.s32 $0x1880  }
0x4: {  	s12 =	simm.s32 $0x2080;
	s13 =	simm.s32 $0x2880;
	s14 =	simm.s32 $0x3080  }
0x5: {  	s15 =	simm.s32 $0x3880;
	s3 =	sand.u32 $0x1, s1;
	s6 =	sshll.u32 s0, $0x1  }
0x6: {  	s16 =	simm.s32 $0x4080;
	s1 =	rddreg [dreg:$0x2];
	s6 =	sor.u32 s3, s6  }
0x7: {  	s17 =	simm.s32 $0x1;
	[smem:$0x7FF] =	sst s2;
	s7 =	smul.u32 $0x9, s6  }
0x8: {  	_ =	strace $0x8000005C;
	s8 =	ssub.s32 $0x2, s3;
	s6 =	smul.u32 $0x900, s6  }
0x9: {  	v2 =	vlaneseq.u32;
	s3 =	sadd.s32 $0x1C6200, s4;
	s31 =	sshrl.u32 s8, $0x1;
	s4 =	sadd.s32 s7, s4  }
0xa: {  	vm0 =	vmmov $0xffff;
	v1 =	vshrl.u32 v2, $0x3;
	s7 =	ssub.s32 s8, s31;
	s5 =	sadd.s32 s5, s6;
	s8 =	simm.s32 $0x80  }
0xb: {  	v0 =	vand.u32 $0x7, v2;
	v2 =	vor.u32 $0x8, v2;
	v1 =	vmul.u32 $0x8, v1;
	s4 =	sadd.s32 $0x1AA200, s4;
	s6 =	smax.u32 s7, $0x1;
	s7 =	simm.s32 $0x2  }
.LBB2_1:
0xc: {  	[tilespmem:s2], [sflag:$0x2] =	stream.linear.gather [hbm4b:s4+s2], $0x48, $0x38;
	[tilespmem:$0x4880] =	vst v63  }
0xd: {  	_ =	swait.ge [sflag:s7], $0x48  }
0xe: {  	[sflag:s7] =	ssyncset.done $0x0  }
0xf: {  	[sflag:s7] =	ssyncadd.s32 $0xFFFFFFB8  }
0x10: {  	v3 =	vld [tilespmem:$0x0];
	_ =	sdelay $0x4  }
0x11: {  	v4 =	vshll.u32 v3, $0x1  }
0x12: {  	v3 =	vand.u32 $0x7, v3;
	v4 =	vand.u32 $0xFFFFFFF0, v4  }
0x13: {  	v3 =	vor.u32 v3, v4  }
0x14: {  	v4 =	vperm.xlane v3, v0;
	_ =	sdelay $0x1  }
0x15: {  	v3 =	vperm.xlane v3, v2;
	v4 =	vadd.s32 v1, v4;
	_ =	sdelay $0x1  }
0x16: {  	v3 =	vadd.s32 v1, v3;
	_ =	sdelay $0x2  }
0x17: {  	[tilespmem:s8], [sflag:$0x1] =	stream.indirect_vreg.gather [hbm4b:s3+s2], $0x80, v4, vm0, $0xb8;
	[tilespmem:$0x4880] =	vst v63  }
0x18: {  	_ = 	snop  }
0x19: {  	[tilespmem:s9], [sflag:$0x1] =	stream.indirect_vreg.gather [hbm4b:s3+s2], $0x80, v3, vm0, $0xb8;
	[tilespmem:$0x4880] =	vst v63  }
0x1a: {  	v3 =	vld [tilespmem:$0x10];
	_ =	sdelay $0x4  }
0x1b: {  	v60 =	vshll.u32 v3, $0x1  }
0x1c: {  	v3 =	vand.u32 $0x7, v3;
	v4 =	vand.u32 $0xFFFFFFF0, v60  }
0x1d: {  	v3 =	vor.u32 v3, v4  }
0x1e: {  	v4 =	vperm.xlane v3, v0;
	_ =	sdelay $0x1  }
0x1f: {  	v3 =	vperm.xlane v3, v2;
	v4 =	vadd.s32 v1, v4;
	_ =	sdelay $0x1  }
0x20: {  	v3 =	vadd.s32 v1, v3;
	_ =	sdelay $0x2  }
0x21: {  	[tilespmem:s10], [sflag:$0x1] =	stream.indirect_vreg.gather [hbm4b:s3+s2], $0x80, v4, vm0, $0xb8;
	[tilespmem:$0x4880] =	vst v63  }
0x22: {  	_ = 	snop  }
0x23: {  	[tilespmem:s11], [sflag:$0x1] =	stream.indirect_vreg.gather [hbm4b:s3+s2], $0x80, v3, vm0, $0xb8;
	[tilespmem:$0x4880] =	vst v63  }
0x24: {  	v3 =	vld [tilespmem:$0x20];
	_ =	sdelay $0x4  }
0x25: {  	v61 =	vshll.u32 v3, $0x1  }
0x26: {  	v3 =	vand.u32 $0x7, v3;
	v4 =	vand.u32 $0xFFFFFFF0, v61  }
0x27: {  	v3 =	vor.u32 v3, v4  }
0x28: {  	v4 =	vperm.xlane v3, v0;
	_ =	sdelay $0x1  }
0x29: {  	v3 =	vperm.xlane v3, v2;
	v4 =	vadd.s32 v1, v4;
	_ =	sdelay $0x1  }
0x2a: {  	v3 =	vadd.s32 v1, v3;
	_ =	sdelay $0x2  }
0x2b: {  	[tilespmem:s12], [sflag:$0x1] =	stream.indirect_vreg.gather [hbm4b:s3+s2], $0x80, v4, vm0, $0xb8;
	[tilespmem:$0x4880] =	vst v63  }
0x2c: {  	_ = 	snop  }
0x2d: {  	[tilespmem:s13], [sflag:$0x1] =	stream.indirect_vreg.gather [hbm4b:s3+s2], $0x80, v3, vm0, $0xb8;
	[tilespmem:$0x4880] =	vst v63  }
0x2e: {  	v3 =	vld [tilespmem:$0x30];
	_ =	sdelay $0x4  }
0x2f: {  	v62 =	vshll.u32 v3, $0x1  }
0x30: {  	v3 =	vand.u32 $0x7, v3;
	v4 =	vand.u32 $0xFFFFFFF0, v62  }
0x31: {  	v3 =	vor.u32 v3, v4  }
0x32: {  	v4 =	vperm.xlane v3, v0;
	_ =	sdelay $0x1  }
0x33: {  	v3 =	vperm.xlane v3, v2;
	v4 =	vadd.s32 v1, v4;
	_ =	sdelay $0x1  }
0x34: {  	v3 =	vadd.s32 v1, v3;
	_ =	sdelay $0x2  }
0x35: {  	[tilespmem:s14], [sflag:$0x1] =	stream.indirect_vreg.gather [hbm4b:s3+s2], $0x80, v4, vm0, $0xb8;
	[tilespmem:$0x4880] =	vst v63  }
0x36: {  	_ = 	snop  }
0x37: {  	[tilespmem:s15], [sflag:$0x1] =	stream.indirect_vreg.gather [hbm4b:s3+s2], $0x80, v3, vm0, $0xb8;
	[tilespmem:$0x4880] =	vst v63  }
0x38: {  	v3 =	vld.msk [tilespmem:$0x40], $0xff;
	_ =	sdelay $0x4  }
0x39: {  	v63 =	vshll.u32 v3, $0x1  }
0x3a: {  	v3 =	vand.u32 $0x7, v3;
	v4 =	vand.u32 $0xFFFFFFF0, v63  }
0x3b: {  	v3 =	vor.u32 v3, v4  }
0x3c: {  	v3 =	vperm.xlane v3, v0;
	_ =	sdelay $0x1  }
0x3d: {  	v3 =	vadd.s32 v1, v3;
	_ =	sdelay $0x4  }
0x3e: {  	[tilespmem:s16], [sflag:$0x1] =	stream.indirect_vreg.gather [hbm4b:s3+s2], $0x80, v3, vm0, $0xb8;
	[tilespmem:$0x4880] =	vst v63  }
0x3f: {  	_ =	swait.ge [sflag:s17], $0x4800  }
0x40: {  	p0 =	sne.s32 s6, $0x1;
	[sflag:s17] =	ssyncset.done $0x0  }
.Ltmp0:
0x41: {  	[sflag:s17] =	ssyncadd.s32 $0xFFFFB800;
	(pc) =	sbr.rel @p0 .LBB2_1-.Ltmp0, $4  }
0x42: {  	[hbm4b:s5+s2] =	stream.linear.scatter [tilespmem:s8], [sflag:$0x2], $0x4800, $0x38;
	[tilespmem:$0x4880] =	vst v63  }
0x43: {  	_ =	swait.ge [sflag:s7], $0x4800  }
0x44: {  	[sflag:s7] =	ssyncset.done $0x0  }
0x45: {  	s6 =	sadd.s32 $0xFFFFFFFF, s6;
	[sflag:s7] =	ssyncadd.s32 $0xFFFFB800  }
0x46: {  	_ =	sfence.sel $0x180000  }
0x47: {  	[bflag:$0x0] =	sbarrier.arrive $0xFFFF  }
0x48: {  	p0 =	sne.s32 s0, $0x0;
	_ =	strace $0x9000005C  }
0x49: {  	s0 =	sadd.s32 @!p0 $0x100000, s1;
	[bflag:$0x2] =	sbarrier.arrive $0xFFFF  }
0x4a: {  	[sflag:s0] =	ssyncadd.tile.s32 @!p0 $0x1;
	_ =	shalt  }
.Lfunc_end2:
_tile_overlayer_lowered:
.L_overlay_start_2:
0x4b: {  	(tag) =	ssettag $0x2  }
0x4c: {  	s0 =	rddreg [dreg:$0x0];
	s2 =	stileid.u32  }
0x4d: {  	s1 =	rddreg [dreg:$0x1];
	p0 =	sne.s32 s2, $0x0  }
0x4e: {  	s3 =	rddreg [dreg:$0x2];
	[bflag:$0x3] =	sbarrier.arrive $0xFFFF;
	s2 =	simm.s32 @!p0 $0x1C02  }
0x4f: {  	[timem:s3], [sflag:s2] =	dma.local @!p0 [hbm:s0], s1  }
0x50: {  	s0 =	simm.s32 @!p0 $0x2  }
0x51: {  	_ =	swait.ge @!p0 [sflag:s0], s1  }
0x52: {  	s1 =	ssub.s32 @!p0 $0x0, s1;
	[sflag:s0] =	ssyncset.done @!p0 $0x0  }
0x53: {  	[sflag:s0] =	ssyncadd.s32 @!p0 s1  }
0x54: {  	[bflag:$0x3] =	sbarrier.arrive $0xFFFF  }
0x55: {  	_ =	shalt  }

</sc_bundles>
